<compile_context>
chip_gen: v7x
topology: tpu7x:2x2x1
jax: 0.10.2.dev20260603
libtpu: 0.0.44.dev20260713+nightly
codegen_flags: <defaults>
</compile_context>

<pallas_src>
import dataclasses

import jax
import jax.numpy as jnp
from jax import lax
from jax.experimental import pallas as pl
from jax.experimental.pallas import tpu as pltpu
from jax.experimental.pallas import tpu_sc as plsc

N = 10000
NP = 10240
E_RAW = 320000
E_LOOP = E_RAW + N
CH = 128
NCH1 = 162
NCH2 = 81
EP = 16 * NCH1 * CH
BR = 512
RPS = NP // 16

_f32 = jnp.float32
_i32 = jnp.int32



def _dense1_body(x_ref, w_ref, asrc_ref, adst_ref, h_ref, atab_ref):
    h = jnp.dot(x_ref[...], w_ref[0], preferred_element_type=_f32)
    col = lax.broadcasted_iota(_i32, (BR, 64), 1)
    pad = jnp.where(col == 0, 1.0, 0.0).astype(_f32)
    h_ref[...] = jnp.concatenate([h, pad], axis=1)[None]
    a_s = jnp.sum(h * asrc_ref[0], axis=-1)
    a_d = jnp.sum(h * adst_ref[0], axis=-1)
    atab_ref[...] = jnp.stack([a_s, a_d], axis=0)[None]


def _dense1(xp, W1h, a_src1, a_dst1):
    return pl.pallas_call(
        _dense1_body,
        grid=(2, NP // BR),
        in_specs=[
            pl.BlockSpec((BR, 128), lambda j, i: (i, 0)),
            pl.BlockSpec((1, 128, 64), lambda j, i: (j, 0, 0)),
            pl.BlockSpec((1, 1, 64), lambda j, i: (j, 0, 0)),
            pl.BlockSpec((1, 1, 64), lambda j, i: (j, 0, 0)),
        ],
        out_specs=[
            pl.BlockSpec((1, BR, 128), lambda j, i: (j, i, 0)),
            pl.BlockSpec((1, 2, BR), lambda j, i: (j, 0, i)),
        ],
        out_shape=[
            jax.ShapeDtypeStruct((2, NP, 128), _f32),
            jax.ShapeDtypeStruct((2, 2, NP), _f32),
        ],
    )(xp, W1h, a_src1, a_dst1)


def _dense2_body(acc_ref, w2_ref, as2_ref, ad2_ref, b1_ref, h2_ref, atab2_ref):
    f0 = acc_ref[0, :, :64]
    f1 = acc_ref[1, :, :64]
    den0 = acc_ref[0, :, 64:65] + 1e-16
    den1 = acc_ref[1, :, 64:65] + 1e-16
    o = jnp.concatenate([f0 / den0, f1 / den1], axis=1)
    o = jnp.maximum(o + b1_ref[...][None, :], 0.0)
    h2 = jnp.dot(o, w2_ref[...], preferred_element_type=_f32)
    col = lax.broadcasted_iota(_i32, (BR, 64), 1)
    pad = jnp.where(col == 0, 1.0, 0.0).astype(_f32)
    h2_ref[...] = jnp.concatenate([h2, pad], axis=1)
    a_s = jnp.sum(h2 * as2_ref[...], axis=-1)
    a_d = jnp.sum(h2 * ad2_ref[...], axis=-1)
    atab2_ref[...] = jnp.stack([a_s, a_d], axis=0)


def _dense2(acc1, W2, a_src2, a_dst2, b1):
    return pl.pallas_call(
        _dense2_body,
        grid=(NP // BR,),
        in_specs=[
            pl.BlockSpec((2, BR, 128), lambda i: (0, i, 0)),
            pl.BlockSpec((128, 64), lambda i: (0, 0)),
            pl.BlockSpec((1, 64), lambda i: (0, 0)),
            pl.BlockSpec((1, 64), lambda i: (0, 0)),
            pl.BlockSpec((128,), lambda i: (0,)),
        ],
        out_specs=[
            pl.BlockSpec((BR, 128), lambda i: (i, 0)),
            pl.BlockSpec((2, BR), lambda i: (0, i)),
        ],
        out_shape=[
            jax.ShapeDtypeStruct((NP, 128), _f32),
            jax.ShapeDtypeStruct((2, NP), _f32),
        ],
    )(acc1, W2, a_src2, a_dst2, b1)


def _final_body(acc_ref, b2_ref, out_ref):
    acc = acc_ref[0] + acc_ref[1]
    den = acc[:, 64:65] + 1e-16
    out_ref[...] = acc[:, :64] / den + b2_ref[...][None, :]


def _final(acc2, b2):
    return pl.pallas_call(
        _final_body,
        grid=(NP // BR,),
        in_specs=[
            pl.BlockSpec((2, BR, 128), lambda i: (0, i, 0)),
            pl.BlockSpec((64,), lambda i: (0,)),
        ],
        out_specs=pl.BlockSpec((BR, 64), lambda i: (i, 0)),
        out_shape=jax.ShapeDtypeStruct((NP, 64), _f32),
    )(acc2, b2)



def _vmax_scalar(ref):
    def step(i, m):
        return jnp.maximum(m, ref[pl.ds(i * 16, 16)])
    m = lax.fori_loop(0, NP // 16, step, jnp.full((16,), -jnp.inf, _f32))
    return jnp.max(m)


def _leaky(v):
    return jnp.maximum(v, 0.2 * v)


def _zero_acc(rows, acc_sh, sid):
    zero = jnp.zeros((16,), _f32)

    @plsc.parallel_loop(0, CH, unroll=8)
    def _(r):
        for q in range(8):
            rows[r, pl.ds(q * 16, 16)] = zero

    for j in range(RPS // CH):
        pltpu.sync_copy(rows, acc_sh.at[pl.ds(sid * RPS + j * CH, CH)])
    plsc.subcore_barrier()


def _edge_chunks(nch, sd_hbm, w, sd, asrc, adst, exb, rows, acc_sh,
                 h_hbm, c_ub, tab_off, sem):

    @pl.loop(0, nch)
    def _(c):
        pltpu.sync_copy(sd_hbm.at[w, c], sd)
        gat = pltpu.async_copy(h_hbm.at[sd.at[0]], rows, sem)

        @plsc.parallel_loop(0, CH // 16, unroll=2)
        def _(g):
            sv = sd[0, pl.ds(g * 16, 16)]
            dv = sd[1, pl.ds(g * 16, 16)]
            a_s = plsc.load_gather(asrc, [sv - tab_off])
            a_d = plsc.load_gather(adst, [dv])
            exb[pl.ds(g * 16, 16)] = jnp.exp(_leaky(a_s + a_d) - c_ub)

        gat.wait()

        @plsc.parallel_loop(0, CH, unroll=8)
        def _(k):
            kv = jnp.full((16,), k, _i32)
            b = plsc.load_gather(exb, [kv])
            for q in range(5):
                rows[k, pl.ds(q * 16, 16)] = rows[k, pl.ds(q * 16, 16)] * b

        pltpu.sync_copy(rows, acc_sh.at[sd.at[1]], add=True)


def _scratch():
    return [
        pltpu.VMEM((2, CH), _i32),
        pltpu.VMEM((NP,), _f32),
        pltpu.VMEM((NP,), _f32),
        pltpu.VMEM((CH,), _f32),
        pltpu.VMEM((CH, 128), _f32),
        pltpu.VMEM_SHARED((NP, 128), _f32),
        pltpu.SemaphoreType.DMA,
    ]


def _edge1_body(sd_hbm, atab_hbm, h_hbm, acc_hbm,
                sd, asrc, adst, exb, rows, acc_sh, sem):
    cid = lax.axis_index("c")
    sid = lax.axis_index("s")

    _zero_acc(rows, acc_sh, sid)

    pltpu.sync_copy(atab_hbm.at[2 * cid], asrc)
    pltpu.sync_copy(atab_hbm.at[2 * cid + 1], adst)

    c_ub = _leaky(_vmax_scalar(asrc) + _vmax_scalar(adst))
    tab_off = jnp.full((16,), cid * NP, _i32)

    _edge_chunks(NCH1, sd_hbm, cid * 16 + sid, sd, asrc, adst, exb, rows,
                 acc_sh, h_hbm, c_ub, tab_off, sem)

    plsc.subcore_barrier()
    pltpu.sync_copy(acc_sh.at[pl.ds(sid * RPS, RPS)],
                    acc_hbm.at[cid, pl.ds(sid * RPS, RPS)])


def _edge2_body(sd_hbm, atab_hbm, h_hbm, acc_hbm,
                sd, asrc, adst, exb, rows, acc_sh, sem):
    cid = lax.axis_index("c")
    sid = lax.axis_index("s")
    wid = sid * 2 + cid

    _zero_acc(rows, acc_sh, sid)

    pltpu.sync_copy(atab_hbm.at[0], asrc)
    pltpu.sync_copy(atab_hbm.at[1], adst)

    c_ub = _leaky(_vmax_scalar(asrc) + _vmax_scalar(adst))

    _edge_chunks(NCH2, sd_hbm, wid, sd, asrc, adst, exb, rows, acc_sh,
                 h_hbm, c_ub, 0, sem)

    plsc.subcore_barrier()
    pltpu.sync_copy(acc_sh.at[pl.ds(sid * RPS, RPS)],
                    acc_hbm.at[cid, pl.ds(sid * RPS, RPS)])


def _make_edge_kernel(body):
    mesh = plsc.VectorSubcoreMesh(core_axis_name="c", subcore_axis_name="s")
    cp = pltpu.CompilerParams()
    if "needs_layout_passes" in pltpu.CompilerParams.__dataclass_fields__:
        cp = dataclasses.replace(cp, needs_layout_passes=False)
    return pl.kernel(
        body,
        out_type=jax.ShapeDtypeStruct((2, NP, 128), _f32),
        mesh=mesh,
        scratch_types=_scratch(),
        compiler_params=cp,
    )



@jax.jit
def kernel(x, edge_index, W1, a_src1, a_dst1, b1, W2, a_src2, a_dst2, b2):
    xp = jnp.concatenate([x, jnp.zeros((NP - N, 128), _f32)])
    loop = jnp.arange(N, dtype=_i32)
    pad = EP - E_LOOP
    padv = N + (jnp.arange(pad, dtype=_i32) % 32)
    src = jnp.concatenate([edge_index[0], loop, padv])
    dst = jnp.concatenate([edge_index[1], loop, padv])
    src16 = src.reshape(16, NCH1, CH)
    dst16 = dst.reshape(16, NCH1, CH)
    sd1 = jnp.stack([jnp.stack([src16, dst16], axis=2),
                     jnp.stack([src16 + NP, dst16], axis=2)],
                    axis=0).reshape(32, NCH1, 2, CH)
    sd32 = jnp.stack([src.reshape(32, NCH2, CH),
                      dst.reshape(32, NCH2, CH)], axis=2)

    W1h = W1.reshape(128, 2, 64).transpose(1, 0, 2)
    h1, atab1 = _dense1(xp, W1h, a_src1[:, None, :], a_dst1[:, None, :])
    h1f = h1.reshape(2 * NP, 128)
    atab1f = atab1.reshape(4, NP)
    acc1 = _make_edge_kernel(_edge1_body)(sd1, atab1f, h1f)
    h2, atab2 = _dense2(acc1, W2, a_src2, a_dst2, b1)

    acc2 = _make_edge_kernel(_edge2_body)(sd32, atab2, h2)
    out = _final(acc2, b2)
    return out[:N]

# --- scband reference (transcript-rebuilt; emitter-appended) ---
"""Pipeline reference for scband-gat-9912784519853 (READ-ONLY COPY).

The authoritative reference and input builder live on the scoring server;
editing this copy changes nothing except your own understanding.
"""

import jax, jax.numpy as jnp
import numpy as np


def gat_conv(x, edge_index, W, a_src, a_dst, b, heads, out_ch):
    N = x.shape[0]
    # PyG GATConv default: add self loops
    loop = jnp.arange(N, dtype=edge_index.dtype)
    src = jnp.concatenate([edge_index[0], loop])
    dst = jnp.concatenate([edge_index[1], loop])
    # linear projection into heads
    h = (x @ W).reshape(N, heads, out_ch)
    # per-node attention logits
    alpha_src = jnp.sum(h * a_src[None], axis=-1)  # [N, heads]
    alpha_dst = jnp.sum(h * a_dst[None], axis=-1)  # [N, heads]
    e = alpha_src[src] + alpha_dst[dst]            # [E, heads]
    e = jnp.where(e > 0, e, 0.2 * e)               # leaky_relu(0.2)
    # softmax over incoming edges of each dst node
    emax = jax.ops.segment_max(e, dst, num_segments=N)
    ex = jnp.exp(e - emax[dst])
    denom = jax.ops.segment_sum(ex, dst, num_segments=N)
    alpha = ex / (denom[dst] + 1e-16)              # [E, heads]
    # message passing: scatter-add weighted source features
    msg = h[src] * alpha[:, :, None]               # [E, heads, out_ch]
    out = jax.ops.segment_sum(msg, dst, num_segments=N)  # [N, heads, out_ch]
    return out.reshape(N, heads * out_ch) + b


def setup_inputs(seed: int = 0):
    key = jax.random.key(seed)
    ks = jax.random.split(key, 12)
    N, D, E, HID = 10000, 128, 320000, 64
    x = jax.random.normal(ks[0], (N, D), dtype=jnp.float32)
    edge_index = jax.random.randint(ks[1], (2, E), 0, N, dtype=jnp.int32)
    s = 0.1
    # layer 1: heads=2, out=64, concat -> 128
    W1 = jax.random.normal(ks[2], (D, 2 * HID), dtype=jnp.float32) * s
    a_src1 = jax.random.normal(ks[3], (2, HID), dtype=jnp.float32) * s
    a_dst1 = jax.random.normal(ks[4], (2, HID), dtype=jnp.float32) * s
    b1 = jnp.zeros((2 * HID,), dtype=jnp.float32)
    # layer 2: heads=1, out=64
    W2 = jax.random.normal(ks[5], (2 * HID, HID), dtype=jnp.float32) * s
    a_src2 = jax.random.normal(ks[6], (1, HID), dtype=jnp.float32) * s
    a_dst2 = jax.random.normal(ks[7], (1, HID), dtype=jnp.float32) * s
    b2 = jnp.zeros((HID,), dtype=jnp.float32)
    return {"x": x, "edge_index": edge_index, "W1": W1, "a_src1": a_src1,
            "a_dst1": a_dst1, "b1": b1, "W2": W2, "a_src2": a_src2,
            "a_dst2": a_dst2, "b2": b2}


def reference(x, edge_index, W1, a_src1, a_dst1, b1, W2, a_src2, a_dst2, b2):
    h = gat_conv(x, edge_index, W1, a_src1, a_dst1, b1, heads=2, out_ch=64)
    h = jax.nn.relu(h)
    out = gat_conv(h, edge_index, W2, a_src2, a_dst2, b2, heads=1, out_ch=64)
    return out

if __name__ == "__main__":
    import jax
    _d = setup_inputs()
    print(jax.jit(kernel)(*tuple(_d.values())))

</pallas_src>

<mosaic_0001>
#map = affine_map<(d0, d1) -> (0, 0, 0, 0)>
#map1 = affine_map<(d0, d1) -> (0, 0)>
#map2 = affine_map<(d0, d1) -> (0, 0, 0)>
module attributes {stable_mosaic.version = 14 : i64} {
  func.func @_edge2_body(%arg0: i32, %arg1: i32, %arg2: memref<32x81x2x128xi32, #tpu.memory_space<hbm>>, %arg3: memref<2x10240xf32, #tpu.memory_space<hbm>>, %arg4: memref<10240x128xf32, #tpu.memory_space<hbm>>, %arg5: memref<2x10240x128xf32, #tpu.memory_space<hbm>>, %arg6: memref<2x128xi32, #tpu.memory_space<vmem>>, %arg7: memref<10240xf32, #tpu.memory_space<vmem>>, %arg8: memref<10240xf32, #tpu.memory_space<vmem>>, %arg9: memref<128xf32, #tpu.memory_space<vmem>>, %arg10: memref<128x128xf32, #tpu.memory_space<vmem>>, %arg11: memref<10240x128xf32, #tpu.memory_space<vmem_shared>>, %arg12: memref<!tpu.dma_semaphore, #tpu.memory_space<semaphore_mem>>) attributes {dimension_semantics = [#tpu.dimension_semantics<core_parallel>, #tpu.dimension_semantics<subcore_parallel>], iteration_bounds = array<i64: 2, 16>, scalar_prefetch = 0 : i64, scratch_operands = 7 : i64, tpu.core_type = #tpu.core_type<sc_vector_subcore>, window_params = [{transform_indices = #map}, {transform_indices = #map1}, {transform_indices = #map1}, {transform_indices = #map2}]} {
    %mul3A = arith.constant 2 : i32
    %mul3A_0 = arith.muli %arg1, %mul3A : i32
    %add3A = arith.addi %mul3A_0, %arg0 : i32
    %broadcast_in_dim3A = arith.constant 0.000000e+00 : f32
    %broadcast_in_dim3A_1 = vector.broadcast %broadcast_in_dim3A : f32 to vector<16xf32>
    %parallel_loop3A = arith.constant 0 : i32
    %parallel_loop3A_2 = arith.constant 128 : i32
    %parallel_loop3A_3 = arith.constant 1 : i32
    scf.for %parallel_loop3A_60 = %parallel_loop3A to %parallel_loop3A_2 step %parallel_loop3A_3  : i32 {
      %parallel_loop3A_61 = arith.index_cast %parallel_loop3A_60 : i32 to index
      %parallel_loop3A_62 = arith.constant 0 : index
      %parallel_loop3A_63 = tpu.vector_load %arg10[%parallel_loop3A_61, %parallel_loop3A_62] {strides = array<i32>} : memref<128x128xf32, #tpu.memory_space<vmem>>, vector<16xf32>,
      tpu.vector_store %arg10[%parallel_loop3A_61, %parallel_loop3A_62], %broadcast_in_dim3A_1 {strides = array<i32>} : memref<128x128xf32, #tpu.memory_space<vmem>>, vector<16xf32>,
      %parallel_loop3A_64 = arith.index_cast %parallel_loop3A_60 : i32 to index
      %parallel_loop3A_65 = arith.constant 16 : index
      %parallel_loop3A_66 = tpu.vector_load %arg10[%parallel_loop3A_64, %parallel_loop3A_65] {strides = array<i32>} : memref<128x128xf32, #tpu.memory_space<vmem>>, vector<16xf32>,
      tpu.vector_store %arg10[%parallel_loop3A_64, %parallel_loop3A_65], %broadcast_in_dim3A_1 {strides = array<i32>} : memref<128x128xf32, #tpu.memory_space<vmem>>, vector<16xf32>,
      %parallel_loop3A_67 = arith.index_cast %parallel_loop3A_60 : i32 to index
      %parallel_loop3A_68 = arith.constant 32 : index
      %parallel_loop3A_69 = tpu.vector_load %arg10[%parallel_loop3A_67, %parallel_loop3A_68] {strides = array<i32>} : memref<128x128xf32, #tpu.memory_space<vmem>>, vector<16xf32>,
      tpu.vector_store %arg10[%parallel_loop3A_67, %parallel_loop3A_68], %broadcast_in_dim3A_1 {strides = array<i32>} : memref<128x128xf32, #tpu.memory_space<vmem>>, vector<16xf32>,
      %parallel_loop3A_70 = arith.index_cast %parallel_loop3A_60 : i32 to index
      %parallel_loop3A_71 = arith.constant 48 : index
      %parallel_loop3A_72 = tpu.vector_load %arg10[%parallel_loop3A_70, %parallel_loop3A_71] {strides = array<i32>} : memref<128x128xf32, #tpu.memory_space<vmem>>, vector<16xf32>,
      tpu.vector_store %arg10[%parallel_loop3A_70, %parallel_loop3A_71], %broadcast_in_dim3A_1 {strides = array<i32>} : memref<128x128xf32, #tpu.memory_space<vmem>>, vector<16xf32>,
      %parallel_loop3A_73 = arith.index_cast %parallel_loop3A_60 : i32 to index
      %parallel_loop3A_74 = arith.constant 64 : index
      %parallel_loop3A_75 = tpu.vector_load %arg10[%parallel_loop3A_73, %parallel_loop3A_74] {strides = array<i32>} : memref<128x128xf32, #tpu.memory_space<vmem>>, vector<16xf32>,
      tpu.vector_store %arg10[%parallel_loop3A_73, %parallel_loop3A_74], %broadcast_in_dim3A_1 {strides = array<i32>} : memref<128x128xf32, #tpu.memory_space<vmem>>, vector<16xf32>,
      %parallel_loop3A_76 = arith.index_cast %parallel_loop3A_60 : i32 to index
      %parallel_loop3A_77 = arith.constant 80 : index
      %parallel_loop3A_78 = tpu.vector_load %arg10[%parallel_loop3A_76, %parallel_loop3A_77] {strides = array<i32>} : memref<128x128xf32, #tpu.memory_space<vmem>>, vector<16xf32>,
      tpu.vector_store %arg10[%parallel_loop3A_76, %parallel_loop3A_77], %broadcast_in_dim3A_1 {strides = array<i32>} : memref<128x128xf32, #tpu.memory_space<vmem>>, vector<16xf32>,
      %parallel_loop3A_79 = arith.index_cast %parallel_loop3A_60 : i32 to index
      %parallel_loop3A_80 = arith.constant 96 : index
      %parallel_loop3A_81 = tpu.vector_load %arg10[%parallel_loop3A_79, %parallel_loop3A_80] {strides = array<i32>} : memref<128x128xf32, #tpu.memory_space<vmem>>, vector<16xf32>,
      tpu.vector_store %arg10[%parallel_loop3A_79, %parallel_loop3A_80], %broadcast_in_dim3A_1 {strides = array<i32>} : memref<128x128xf32, #tpu.memory_space<vmem>>, vector<16xf32>,
      %parallel_loop3A_82 = arith.index_cast %parallel_loop3A_60 : i32 to index
      %parallel_loop3A_83 = arith.constant 112 : index
      %parallel_loop3A_84 = tpu.vector_load %arg10[%parallel_loop3A_82, %parallel_loop3A_83] {strides = array<i32>} : memref<128x128xf32, #tpu.memory_space<vmem>>, vector<16xf32>,
      tpu.vector_store %arg10[%parallel_loop3A_82, %parallel_loop3A_83], %broadcast_in_dim3A_1 {strides = array<i32>} : memref<128x128xf32, #tpu.memory_space<vmem>>, vector<16xf32>,
    } {sc.loop_unroll_factor = 8 : i64, sc.parallel_access}
    %mul3A_4 = arith.constant 640 : i32
    %mul3A_5 = arith.muli %arg1, %mul3A_4 : i32
    %add3A_6 = arith.constant 0 : i32
    %add3A_7 = arith.addi %mul3A_5, %add3A_6 : i32
    "tpu.region"() ({
      %run_scoped3A_60 = tpu.sem_alloc : memref<!tpu.dma_semaphore, #tpu.memory_space<semaphore_mem>>
      %dma_start3A = arith.constant 0 : i32
      %dma_start3A_61 = tpu.memref_slice %arg11[%add3A_7, %dma_start3A] : memref<10240x128xf32, #tpu.memory_space<vmem_shared>> -> memref<128x128xf32, #tpu.memory_space<vmem_shared>>
      %dma_start3A_62 = arith.constant 0 : i32
      %dma_start3A_63 = tpu.memref_slice %arg11[%add3A_7, %dma_start3A_62] : memref<10240x128xf32, #tpu.memory_space<vmem_shared>> -> memref<128x128xf32, #tpu.memory_space<vmem_shared>>
      tpu.enqueue_dma source(%arg10 : memref<128x128xf32, #tpu.memory_space<vmem>>) target(%dma_start3A_63 : memref<128x128xf32, #tpu.memory_space<vmem_shared>>) target_semaphore(%run_scoped3A_60 : memref<!tpu.dma_semaphore, #tpu.memory_space<semaphore_mem>>)
      %dma_wait3A = arith.constant 0 : i32
      %dma_wait3A_64 = tpu.memref_slice %arg11[%add3A_7, %dma_wait3A] : memref<10240x128xf32, #tpu.memory_space<vmem_shared>> -> memref<128x128xf32, #tpu.memory_space<vmem_shared>>
      %dma_wait3A_65 = arith.constant 0 : i32
      %dma_wait3A_66 = tpu.memref_slice %arg11[%add3A_7, %dma_wait3A_65] : memref<10240x128xf32, #tpu.memory_space<vmem_shared>> -> memref<128x128xf32, #tpu.memory_space<vmem_shared>>
      tpu.wait_dma2 semaphore(%run_scoped3A_60 : memref<!tpu.dma_semaphore, #tpu.memory_space<semaphore_mem>>) src(%arg10 : memref<128x128xf32, #tpu.memory_space<vmem>>) dst(%dma_wait3A_66 : memref<128x128xf32, #tpu.memory_space<vmem_shared>>)
      tpu.yield
    }) : () -> ()
    %mul3A_8 = arith.constant 640 : i32
    %mul3A_9 = arith.muli %arg1, %mul3A_8 : i32
    %add3A_10 = arith.constant 128 : i32
    %add3A_11 = arith.addi %mul3A_9, %add3A_10 : i32
    "tpu.region"() ({
      %run_scoped3A_60 = tpu.sem_alloc : memref<!tpu.dma_semaphore, #tpu.memory_space<semaphore_mem>>
      %dma_start3A = arith.constant 0 : i32
      %dma_start3A_61 = tpu.memref_slice %arg11[%add3A_11, %dma_start3A] : memref<10240x128xf32, #tpu.memory_space<vmem_shared>> -> memref<128x128xf32, #tpu.memory_space<vmem_shared>>
      %dma_start3A_62 = arith.constant 0 : i32
      %dma_start3A_63 = tpu.memref_slice %arg11[%add3A_11, %dma_start3A_62] : memref<10240x128xf32, #tpu.memory_space<vmem_shared>> -> memref<128x128xf32, #tpu.memory_space<vmem_shared>>
      tpu.enqueue_dma source(%arg10 : memref<128x128xf32, #tpu.memory_space<vmem>>) target(%dma_start3A_63 : memref<128x128xf32, #tpu.memory_space<vmem_shared>>) target_semaphore(%run_scoped3A_60 : memref<!tpu.dma_semaphore, #tpu.memory_space<semaphore_mem>>)
      %dma_wait3A = arith.constant 0 : i32
      %dma_wait3A_64 = tpu.memref_slice %arg11[%add3A_11, %dma_wait3A] : memref<10240x128xf32, #tpu.memory_space<vmem_shared>> -> memref<128x128xf32, #tpu.memory_space<vmem_shared>>
      %dma_wait3A_65 = arith.constant 0 : i32
      %dma_wait3A_66 = tpu.memref_slice %arg11[%add3A_11, %dma_wait3A_65] : memref<10240x128xf32, #tpu.memory_space<vmem_shared>> -> memref<128x128xf32, #tpu.memory_space<vmem_shared>>
      tpu.wait_dma2 semaphore(%run_scoped3A_60 : memref<!tpu.dma_semaphore, #tpu.memory_space<semaphore_mem>>) src(%arg10 : memref<128x128xf32, #tpu.memory_space<vmem>>) dst(%dma_wait3A_66 : memref<128x128xf32, #tpu.memory_space<vmem_shared>>)
      tpu.yield
    }) : () -> ()
    %mul3A_12 = arith.constant 640 : i32
    %mul3A_13 = arith.muli %arg1, %mul3A_12 : i32
    %add3A_14 = arith.constant 256 : i32
    %add3A_15 = arith.addi %mul3A_13, %add3A_14 : i32
    "tpu.region"() ({
      %run_scoped3A_60 = tpu.sem_alloc : memref<!tpu.dma_semaphore, #tpu.memory_space<semaphore_mem>>
      %dma_start3A = arith.constant 0 : i32
      %dma_start3A_61 = tpu.memref_slice %arg11[%add3A_15, %dma_start3A] : memref<10240x128xf32, #tpu.memory_space<vmem_shared>> -> memref<128x128xf32, #tpu.memory_space<vmem_shared>>
      %dma_start3A_62 = arith.constant 0 : i32
      %dma_start3A_63 = tpu.memref_slice %arg11[%add3A_15, %dma_start3A_62] : memref<10240x128xf32, #tpu.memory_space<vmem_shared>> -> memref<128x128xf32, #tpu.memory_space<vmem_shared>>
      tpu.enqueue_dma source(%arg10 : memref<128x128xf32, #tpu.memory_space<vmem>>) target(%dma_start3A_63 : memref<128x128xf32, #tpu.memory_space<vmem_shared>>) target_semaphore(%run_scoped3A_60 : memref<!tpu.dma_semaphore, #tpu.memory_space<semaphore_mem>>)
      %dma_wait3A = arith.constant 0 : i32
      %dma_wait3A_64 = tpu.memref_slice %arg11[%add3A_15, %dma_wait3A] : memref<10240x128xf32, #tpu.memory_space<vmem_shared>> -> memref<128x128xf32, #tpu.memory_space<vmem_shared>>
      %dma_wait3A_65 = arith.constant 0 : i32
      %dma_wait3A_66 = tpu.memref_slice %arg11[%add3A_15, %dma_wait3A_65] : memref<10240x128xf32, #tpu.memory_space<vmem_shared>> -> memref<128x128xf32, #tpu.memory_space<vmem_shared>>
      tpu.wait_dma2 semaphore(%run_scoped3A_60 : memref<!tpu.dma_semaphore, #tpu.memory_space<semaphore_mem>>) src(%arg10 : memref<128x128xf32, #tpu.memory_space<vmem>>) dst(%dma_wait3A_66 : memref<128x128xf32, #tpu.memory_space<vmem_shared>>)
      tpu.yield
    }) : () -> ()
    %mul3A_16 = arith.constant 640 : i32
    %mul3A_17 = arith.muli %arg1, %mul3A_16 : i32
    %add3A_18 = arith.constant 384 : i32
    %add3A_19 = arith.addi %mul3A_17, %add3A_18 : i32
    "tpu.region"() ({
      %run_scoped3A_60 = tpu.sem_alloc : memref<!tpu.dma_semaphore, #tpu.memory_space<semaphore_mem>>
      %dma_start3A = arith.constant 0 : i32
      %dma_start3A_61 = tpu.memref_slice %arg11[%add3A_19, %dma_start3A] : memref<10240x128xf32, #tpu.memory_space<vmem_shared>> -> memref<128x128xf32, #tpu.memory_space<vmem_shared>>
      %dma_start3A_62 = arith.constant 0 : i32
      %dma_start3A_63 = tpu.memref_slice %arg11[%add3A_19, %dma_start3A_62] : memref<10240x128xf32, #tpu.memory_space<vmem_shared>> -> memref<128x128xf32, #tpu.memory_space<vmem_shared>>
      tpu.enqueue_dma source(%arg10 : memref<128x128xf32, #tpu.memory_space<vmem>>) target(%dma_start3A_63 : memref<128x128xf32, #tpu.memory_space<vmem_shared>>) target_semaphore(%run_scoped3A_60 : memref<!tpu.dma_semaphore, #tpu.memory_space<semaphore_mem>>)
      %dma_wait3A = arith.constant 0 : i32
      %dma_wait3A_64 = tpu.memref_slice %arg11[%add3A_19, %dma_wait3A] : memref<10240x128xf32, #tpu.memory_space<vmem_shared>> -> memref<128x128xf32, #tpu.memory_space<vmem_shared>>
      %dma_wait3A_65 = arith.constant 0 : i32
      %dma_wait3A_66 = tpu.memref_slice %arg11[%add3A_19, %dma_wait3A_65] : memref<10240x128xf32, #tpu.memory_space<vmem_shared>> -> memref<128x128xf32, #tpu.memory_space<vmem_shared>>
      tpu.wait_dma2 semaphore(%run_scoped3A_60 : memref<!tpu.dma_semaphore, #tpu.memory_space<semaphore_mem>>) src(%arg10 : memref<128x128xf32, #tpu.memory_space<vmem>>) dst(%dma_wait3A_66 : memref<128x128xf32, #tpu.memory_space<vmem_shared>>)
      tpu.yield
    }) : () -> ()
    %mul3A_20 = arith.constant 640 : i32
    %mul3A_21 = arith.muli %arg1, %mul3A_20 : i32
    %add3A_22 = arith.constant 512 : i32
    %add3A_23 = arith.addi %mul3A_21, %add3A_22 : i32
    "tpu.region"() ({
      %run_scoped3A_60 = tpu.sem_alloc : memref<!tpu.dma_semaphore, #tpu.memory_space<semaphore_mem>>
      %dma_start3A = arith.constant 0 : i32
      %dma_start3A_61 = tpu.memref_slice %arg11[%add3A_23, %dma_start3A] : memref<10240x128xf32, #tpu.memory_space<vmem_shared>> -> memref<128x128xf32, #tpu.memory_space<vmem_shared>>
      %dma_start3A_62 = arith.constant 0 : i32
      %dma_start3A_63 = tpu.memref_slice %arg11[%add3A_23, %dma_start3A_62] : memref<10240x128xf32, #tpu.memory_space<vmem_shared>> -> memref<128x128xf32, #tpu.memory_space<vmem_shared>>
      tpu.enqueue_dma source(%arg10 : memref<128x128xf32, #tpu.memory_space<vmem>>) target(%dma_start3A_63 : memref<128x128xf32, #tpu.memory_space<vmem_shared>>) target_semaphore(%run_scoped3A_60 : memref<!tpu.dma_semaphore, #tpu.memory_space<semaphore_mem>>)
      %dma_wait3A = arith.constant 0 : i32
      %dma_wait3A_64 = tpu.memref_slice %arg11[%add3A_23, %dma_wait3A] : memref<10240x128xf32, #tpu.memory_space<vmem_shared>> -> memref<128x128xf32, #tpu.memory_space<vmem_shared>>
      %dma_wait3A_65 = arith.constant 0 : i32
      %dma_wait3A_66 = tpu.memref_slice %arg11[%add3A_23, %dma_wait3A_65] : memref<10240x128xf32, #tpu.memory_space<vmem_shared>> -> memref<128x128xf32, #tpu.memory_space<vmem_shared>>
      tpu.wait_dma2 semaphore(%run_scoped3A_60 : memref<!tpu.dma_semaphore, #tpu.memory_space<semaphore_mem>>) src(%arg10 : memref<128x128xf32, #tpu.memory_space<vmem>>) dst(%dma_wait3A_66 : memref<128x128xf32, #tpu.memory_space<vmem_shared>>)
      tpu.yield
    }) : () -> ()
    %barrier3A = arith.constant 0 : index
    tpu.barrier barrier_id(%barrier3A)
    %run_scoped3A = arith.constant 0 : i32
    "tpu.region"() ({
      %run_scoped3A_60 = tpu.sem_alloc : memref<!tpu.dma_semaphore, #tpu.memory_space<semaphore_mem>>
      %dma_start3A = arith.constant 0 : i32
      %dma_start3A_61 = tpu.memref_slice %arg3[%run_scoped3A, %dma_start3A] : memref<2x10240xf32, #tpu.memory_space<hbm>> -> memref<1x10240xf32, #tpu.memory_space<hbm>>
      %dma_start3A_62 = tpu.memref_squeeze %dma_start3A_61 : memref<1x10240xf32, #tpu.memory_space<hbm>> -> memref<10240xf32, #tpu.memory_space<hbm>>
      %dma_start3A_63 = arith.constant 0 : i32
      %dma_start3A_64 = tpu.memref_slice %arg3[%run_scoped3A, %dma_start3A_63] : memref<2x10240xf32, #tpu.memory_space<hbm>> -> memref<1x10240xf32, #tpu.memory_space<hbm>>
      %dma_start3A_65 = tpu.memref_squeeze %dma_start3A_64 : memref<1x10240xf32, #tpu.memory_space<hbm>> -> memref<10240xf32, #tpu.memory_space<hbm>>
      tpu.enqueue_dma source(%dma_start3A_65 : memref<10240xf32, #tpu.memory_space<hbm>>) target(%arg7 : memref<10240xf32, #tpu.memory_space<vmem>>) target_semaphore(%run_scoped3A_60 : memref<!tpu.dma_semaphore, #tpu.memory_space<semaphore_mem>>)
      %dma_wait3A = arith.constant 0 : i32
      %dma_wait3A_66 = tpu.memref_slice %arg3[%run_scoped3A, %dma_wait3A] : memref<2x10240xf32, #tpu.memory_space<hbm>> -> memref<1x10240xf32, #tpu.memory_space<hbm>>
      %dma_wait3A_67 = tpu.memref_squeeze %dma_wait3A_66 : memref<1x10240xf32, #tpu.memory_space<hbm>> -> memref<10240xf32, #tpu.memory_space<hbm>>
      %dma_wait3A_68 = arith.constant 0 : i32
      %dma_wait3A_69 = tpu.memref_slice %arg3[%run_scoped3A, %dma_wait3A_68] : memref<2x10240xf32, #tpu.memory_space<hbm>> -> memref<1x10240xf32, #tpu.memory_space<hbm>>
      %dma_wait3A_70 = tpu.memref_squeeze %dma_wait3A_69 : memref<1x10240xf32, #tpu.memory_space<hbm>> -> memref<10240xf32, #tpu.memory_space<hbm>>
      tpu.wait_dma2 semaphore(%run_scoped3A_60 : memref<!tpu.dma_semaphore, #tpu.memory_space<semaphore_mem>>) src(%dma_wait3A_70 : memref<10240xf32, #tpu.memory_space<hbm>>) dst(%arg7 : memref<10240xf32, #tpu.memory_space<vmem>>)
      tpu.yield
    }) : () -> ()
    %run_scoped3A_24 = arith.constant 1 : i32
    "tpu.region"() ({
      %run_scoped3A_60 = tpu.sem_alloc : memref<!tpu.dma_semaphore, #tpu.memory_space<semaphore_mem>>
      %dma_start3A = arith.constant 0 : i32
      %dma_start3A_61 = tpu.memref_slice %arg3[%run_scoped3A_24, %dma_start3A] : memref<2x10240xf32, #tpu.memory_space<hbm>> -> memref<1x10240xf32, #tpu.memory_space<hbm>>
      %dma_start3A_62 = tpu.memref_squeeze %dma_start3A_61 : memref<1x10240xf32, #tpu.memory_space<hbm>> -> memref<10240xf32, #tpu.memory_space<hbm>>
      %dma_start3A_63 = arith.constant 0 : i32
      %dma_start3A_64 = tpu.memref_slice %arg3[%run_scoped3A_24, %dma_start3A_63] : memref<2x10240xf32, #tpu.memory_space<hbm>> -> memref<1x10240xf32, #tpu.memory_space<hbm>>
      %dma_start3A_65 = tpu.memref_squeeze %dma_start3A_64 : memref<1x10240xf32, #tpu.memory_space<hbm>> -> memref<10240xf32, #tpu.memory_space<hbm>>
      tpu.enqueue_dma source(%dma_start3A_65 : memref<10240xf32, #tpu.memory_space<hbm>>) target(%arg8 : memref<10240xf32, #tpu.memory_space<vmem>>) target_semaphore(%run_scoped3A_60 : memref<!tpu.dma_semaphore, #tpu.memory_space<semaphore_mem>>)
      %dma_wait3A = arith.constant 0 : i32
      %dma_wait3A_66 = tpu.memref_slice %arg3[%run_scoped3A_24, %dma_wait3A] : memref<2x10240xf32, #tpu.memory_space<hbm>> -> memref<1x10240xf32, #tpu.memory_space<hbm>>
      %dma_wait3A_67 = tpu.memref_squeeze %dma_wait3A_66 : memref<1x10240xf32, #tpu.memory_space<hbm>> -> memref<10240xf32, #tpu.memory_space<hbm>>
      %dma_wait3A_68 = arith.constant 0 : i32
      %dma_wait3A_69 = tpu.memref_slice %arg3[%run_scoped3A_24, %dma_wait3A_68] : memref<2x10240xf32, #tpu.memory_space<hbm>> -> memref<1x10240xf32, #tpu.memory_space<hbm>>
      %dma_wait3A_70 = tpu.memref_squeeze %dma_wait3A_69 : memref<1x10240xf32, #tpu.memory_space<hbm>> -> memref<10240xf32, #tpu.memory_space<hbm>>
      tpu.wait_dma2 semaphore(%run_scoped3A_60 : memref<!tpu.dma_semaphore, #tpu.memory_space<semaphore_mem>>) src(%dma_wait3A_70 : memref<10240xf32, #tpu.memory_space<hbm>>) dst(%arg8 : memref<10240xf32, #tpu.memory_space<vmem>>)
      tpu.yield
    }) : () -> ()
    %broadcast_in_dim3A_25 = arith.constant 0xFF800000 : f32
    %broadcast_in_dim3A_26 = vector.broadcast %broadcast_in_dim3A_25 : f32 to vector<16xf32>
    %scan3A = arith.constant 0 : i32
    %scan3A_27 = arith.constant 640 : i32
    %scan3A_28 = arith.addi %scan3A, %scan3A_27 : i32
    %scan3A_29 = arith.constant 1 : i32
    %scan3A_30 = scf.for %scan3A_60 = %scan3A to %scan3A_28 step %scan3A_29 iter_args(%scan3A_61 = %broadcast_in_dim3A_26) -> (vector<16xf32>)  : i32 {
      %mul3A_62 = arith.constant 16 : i32
      %mul3A_63 = arith.muli %scan3A_60, %mul3A_62 : i32
      %get3A = arith.index_cast %mul3A_63 : i32 to index
      %get3A_64 = tpu.vector_load %arg7[%get3A] {strides = array<i32>} : memref<10240xf32, #tpu.memory_space<vmem>>, vector<16xf32>,
      %max3A_65 = arith.maximumf %scan3A_61, %get3A_64 : vector<16xf32>
      scf.yield %max3A_65 : vector<16xf32>
    }
    %scan3A_31 = arith.constant 640 : i32
    %reduce_max3A = arith.constant true
    %reduce_max3A_32 = vector.broadcast %reduce_max3A : i1 to vector<16xi1>
    %reduce_max3A_33 = tpu.scan <max>, %scan3A_30 masked %reduce_max3A_32 : vector<16xf32>, vector<16xi1> -> vector<16xf32>
    %reduce_max3A_34 = vector.extract %reduce_max3A_33[15] : f32 from vector<16xf32>
    %broadcast_in_dim3A_35 = arith.constant 0xFF800000 : f32
    %broadcast_in_dim3A_36 = vector.broadcast %broadcast_in_dim3A_35 : f32 to vector<16xf32>
    %scan3A_37 = arith.constant 0 : i32
    %scan3A_38 = arith.constant 640 : i32
    %scan3A_39 = arith.addi %scan3A_37, %scan3A_38 : i32
    %scan3A_40 = arith.constant 1 : i32
    %scan3A_41 = scf.for %scan3A_60 = %scan3A_37 to %scan3A_39 step %scan3A_40 iter_args(%scan3A_61 = %broadcast_in_dim3A_36) -> (vector<16xf32>)  : i32 {
      %mul3A_62 = arith.constant 16 : i32
      %mul3A_63 = arith.muli %scan3A_60, %mul3A_62 : i32
      %get3A = arith.index_cast %mul3A_63 : i32 to index
      %get3A_64 = tpu.vector_load %arg8[%get3A] {strides = array<i32>} : memref<10240xf32, #tpu.memory_space<vmem>>, vector<16xf32>,
      %max3A_65 = arith.maximumf %scan3A_61, %get3A_64 : vector<16xf32>
      scf.yield %max3A_65 : vector<16xf32>
    }
    %scan3A_42 = arith.constant 640 : i32
    %reduce_max3A_43 = arith.constant true
    %reduce_max3A_44 = vector.broadcast %reduce_max3A_43 : i1 to vector<16xi1>
    %reduce_max3A_45 = tpu.scan <max>, %scan3A_41 masked %reduce_max3A_44 : vector<16xf32>, vector<16xi1> -> vector<16xf32>
    %reduce_max3A_46 = vector.extract %reduce_max3A_45[15] : f32 from vector<16xf32>
    %add3A_47 = arith.addf %reduce_max3A_34, %reduce_max3A_46 : f32
    %mul3A_48 = arith.constant 2.000000e-01 : f32
    %mul3A_49 = arith.mulf %mul3A_48, %add3A_47 : f32
    %max3A = arith.maximumf %add3A_47, %mul3A_49 : f32
    %scan3A_50 = arith.constant 0 : i32
    %scan3A_51 = arith.constant 81 : i32
    %scan3A_52 = arith.addi %scan3A_50, %scan3A_51 : i32
    %scan3A_53 = arith.constant 1 : i32
    scf.for %scan3A_60 = %scan3A_50 to %scan3A_52 step %scan3A_53  : i32 {
      %mul3A_61 = arith.constant 1 : i32
      %mul3A_62 = arith.muli %scan3A_60, %mul3A_61 : i32
      %add3A_63 = arith.constant 0 : i32
      %add3A_64 = arith.addi %add3A_63, %mul3A_62 : i32
      "tpu.region"() ({
        %run_scoped3A_84 = tpu.sem_alloc : memref<!tpu.dma_semaphore, #tpu.memory_space<semaphore_mem>>
        %dma_start3A_85 = arith.constant 0 : i32
        %dma_start3A_86 = arith.constant 0 : i32
        %dma_start3A_87 = tpu.memref_slice %arg2[%add3A, %add3A_64, %dma_start3A_85, %dma_start3A_86] : memref<32x81x2x128xi32, #tpu.memory_space<hbm>> -> memref<1x1x2x128xi32, #tpu.memory_space<hbm>>
        %dma_start3A_88 = tpu.memref_squeeze %dma_start3A_87 : memref<1x1x2x128xi32, #tpu.memory_space<hbm>> -> memref<2x128xi32, #tpu.memory_space<hbm>>
        %dma_start3A_89 = arith.constant 0 : i32
        %dma_start3A_90 = arith.constant 0 : i32
        %dma_start3A_91 = tpu.memref_slice %arg2[%add3A, %add3A_64, %dma_start3A_89, %dma_start3A_90] : memref<32x81x2x128xi32, #tpu.memory_space<hbm>> -> memref<1x1x2x128xi32, #tpu.memory_space<hbm>>
        %dma_start3A_92 = tpu.memref_squeeze %dma_start3A_91 : memref<1x1x2x128xi32, #tpu.memory_space<hbm>> -> memref<2x128xi32, #tpu.memory_space<hbm>>
        tpu.enqueue_dma source(%dma_start3A_92 : memref<2x128xi32, #tpu.memory_space<hbm>>) target(%arg6 : memref<2x128xi32, #tpu.memory_space<vmem>>) target_semaphore(%run_scoped3A_84 : memref<!tpu.dma_semaphore, #tpu.memory_space<semaphore_mem>>)
        %dma_wait3A_93 = arith.constant 0 : i32
        %dma_wait3A_94 = arith.constant 0 : i32
        %dma_wait3A_95 = tpu.memref_slice %arg2[%add3A, %add3A_64, %dma_wait3A_93, %dma_wait3A_94] : memref<32x81x2x128xi32, #tpu.memory_space<hbm>> -> memref<1x1x2x128xi32, #tpu.memory_space<hbm>>
        %dma_wait3A_96 = tpu.memref_squeeze %dma_wait3A_95 : memref<1x1x2x128xi32, #tpu.memory_space<hbm>> -> memref<2x128xi32, #tpu.memory_space<hbm>>
        %dma_wait3A_97 = arith.constant 0 : i32
        %dma_wait3A_98 = arith.constant 0 : i32
        %dma_wait3A_99 = tpu.memref_slice %arg2[%add3A, %add3A_64, %dma_wait3A_97, %dma_wait3A_98] : memref<32x81x2x128xi32, #tpu.memory_space<hbm>> -> memref<1x1x2x128xi32, #tpu.memory_space<hbm>>
        %dma_wait3A_100 = tpu.memref_squeeze %dma_wait3A_99 : memref<1x1x2x128xi32, #tpu.memory_space<hbm>> -> memref<2x128xi32, #tpu.memory_space<hbm>>
        tpu.wait_dma2 semaphore(%run_scoped3A_84 : memref<!tpu.dma_semaphore, #tpu.memory_space<semaphore_mem>>) src(%dma_wait3A_100 : memref<2x128xi32, #tpu.memory_space<hbm>>) dst(%arg6 : memref<2x128xi32, #tpu.memory_space<vmem>>)
        tpu.yield
      }) : () -> ()
      %dma_start3A = arith.constant 0 : i32
      %dma_start3A_65 = arith.constant 0 : i32
      %dma_start3A_66 = tpu.memref_slice %arg6[%dma_start3A, %dma_start3A_65] : memref<2x128xi32, #tpu.memory_space<vmem>> -> memref<1x128xi32, #tpu.memory_space<vmem>>
      %dma_start3A_67 = tpu.memref_squeeze %dma_start3A_66 : memref<1x128xi32, #tpu.memory_space<vmem>> -> memref<128xi32, #tpu.memory_space<vmem>>
      %dma_start3A_68 = arith.constant 0 : i32
      %dma_start3A_69 = arith.constant 0 : i32
      %dma_start3A_70 = tpu.memref_slice %arg4[%dma_start3A_68, %dma_start3A_69] : memref<10240x128xf32, #tpu.memory_space<hbm>> -> memref<10240x128xf32, #tpu.memory_space<hbm>>
      tpu.enqueue_indirect_dma source(%dma_start3A_70 : memref<10240x128xf32, #tpu.memory_space<hbm>>) target(%arg10 : memref<128x128xf32, #tpu.memory_space<vmem>>) offsets(%dma_start3A_67 : memref<128xi32, #tpu.memory_space<vmem>>) semaphore(%arg12 : memref<!tpu.dma_semaphore, #tpu.memory_space<semaphore_mem>>)
      %parallel_loop3A_71 = arith.constant 0 : i32
      %parallel_loop3A_72 = arith.constant 8 : i32
      %parallel_loop3A_73 = arith.constant 1 : i32
      scf.for %parallel_loop3A_84 = %parallel_loop3A_71 to %parallel_loop3A_72 step %parallel_loop3A_73  : i32 {
        %parallel_loop3A_85 = arith.constant 16 : i32
        %parallel_loop3A_86 = arith.muli %parallel_loop3A_84, %parallel_loop3A_85 : i32
        %parallel_loop3A_87 = arith.constant 0 : i32
        %parallel_loop3A_88 = arith.index_cast %parallel_loop3A_87 : i32 to index
        %parallel_loop3A_89 = arith.index_cast %parallel_loop3A_86 : i32 to index
        %parallel_loop3A_90 = tpu.vector_load %arg6[%parallel_loop3A_88, %parallel_loop3A_89] {strides = array<i32>} : memref<2x128xi32, #tpu.memory_space<vmem>>, vector<16xi32>,
        %parallel_loop3A_91 = arith.constant 16 : i32
        %parallel_loop3A_92 = arith.muli %parallel_loop3A_84, %parallel_loop3A_91 : i32
        %parallel_loop3A_93 = arith.constant 1 : i32
        %parallel_loop3A_94 = arith.index_cast %parallel_loop3A_93 : i32 to index
        %parallel_loop3A_95 = arith.index_cast %parallel_loop3A_92 : i32 to index
        %parallel_loop3A_96 = tpu.vector_load %arg6[%parallel_loop3A_94, %parallel_loop3A_95] {strides = array<i32>} : memref<2x128xi32, #tpu.memory_space<vmem>>, vector<16xi32>,
        %parallel_loop3A_97 = arith.constant 0 : i32
        %parallel_loop3A_98 = vector.broadcast %parallel_loop3A_97 : i32 to vector<16xi32>
        %parallel_loop3A_99 = arith.subi %parallel_loop3A_90, %parallel_loop3A_98 : vector<16xi32>
        %parallel_loop3A_100 = tpu.vector_load_idx %arg7[%parallel_loop3A_99] : memref<10240xf32, #tpu.memory_space<vmem>>[vector<16xi32>], vector<16xf32>,
        %parallel_loop3A_101 = tpu.vector_load_idx %arg8[%parallel_loop3A_96] : memref<10240xf32, #tpu.memory_space<vmem>>[vector<16xi32>], vector<16xf32>,
        %parallel_loop3A_102 = arith.addf %parallel_loop3A_100, %parallel_loop3A_101 : vector<16xf32>
        %parallel_loop3A_103 = arith.constant 2.000000e-01 : f32
        %parallel_loop3A_104 = vector.broadcast %parallel_loop3A_103 : f32 to vector<16xf32>
        %parallel_loop3A_105 = arith.mulf %parallel_loop3A_104, %parallel_loop3A_102 : vector<16xf32>
        %parallel_loop3A_106 = arith.maximumf %parallel_loop3A_102, %parallel_loop3A_105 : vector<16xf32>
        %parallel_loop3A_107 = vector.broadcast %max3A : f32 to vector<16xf32>
        %parallel_loop3A_108 = arith.subf %parallel_loop3A_106, %parallel_loop3A_107 : vector<16xf32>
        %parallel_loop3A_109 = math.exp %parallel_loop3A_108 : vector<16xf32>
        %parallel_loop3A_110 = arith.constant 16 : i32
        %parallel_loop3A_111 = arith.muli %parallel_loop3A_84, %parallel_loop3A_110 : i32
        %parallel_loop3A_112 = arith.index_cast %parallel_loop3A_111 : i32 to index
        %parallel_loop3A_113 = tpu.vector_load %arg9[%parallel_loop3A_112] {strides = array<i32>} : memref<128xf32, #tpu.memory_space<vmem>>, vector<16xf32>,
        tpu.vector_store %arg9[%parallel_loop3A_112], %parallel_loop3A_109 {strides = array<i32>} : memref<128xf32, #tpu.memory_space<vmem>>, vector<16xf32>,
      } {sc.loop_unroll_factor = 2 : i64, sc.parallel_access}
      %dma_wait3A = arith.constant 0 : i32
      %dma_wait3A_74 = arith.constant 0 : i32
      %dma_wait3A_75 = tpu.memref_slice %arg6[%dma_wait3A, %dma_wait3A_74] : memref<2x128xi32, #tpu.memory_space<vmem>> -> memref<1x128xi32, #tpu.memory_space<vmem>>
      %dma_wait3A_76 = tpu.memref_squeeze %dma_wait3A_75 : memref<1x128xi32, #tpu.memory_space<vmem>> -> memref<128xi32, #tpu.memory_space<vmem>>
      %dma_wait3A_77 = arith.constant 0 : i32
      %dma_wait3A_78 = arith.constant 0 : i32
      %dma_wait3A_79 = tpu.memref_slice %arg4[%dma_wait3A_77, %dma_wait3A_78] : memref<10240x128xf32, #tpu.memory_space<hbm>> -> memref<10240x128xf32, #tpu.memory_space<hbm>>
      tpu.wait_indirect_dma semaphore(%arg12 : memref<!tpu.dma_semaphore, #tpu.memory_space<semaphore_mem>>) src(%dma_wait3A_79 : memref<10240x128xf32, #tpu.memory_space<hbm>>) dst(%arg10 : memref<128x128xf32, #tpu.memory_space<vmem>>)
      %parallel_loop3A_80 = arith.constant 0 : i32
      %parallel_loop3A_81 = arith.constant 128 : i32
      %parallel_loop3A_82 = arith.constant 1 : i32
      scf.for %parallel_loop3A_84 = %parallel_loop3A_80 to %parallel_loop3A_81 step %parallel_loop3A_82  : i32 {
        %parallel_loop3A_85 = vector.broadcast %parallel_loop3A_84 : i32 to vector<16xi32>
        %parallel_loop3A_86 = tpu.vector_load_idx %arg9[%parallel_loop3A_85] : memref<128xf32, #tpu.memory_space<vmem>>[vector<16xi32>], vector<16xf32>,
        %parallel_loop3A_87 = arith.index_cast %parallel_loop3A_84 : i32 to index
        %parallel_loop3A_88 = arith.constant 0 : index
        %parallel_loop3A_89 = tpu.vector_load %arg10[%parallel_loop3A_87, %parallel_loop3A_88] {strides = array<i32>} : memref<128x128xf32, #tpu.memory_space<vmem>>, vector<16xf32>,
        %parallel_loop3A_90 = arith.mulf %parallel_loop3A_89, %parallel_loop3A_86 : vector<16xf32>
        %parallel_loop3A_91 = arith.index_cast %parallel_loop3A_84 : i32 to index
        %parallel_loop3A_92 = arith.constant 0 : index
        %parallel_loop3A_93 = tpu.vector_load %arg10[%parallel_loop3A_91, %parallel_loop3A_92] {strides = array<i32>} : memref<128x128xf32, #tpu.memory_space<vmem>>, vector<16xf32>,
        tpu.vector_store %arg10[%parallel_loop3A_91, %parallel_loop3A_92], %parallel_loop3A_90 {strides = array<i32>} : memref<128x128xf32, #tpu.memory_space<vmem>>, vector<16xf32>,
        %parallel_loop3A_94 = arith.index_cast %parallel_loop3A_84 : i32 to index
        %parallel_loop3A_95 = arith.constant 16 : index
        %parallel_loop3A_96 = tpu.vector_load %arg10[%parallel_loop3A_94, %parallel_loop3A_95] {strides = array<i32>} : memref<128x128xf32, #tpu.memory_space<vmem>>, vector<16xf32>,
        %parallel_loop3A_97 = arith.mulf %parallel_loop3A_96, %parallel_loop3A_86 : vector<16xf32>
        %parallel_loop3A_98 = arith.index_cast %parallel_loop3A_84 : i32 to index
        %parallel_loop3A_99 = arith.constant 16 : index
        %parallel_loop3A_100 = tpu.vector_load %arg10[%parallel_loop3A_98, %parallel_loop3A_99] {strides = array<i32>} : memref<128x128xf32, #tpu.memory_space<vmem>>, vector<16xf32>,
        tpu.vector_store %arg10[%parallel_loop3A_98, %parallel_loop3A_99], %parallel_loop3A_97 {strides = array<i32>} : memref<128x128xf32, #tpu.memory_space<vmem>>, vector<16xf32>,
        %parallel_loop3A_101 = arith.index_cast %parallel_loop3A_84 : i32 to index
        %parallel_loop3A_102 = arith.constant 32 : index
        %parallel_loop3A_103 = tpu.vector_load %arg10[%parallel_loop3A_101, %parallel_loop3A_102] {strides = array<i32>} : memref<128x128xf32, #tpu.memory_space<vmem>>, vector<16xf32>,
        %parallel_loop3A_104 = arith.mulf %parallel_loop3A_103, %parallel_loop3A_86 : vector<16xf32>
        %parallel_loop3A_105 = arith.index_cast %parallel_loop3A_84 : i32 to index
        %parallel_loop3A_106 = arith.constant 32 : index
        %parallel_loop3A_107 = tpu.vector_load %arg10[%parallel_loop3A_105, %parallel_loop3A_106] {strides = array<i32>} : memref<128x128xf32, #tpu.memory_space<vmem>>, vector<16xf32>,
        tpu.vector_store %arg10[%parallel_loop3A_105, %parallel_loop3A_106], %parallel_loop3A_104 {strides = array<i32>} : memref<128x128xf32, #tpu.memory_space<vmem>>, vector<16xf32>,
        %parallel_loop3A_108 = arith.index_cast %parallel_loop3A_84 : i32 to index
        %parallel_loop3A_109 = arith.constant 48 : index
        %parallel_loop3A_110 = tpu.vector_load %arg10[%parallel_loop3A_108, %parallel_loop3A_109] {strides = array<i32>} : memref<128x128xf32, #tpu.memory_space<vmem>>, vector<16xf32>,
        %parallel_loop3A_111 = arith.mulf %parallel_loop3A_110, %parallel_loop3A_86 : vector<16xf32>
        %parallel_loop3A_112 = arith.index_cast %parallel_loop3A_84 : i32 to index
        %parallel_loop3A_113 = arith.constant 48 : index
        %parallel_loop3A_114 = tpu.vector_load %arg10[%parallel_loop3A_112, %parallel_loop3A_113] {strides = array<i32>} : memref<128x128xf32, #tpu.memory_space<vmem>>, vector<16xf32>,
        tpu.vector_store %arg10[%parallel_loop3A_112, %parallel_loop3A_113], %parallel_loop3A_111 {strides = array<i32>} : memref<128x128xf32, #tpu.memory_space<vmem>>, vector<16xf32>,
        %parallel_loop3A_115 = arith.index_cast %parallel_loop3A_84 : i32 to index
        %parallel_loop3A_116 = arith.constant 64 : index
        %parallel_loop3A_117 = tpu.vector_load %arg10[%parallel_loop3A_115, %parallel_loop3A_116] {strides = array<i32>} : memref<128x128xf32, #tpu.memory_space<vmem>>, vector<16xf32>,
        %parallel_loop3A_118 = arith.mulf %parallel_loop3A_117, %parallel_loop3A_86 : vector<16xf32>
        %parallel_loop3A_119 = arith.index_cast %parallel_loop3A_84 : i32 to index
        %parallel_loop3A_120 = arith.constant 64 : index
        %parallel_loop3A_121 = tpu.vector_load %arg10[%parallel_loop3A_119, %parallel_loop3A_120] {strides = array<i32>} : memref<128x128xf32, #tpu.memory_space<vmem>>, vector<16xf32>,
        tpu.vector_store %arg10[%parallel_loop3A_119, %parallel_loop3A_120], %parallel_loop3A_118 {strides = array<i32>} : memref<128x128xf32, #tpu.memory_space<vmem>>, vector<16xf32>,
      } {sc.loop_unroll_factor = 8 : i64, sc.parallel_access}
      %run_scoped3A_83 = arith.constant 1 : i32
      "tpu.region"() ({
        %run_scoped3A_84 = tpu.sem_alloc : memref<!tpu.dma_semaphore, #tpu.memory_space<semaphore_mem>>
        %dma_start3A_85 = arith.constant 0 : i32
        %dma_start3A_86 = tpu.memref_slice %arg6[%run_scoped3A_83, %dma_start3A_85] : memref<2x128xi32, #tpu.memory_space<vmem>> -> memref<1x128xi32, #tpu.memory_space<vmem>>
        %dma_start3A_87 = tpu.memref_squeeze %dma_start3A_86 : memref<1x128xi32, #tpu.memory_space<vmem>> -> memref<128xi32, #tpu.memory_space<vmem>>
        %dma_start3A_88 = arith.constant 0 : i32
        %dma_start3A_89 = arith.constant 0 : i32
        %dma_start3A_90 = tpu.memref_slice %arg11[%dma_start3A_88, %dma_start3A_89] : memref<10240x128xf32, #tpu.memory_space<vmem_shared>> -> memref<10240x128xf32, #tpu.memory_space<vmem_shared>>
        tpu.enqueue_indirect_dma source(%arg10 : memref<128x128xf32, #tpu.memory_space<vmem>>) target(%dma_start3A_90 : memref<10240x128xf32, #tpu.memory_space<vmem_shared>>) offsets(%dma_start3A_87 : memref<128xi32, #tpu.memory_space<vmem>>) semaphore(%run_scoped3A_84 : memref<!tpu.dma_semaphore, #tpu.memory_space<semaphore_mem>>) {add = true}
        %dma_wait3A_91 = arith.constant 0 : i32
        %dma_wait3A_92 = tpu.memref_slice %arg6[%run_scoped3A_83, %dma_wait3A_91] : memref<2x128xi32, #tpu.memory_space<vmem>> -> memref<1x128xi32, #tpu.memory_space<vmem>>
        %dma_wait3A_93 = tpu.memref_squeeze %dma_wait3A_92 : memref<1x128xi32, #tpu.memory_space<vmem>> -> memref<128xi32, #tpu.memory_space<vmem>>
        %dma_wait3A_94 = arith.constant 0 : i32
        %dma_wait3A_95 = arith.constant 0 : i32
        %dma_wait3A_96 = tpu.memref_slice %arg11[%dma_wait3A_94, %dma_wait3A_95] : memref<10240x128xf32, #tpu.memory_space<vmem_shared>> -> memref<10240x128xf32, #tpu.memory_space<vmem_shared>>
        tpu.wait_indirect_dma semaphore(%run_scoped3A_84 : memref<!tpu.dma_semaphore, #tpu.memory_space<semaphore_mem>>) src(%arg10 : memref<128x128xf32, #tpu.memory_space<vmem>>) dst(%dma_wait3A_96 : memref<10240x128xf32, #tpu.memory_space<vmem_shared>>)
        tpu.yield
      }) : () -> ()
    }
    %scan3A_54 = arith.constant 81 : i32
    %barrier3A_55 = arith.constant 0 : index
    tpu.barrier barrier_id(%barrier3A_55)
    %mul3A_56 = arith.constant 640 : i32
    %mul3A_57 = arith.muli %arg1, %mul3A_56 : i32
    %mul3A_58 = arith.constant 640 : i32
    %mul3A_59 = arith.muli %arg1, %mul3A_58 : i32
    "tpu.region"() ({
      %run_scoped3A_60 = tpu.sem_alloc : memref<!tpu.dma_semaphore, #tpu.memory_space<semaphore_mem>>
      %dma_start3A = arith.constant 0 : i32
      %dma_start3A_61 = tpu.memref_slice %arg5[%arg0, %mul3A_59, %dma_start3A] : memref<2x10240x128xf32, #tpu.memory_space<hbm>> -> memref<1x640x128xf32, #tpu.memory_space<hbm>>
      %dma_start3A_62 = tpu.memref_squeeze %dma_start3A_61 : memref<1x640x128xf32, #tpu.memory_space<hbm>> -> memref<640x128xf32, #tpu.memory_space<hbm>>
      %dma_start3A_63 = arith.constant 0 : i32
      %dma_start3A_64 = tpu.memref_slice %arg11[%mul3A_57, %dma_start3A_63] : memref<10240x128xf32, #tpu.memory_space<vmem_shared>> -> memref<640x128xf32, #tpu.memory_space<vmem_shared>>
      tpu.enqueue_dma source(%dma_start3A_64 : memref<640x128xf32, #tpu.memory_space<vmem_shared>>) target(%dma_start3A_62 : memref<640x128xf32, #tpu.memory_space<hbm>>) target_semaphore(%run_scoped3A_60 : memref<!tpu.dma_semaphore, #tpu.memory_space<semaphore_mem>>)
      %dma_wait3A = arith.constant 0 : i32
      %dma_wait3A_65 = tpu.memref_slice %arg5[%arg0, %mul3A_59, %dma_wait3A] : memref<2x10240x128xf32, #tpu.memory_space<hbm>> -> memref<1x640x128xf32, #tpu.memory_space<hbm>>
      %dma_wait3A_66 = tpu.memref_squeeze %dma_wait3A_65 : memref<1x640x128xf32, #tpu.memory_space<hbm>> -> memref<640x128xf32, #tpu.memory_space<hbm>>
      %dma_wait3A_67 = arith.constant 0 : i32
      %dma_wait3A_68 = tpu.memref_slice %arg11[%mul3A_57, %dma_wait3A_67] : memref<10240x128xf32, #tpu.memory_space<vmem_shared>> -> memref<640x128xf32, #tpu.memory_space<vmem_shared>>
      tpu.wait_dma2 semaphore(%run_scoped3A_60 : memref<!tpu.dma_semaphore, #tpu.memory_space<semaphore_mem>>) src(%dma_wait3A_68 : memref<640x128xf32, #tpu.memory_space<vmem_shared>>) dst(%dma_wait3A_66 : memref<640x128xf32, #tpu.memory_space<hbm>>)
      tpu.yield
    }) : () -> ()
    return
  }
}

#map = affine_map<(d0, d1) -> (0, 0, 0, 0)>
#map1 = affine_map<(d0, d1) -> (0, 0)>
#map2 = affine_map<(d0, d1) -> (0, 0, 0)>
module attributes {stable_mosaic.version = 14 : i64} {
  func.func @_edge1_body(%arg0: i32, %arg1: i32, %arg2: memref<32x162x2x128xi32, #tpu.memory_space<hbm>>, %arg3: memref<4x10240xf32, #tpu.memory_space<hbm>>, %arg4: memref<20480x128xf32, #tpu.memory_space<hbm>>, %arg5: memref<2x10240x128xf32, #tpu.memory_space<hbm>>, %arg6: memref<2x128xi32, #tpu.memory_space<vmem>>, %arg7: memref<10240xf32, #tpu.memory_space<vmem>>, %arg8: memref<10240xf32, #tpu.memory_space<vmem>>, %arg9: memref<128xf32, #tpu.memory_space<vmem>>, %arg10: memref<128x128xf32, #tpu.memory_space<vmem>>, %arg11: memref<10240x128xf32, #tpu.memory_space<vmem_shared>>, %arg12: memref<!tpu.dma_semaphore, #tpu.memory_space<semaphore_mem>>) attributes {dimension_semantics = [#tpu.dimension_semantics<core_parallel>, #tpu.dimension_semantics<subcore_parallel>], iteration_bounds = array<i64: 2, 16>, scalar_prefetch = 0 : i64, scratch_operands = 7 : i64, tpu.core_type = #tpu.core_type<sc_vector_subcore>, window_params = [{transform_indices = #map}, {transform_indices = #map1}, {transform_indices = #map1}, {transform_indices = #map2}]} {
    %broadcast_in_dim3A = arith.constant 0.000000e+00 : f32
    %broadcast_in_dim3A_0 = vector.broadcast %broadcast_in_dim3A : f32 to vector<16xf32>
    %parallel_loop3A = arith.constant 0 : i32
    %parallel_loop3A_1 = arith.constant 128 : i32
    %parallel_loop3A_2 = arith.constant 1 : i32
    scf.for %parallel_loop3A_68 = %parallel_loop3A to %parallel_loop3A_1 step %parallel_loop3A_2  : i32 {
      %parallel_loop3A_69 = arith.index_cast %parallel_loop3A_68 : i32 to index
      %parallel_loop3A_70 = arith.constant 0 : index
      %parallel_loop3A_71 = tpu.vector_load %arg10[%parallel_loop3A_69, %parallel_loop3A_70] {strides = array<i32>} : memref<128x128xf32, #tpu.memory_space<vmem>>, vector<16xf32>,
      tpu.vector_store %arg10[%parallel_loop3A_69, %parallel_loop3A_70], %broadcast_in_dim3A_0 {strides = array<i32>} : memref<128x128xf32, #tpu.memory_space<vmem>>, vector<16xf32>,
      %parallel_loop3A_72 = arith.index_cast %parallel_loop3A_68 : i32 to index
      %parallel_loop3A_73 = arith.constant 16 : index
      %parallel_loop3A_74 = tpu.vector_load %arg10[%parallel_loop3A_72, %parallel_loop3A_73] {strides = array<i32>} : memref<128x128xf32, #tpu.memory_space<vmem>>, vector<16xf32>,
      tpu.vector_store %arg10[%parallel_loop3A_72, %parallel_loop3A_73], %broadcast_in_dim3A_0 {strides = array<i32>} : memref<128x128xf32, #tpu.memory_space<vmem>>, vector<16xf32>,
      %parallel_loop3A_75 = arith.index_cast %parallel_loop3A_68 : i32 to index
      %parallel_loop3A_76 = arith.constant 32 : index
      %parallel_loop3A_77 = tpu.vector_load %arg10[%parallel_loop3A_75, %parallel_loop3A_76] {strides = array<i32>} : memref<128x128xf32, #tpu.memory_space<vmem>>, vector<16xf32>,
      tpu.vector_store %arg10[%parallel_loop3A_75, %parallel_loop3A_76], %broadcast_in_dim3A_0 {strides = array<i32>} : memref<128x128xf32, #tpu.memory_space<vmem>>, vector<16xf32>,
      %parallel_loop3A_78 = arith.index_cast %parallel_loop3A_68 : i32 to index
      %parallel_loop3A_79 = arith.constant 48 : index
      %parallel_loop3A_80 = tpu.vector_load %arg10[%parallel_loop3A_78, %parallel_loop3A_79] {strides = array<i32>} : memref<128x128xf32, #tpu.memory_space<vmem>>, vector<16xf32>,
      tpu.vector_store %arg10[%parallel_loop3A_78, %parallel_loop3A_79], %broadcast_in_dim3A_0 {strides = array<i32>} : memref<128x128xf32, #tpu.memory_space<vmem>>, vector<16xf32>,
      %parallel_loop3A_81 = arith.index_cast %parallel_loop3A_68 : i32 to index
      %parallel_loop3A_82 = arith.constant 64 : index
      %parallel_loop3A_83 = tpu.vector_load %arg10[%parallel_loop3A_81, %parallel_loop3A_82] {strides = array<i32>} : memref<128x128xf32, #tpu.memory_space<vmem>>, vector<16xf32>,
      tpu.vector_store %arg10[%parallel_loop3A_81, %parallel_loop3A_82], %broadcast_in_dim3A_0 {strides = array<i32>} : memref<128x128xf32, #tpu.memory_space<vmem>>, vector<16xf32>,
      %parallel_loop3A_84 = arith.index_cast %parallel_loop3A_68 : i32 to index
      %parallel_loop3A_85 = arith.constant 80 : index
      %parallel_loop3A_86 = tpu.vector_load %arg10[%parallel_loop3A_84, %parallel_loop3A_85] {strides = array<i32>} : memref<128x128xf32, #tpu.memory_space<vmem>>, vector<16xf32>,
      tpu.vector_store %arg10[%parallel_loop3A_84, %parallel_loop3A_85], %broadcast_in_dim3A_0 {strides = array<i32>} : memref<128x128xf32, #tpu.memory_space<vmem>>, vector<16xf32>,
      %parallel_loop3A_87 = arith.index_cast %parallel_loop3A_68 : i32 to index
      %parallel_loop3A_88 = arith.constant 96 : index
      %parallel_loop3A_89 = tpu.vector_load %arg10[%parallel_loop3A_87, %parallel_loop3A_88] {strides = array<i32>} : memref<128x128xf32, #tpu.memory_space<vmem>>, vector<16xf32>,
      tpu.vector_store %arg10[%parallel_loop3A_87, %parallel_loop3A_88], %broadcast_in_dim3A_0 {strides = array<i32>} : memref<128x128xf32, #tpu.memory_space<vmem>>, vector<16xf32>,
      %parallel_loop3A_90 = arith.index_cast %parallel_loop3A_68 : i32 to index
      %parallel_loop3A_91 = arith.constant 112 : index
      %parallel_loop3A_92 = tpu.vector_load %arg10[%parallel_loop3A_90, %parallel_loop3A_91] {strides = array<i32>} : memref<128x128xf32, #tpu.memory_space<vmem>>, vector<16xf32>,
      tpu.vector_store %arg10[%parallel_loop3A_90, %parallel_loop3A_91], %broadcast_in_dim3A_0 {strides = array<i32>} : memref<128x128xf32, #tpu.memory_space<vmem>>, vector<16xf32>,
    } {sc.loop_unroll_factor = 8 : i64, sc.parallel_access}
    %mul3A = arith.constant 640 : i32
    %mul3A_3 = arith.muli %arg1, %mul3A : i32
    %add3A = arith.constant 0 : i32
    %add3A_4 = arith.addi %mul3A_3, %add3A : i32
    "tpu.region"() ({
      %run_scoped3A = tpu.sem_alloc : memref<!tpu.dma_semaphore, #tpu.memory_space<semaphore_mem>>
      %dma_start3A = arith.constant 0 : i32
      %dma_start3A_68 = tpu.memref_slice %arg11[%add3A_4, %dma_start3A] : memref<10240x128xf32, #tpu.memory_space<vmem_shared>> -> memref<128x128xf32, #tpu.memory_space<vmem_shared>>
      %dma_start3A_69 = arith.constant 0 : i32
      %dma_start3A_70 = tpu.memref_slice %arg11[%add3A_4, %dma_start3A_69] : memref<10240x128xf32, #tpu.memory_space<vmem_shared>> -> memref<128x128xf32, #tpu.memory_space<vmem_shared>>
      tpu.enqueue_dma source(%arg10 : memref<128x128xf32, #tpu.memory_space<vmem>>) target(%dma_start3A_70 : memref<128x128xf32, #tpu.memory_space<vmem_shared>>) target_semaphore(%run_scoped3A : memref<!tpu.dma_semaphore, #tpu.memory_space<semaphore_mem>>)
      %dma_wait3A = arith.constant 0 : i32
      %dma_wait3A_71 = tpu.memref_slice %arg11[%add3A_4, %dma_wait3A] : memref<10240x128xf32, #tpu.memory_space<vmem_shared>> -> memref<128x128xf32, #tpu.memory_space<vmem_shared>>
      %dma_wait3A_72 = arith.constant 0 : i32
      %dma_wait3A_73 = tpu.memref_slice %arg11[%add3A_4, %dma_wait3A_72] : memref<10240x128xf32, #tpu.memory_space<vmem_shared>> -> memref<128x128xf32, #tpu.memory_space<vmem_shared>>
      tpu.wait_dma2 semaphore(%run_scoped3A : memref<!tpu.dma_semaphore, #tpu.memory_space<semaphore_mem>>) src(%arg10 : memref<128x128xf32, #tpu.memory_space<vmem>>) dst(%dma_wait3A_73 : memref<128x128xf32, #tpu.memory_space<vmem_shared>>)
      tpu.yield
    }) : () -> ()
    %mul3A_5 = arith.constant 640 : i32
    %mul3A_6 = arith.muli %arg1, %mul3A_5 : i32
    %add3A_7 = arith.constant 128 : i32
    %add3A_8 = arith.addi %mul3A_6, %add3A_7 : i32
    "tpu.region"() ({
      %run_scoped3A = tpu.sem_alloc : memref<!tpu.dma_semaphore, #tpu.memory_space<semaphore_mem>>
      %dma_start3A = arith.constant 0 : i32
      %dma_start3A_68 = tpu.memref_slice %arg11[%add3A_8, %dma_start3A] : memref<10240x128xf32, #tpu.memory_space<vmem_shared>> -> memref<128x128xf32, #tpu.memory_space<vmem_shared>>
      %dma_start3A_69 = arith.constant 0 : i32
      %dma_start3A_70 = tpu.memref_slice %arg11[%add3A_8, %dma_start3A_69] : memref<10240x128xf32, #tpu.memory_space<vmem_shared>> -> memref<128x128xf32, #tpu.memory_space<vmem_shared>>
      tpu.enqueue_dma source(%arg10 : memref<128x128xf32, #tpu.memory_space<vmem>>) target(%dma_start3A_70 : memref<128x128xf32, #tpu.memory_space<vmem_shared>>) target_semaphore(%run_scoped3A : memref<!tpu.dma_semaphore, #tpu.memory_space<semaphore_mem>>)
      %dma_wait3A = arith.constant 0 : i32
      %dma_wait3A_71 = tpu.memref_slice %arg11[%add3A_8, %dma_wait3A] : memref<10240x128xf32, #tpu.memory_space<vmem_shared>> -> memref<128x128xf32, #tpu.memory_space<vmem_shared>>
      %dma_wait3A_72 = arith.constant 0 : i32
      %dma_wait3A_73 = tpu.memref_slice %arg11[%add3A_8, %dma_wait3A_72] : memref<10240x128xf32, #tpu.memory_space<vmem_shared>> -> memref<128x128xf32, #tpu.memory_space<vmem_shared>>
      tpu.wait_dma2 semaphore(%run_scoped3A : memref<!tpu.dma_semaphore, #tpu.memory_space<semaphore_mem>>) src(%arg10 : memref<128x128xf32, #tpu.memory_space<vmem>>) dst(%dma_wait3A_73 : memref<128x128xf32, #tpu.memory_space<vmem_shared>>)
      tpu.yield
    }) : () -> ()
    %mul3A_9 = arith.constant 640 : i32
    %mul3A_10 = arith.muli %arg1, %mul3A_9 : i32
    %add3A_11 = arith.constant 256 : i32
    %add3A_12 = arith.addi %mul3A_10, %add3A_11 : i32
    "tpu.region"() ({
      %run_scoped3A = tpu.sem_alloc : memref<!tpu.dma_semaphore, #tpu.memory_space<semaphore_mem>>
      %dma_start3A = arith.constant 0 : i32
      %dma_start3A_68 = tpu.memref_slice %arg11[%add3A_12, %dma_start3A] : memref<10240x128xf32, #tpu.memory_space<vmem_shared>> -> memref<128x128xf32, #tpu.memory_space<vmem_shared>>
      %dma_start3A_69 = arith.constant 0 : i32
      %dma_start3A_70 = tpu.memref_slice %arg11[%add3A_12, %dma_start3A_69] : memref<10240x128xf32, #tpu.memory_space<vmem_shared>> -> memref<128x128xf32, #tpu.memory_space<vmem_shared>>
      tpu.enqueue_dma source(%arg10 : memref<128x128xf32, #tpu.memory_space<vmem>>) target(%dma_start3A_70 : memref<128x128xf32, #tpu.memory_space<vmem_shared>>) target_semaphore(%run_scoped3A : memref<!tpu.dma_semaphore, #tpu.memory_space<semaphore_mem>>)
      %dma_wait3A = arith.constant 0 : i32
      %dma_wait3A_71 = tpu.memref_slice %arg11[%add3A_12, %dma_wait3A] : memref<10240x128xf32, #tpu.memory_space<vmem_shared>> -> memref<128x128xf32, #tpu.memory_space<vmem_shared>>
      %dma_wait3A_72 = arith.constant 0 : i32
      %dma_wait3A_73 = tpu.memref_slice %arg11[%add3A_12, %dma_wait3A_72] : memref<10240x128xf32, #tpu.memory_space<vmem_shared>> -> memref<128x128xf32, #tpu.memory_space<vmem_shared>>
      tpu.wait_dma2 semaphore(%run_scoped3A : memref<!tpu.dma_semaphore, #tpu.memory_space<semaphore_mem>>) src(%arg10 : memref<128x128xf32, #tpu.memory_space<vmem>>) dst(%dma_wait3A_73 : memref<128x128xf32, #tpu.memory_space<vmem_shared>>)
      tpu.yield
    }) : () -> ()
    %mul3A_13 = arith.constant 640 : i32
    %mul3A_14 = arith.muli %arg1, %mul3A_13 : i32
    %add3A_15 = arith.constant 384 : i32
    %add3A_16 = arith.addi %mul3A_14, %add3A_15 : i32
    "tpu.region"() ({
      %run_scoped3A = tpu.sem_alloc : memref<!tpu.dma_semaphore, #tpu.memory_space<semaphore_mem>>
      %dma_start3A = arith.constant 0 : i32
      %dma_start3A_68 = tpu.memref_slice %arg11[%add3A_16, %dma_start3A] : memref<10240x128xf32, #tpu.memory_space<vmem_shared>> -> memref<128x128xf32, #tpu.memory_space<vmem_shared>>
      %dma_start3A_69 = arith.constant 0 : i32
      %dma_start3A_70 = tpu.memref_slice %arg11[%add3A_16, %dma_start3A_69] : memref<10240x128xf32, #tpu.memory_space<vmem_shared>> -> memref<128x128xf32, #tpu.memory_space<vmem_shared>>
      tpu.enqueue_dma source(%arg10 : memref<128x128xf32, #tpu.memory_space<vmem>>) target(%dma_start3A_70 : memref<128x128xf32, #tpu.memory_space<vmem_shared>>) target_semaphore(%run_scoped3A : memref<!tpu.dma_semaphore, #tpu.memory_space<semaphore_mem>>)
      %dma_wait3A = arith.constant 0 : i32
      %dma_wait3A_71 = tpu.memref_slice %arg11[%add3A_16, %dma_wait3A] : memref<10240x128xf32, #tpu.memory_space<vmem_shared>> -> memref<128x128xf32, #tpu.memory_space<vmem_shared>>
      %dma_wait3A_72 = arith.constant 0 : i32
      %dma_wait3A_73 = tpu.memref_slice %arg11[%add3A_16, %dma_wait3A_72] : memref<10240x128xf32, #tpu.memory_space<vmem_shared>> -> memref<128x128xf32, #tpu.memory_space<vmem_shared>>
      tpu.wait_dma2 semaphore(%run_scoped3A : memref<!tpu.dma_semaphore, #tpu.memory_space<semaphore_mem>>) src(%arg10 : memref<128x128xf32, #tpu.memory_space<vmem>>) dst(%dma_wait3A_73 : memref<128x128xf32, #tpu.memory_space<vmem_shared>>)
      tpu.yield
    }) : () -> ()
    %mul3A_17 = arith.constant 640 : i32
    %mul3A_18 = arith.muli %arg1, %mul3A_17 : i32
    %add3A_19 = arith.constant 512 : i32
    %add3A_20 = arith.addi %mul3A_18, %add3A_19 : i32
    "tpu.region"() ({
      %run_scoped3A = tpu.sem_alloc : memref<!tpu.dma_semaphore, #tpu.memory_space<semaphore_mem>>
      %dma_start3A = arith.constant 0 : i32
      %dma_start3A_68 = tpu.memref_slice %arg11[%add3A_20, %dma_start3A] : memref<10240x128xf32, #tpu.memory_space<vmem_shared>> -> memref<128x128xf32, #tpu.memory_space<vmem_shared>>
      %dma_start3A_69 = arith.constant 0 : i32
      %dma_start3A_70 = tpu.memref_slice %arg11[%add3A_20, %dma_start3A_69] : memref<10240x128xf32, #tpu.memory_space<vmem_shared>> -> memref<128x128xf32, #tpu.memory_space<vmem_shared>>
      tpu.enqueue_dma source(%arg10 : memref<128x128xf32, #tpu.memory_space<vmem>>) target(%dma_start3A_70 : memref<128x128xf32, #tpu.memory_space<vmem_shared>>) target_semaphore(%run_scoped3A : memref<!tpu.dma_semaphore, #tpu.memory_space<semaphore_mem>>)
      %dma_wait3A = arith.constant 0 : i32
      %dma_wait3A_71 = tpu.memref_slice %arg11[%add3A_20, %dma_wait3A] : memref<10240x128xf32, #tpu.memory_space<vmem_shared>> -> memref<128x128xf32, #tpu.memory_space<vmem_shared>>
      %dma_wait3A_72 = arith.constant 0 : i32
      %dma_wait3A_73 = tpu.memref_slice %arg11[%add3A_20, %dma_wait3A_72] : memref<10240x128xf32, #tpu.memory_space<vmem_shared>> -> memref<128x128xf32, #tpu.memory_space<vmem_shared>>
      tpu.wait_dma2 semaphore(%run_scoped3A : memref<!tpu.dma_semaphore, #tpu.memory_space<semaphore_mem>>) src(%arg10 : memref<128x128xf32, #tpu.memory_space<vmem>>) dst(%dma_wait3A_73 : memref<128x128xf32, #tpu.memory_space<vmem_shared>>)
      tpu.yield
    }) : () -> ()
    %barrier3A = arith.constant 0 : index
    tpu.barrier barrier_id(%barrier3A)
    %mul3A_21 = arith.constant 2 : i32
    %mul3A_22 = arith.muli %mul3A_21, %arg0 : i32
    "tpu.region"() ({
      %run_scoped3A = tpu.sem_alloc : memref<!tpu.dma_semaphore, #tpu.memory_space<semaphore_mem>>
      %dma_start3A = arith.constant 0 : i32
      %dma_start3A_68 = tpu.memref_slice %arg3[%mul3A_22, %dma_start3A] : memref<4x10240xf32, #tpu.memory_space<hbm>> -> memref<1x10240xf32, #tpu.memory_space<hbm>>
      %dma_start3A_69 = tpu.memref_squeeze %dma_start3A_68 : memref<1x10240xf32, #tpu.memory_space<hbm>> -> memref<10240xf32, #tpu.memory_space<hbm>>
      %dma_start3A_70 = arith.constant 0 : i32
      %dma_start3A_71 = tpu.memref_slice %arg3[%mul3A_22, %dma_start3A_70] : memref<4x10240xf32, #tpu.memory_space<hbm>> -> memref<1x10240xf32, #tpu.memory_space<hbm>>
      %dma_start3A_72 = tpu.memref_squeeze %dma_start3A_71 : memref<1x10240xf32, #tpu.memory_space<hbm>> -> memref<10240xf32, #tpu.memory_space<hbm>>
      tpu.enqueue_dma source(%dma_start3A_72 : memref<10240xf32, #tpu.memory_space<hbm>>) target(%arg7 : memref<10240xf32, #tpu.memory_space<vmem>>) target_semaphore(%run_scoped3A : memref<!tpu.dma_semaphore, #tpu.memory_space<semaphore_mem>>)
      %dma_wait3A = arith.constant 0 : i32
      %dma_wait3A_73 = tpu.memref_slice %arg3[%mul3A_22, %dma_wait3A] : memref<4x10240xf32, #tpu.memory_space<hbm>> -> memref<1x10240xf32, #tpu.memory_space<hbm>>
      %dma_wait3A_74 = tpu.memref_squeeze %dma_wait3A_73 : memref<1x10240xf32, #tpu.memory_space<hbm>> -> memref<10240xf32, #tpu.memory_space<hbm>>
      %dma_wait3A_75 = arith.constant 0 : i32
      %dma_wait3A_76 = tpu.memref_slice %arg3[%mul3A_22, %dma_wait3A_75] : memref<4x10240xf32, #tpu.memory_space<hbm>> -> memref<1x10240xf32, #tpu.memory_space<hbm>>
      %dma_wait3A_77 = tpu.memref_squeeze %dma_wait3A_76 : memref<1x10240xf32, #tpu.memory_space<hbm>> -> memref<10240xf32, #tpu.memory_space<hbm>>
      tpu.wait_dma2 semaphore(%run_scoped3A : memref<!tpu.dma_semaphore, #tpu.memory_space<semaphore_mem>>) src(%dma_wait3A_77 : memref<10240xf32, #tpu.memory_space<hbm>>) dst(%arg7 : memref<10240xf32, #tpu.memory_space<vmem>>)
      tpu.yield
    }) : () -> ()
    %mul3A_23 = arith.constant 2 : i32
    %mul3A_24 = arith.muli %mul3A_23, %arg0 : i32
    %add3A_25 = arith.constant 1 : i32
    %add3A_26 = arith.addi %mul3A_24, %add3A_25 : i32
    "tpu.region"() ({
      %run_scoped3A = tpu.sem_alloc : memref<!tpu.dma_semaphore, #tpu.memory_space<semaphore_mem>>
      %dma_start3A = arith.constant 0 : i32
      %dma_start3A_68 = tpu.memref_slice %arg3[%add3A_26, %dma_start3A] : memref<4x10240xf32, #tpu.memory_space<hbm>> -> memref<1x10240xf32, #tpu.memory_space<hbm>>
      %dma_start3A_69 = tpu.memref_squeeze %dma_start3A_68 : memref<1x10240xf32, #tpu.memory_space<hbm>> -> memref<10240xf32, #tpu.memory_space<hbm>>
      %dma_start3A_70 = arith.constant 0 : i32
      %dma_start3A_71 = tpu.memref_slice %arg3[%add3A_26, %dma_start3A_70] : memref<4x10240xf32, #tpu.memory_space<hbm>> -> memref<1x10240xf32, #tpu.memory_space<hbm>>
      %dma_start3A_72 = tpu.memref_squeeze %dma_start3A_71 : memref<1x10240xf32, #tpu.memory_space<hbm>> -> memref<10240xf32, #tpu.memory_space<hbm>>
      tpu.enqueue_dma source(%dma_start3A_72 : memref<10240xf32, #tpu.memory_space<hbm>>) target(%arg8 : memref<10240xf32, #tpu.memory_space<vmem>>) target_semaphore(%run_scoped3A : memref<!tpu.dma_semaphore, #tpu.memory_space<semaphore_mem>>)
      %dma_wait3A = arith.constant 0 : i32
      %dma_wait3A_73 = tpu.memref_slice %arg3[%add3A_26, %dma_wait3A] : memref<4x10240xf32, #tpu.memory_space<hbm>> -> memref<1x10240xf32, #tpu.memory_space<hbm>>
      %dma_wait3A_74 = tpu.memref_squeeze %dma_wait3A_73 : memref<1x10240xf32, #tpu.memory_space<hbm>> -> memref<10240xf32, #tpu.memory_space<hbm>>
      %dma_wait3A_75 = arith.constant 0 : i32
      %dma_wait3A_76 = tpu.memref_slice %arg3[%add3A_26, %dma_wait3A_75] : memref<4x10240xf32, #tpu.memory_space<hbm>> -> memref<1x10240xf32, #tpu.memory_space<hbm>>
      %dma_wait3A_77 = tpu.memref_squeeze %dma_wait3A_76 : memref<1x10240xf32, #tpu.memory_space<hbm>> -> memref<10240xf32, #tpu.memory_space<hbm>>
      tpu.wait_dma2 semaphore(%run_scoped3A : memref<!tpu.dma_semaphore, #tpu.memory_space<semaphore_mem>>) src(%dma_wait3A_77 : memref<10240xf32, #tpu.memory_space<hbm>>) dst(%arg8 : memref<10240xf32, #tpu.memory_space<vmem>>)
      tpu.yield
    }) : () -> ()
    %broadcast_in_dim3A_27 = arith.constant 0xFF800000 : f32
    %broadcast_in_dim3A_28 = vector.broadcast %broadcast_in_dim3A_27 : f32 to vector<16xf32>
    %scan3A = arith.constant 0 : i32
    %scan3A_29 = arith.constant 640 : i32
    %scan3A_30 = arith.addi %scan3A, %scan3A_29 : i32
    %scan3A_31 = arith.constant 1 : i32
    %scan3A_32 = scf.for %scan3A_68 = %scan3A to %scan3A_30 step %scan3A_31 iter_args(%scan3A_69 = %broadcast_in_dim3A_28) -> (vector<16xf32>)  : i32 {
      %mul3A_70 = arith.constant 16 : i32
      %mul3A_71 = arith.muli %scan3A_68, %mul3A_70 : i32
      %get3A = arith.index_cast %mul3A_71 : i32 to index
      %get3A_72 = tpu.vector_load %arg7[%get3A] {strides = array<i32>} : memref<10240xf32, #tpu.memory_space<vmem>>, vector<16xf32>,
      %max3A_73 = arith.maximumf %scan3A_69, %get3A_72 : vector<16xf32>
      scf.yield %max3A_73 : vector<16xf32>
    }
    %scan3A_33 = arith.constant 640 : i32
    %reduce_max3A = arith.constant true
    %reduce_max3A_34 = vector.broadcast %reduce_max3A : i1 to vector<16xi1>
    %reduce_max3A_35 = tpu.scan <max>, %scan3A_32 masked %reduce_max3A_34 : vector<16xf32>, vector<16xi1> -> vector<16xf32>
    %reduce_max3A_36 = vector.extract %reduce_max3A_35[15] : f32 from vector<16xf32>
    %broadcast_in_dim3A_37 = arith.constant 0xFF800000 : f32
    %broadcast_in_dim3A_38 = vector.broadcast %broadcast_in_dim3A_37 : f32 to vector<16xf32>
    %scan3A_39 = arith.constant 0 : i32
    %scan3A_40 = arith.constant 640 : i32
    %scan3A_41 = arith.addi %scan3A_39, %scan3A_40 : i32
    %scan3A_42 = arith.constant 1 : i32
    %scan3A_43 = scf.for %scan3A_68 = %scan3A_39 to %scan3A_41 step %scan3A_42 iter_args(%scan3A_69 = %broadcast_in_dim3A_38) -> (vector<16xf32>)  : i32 {
      %mul3A_70 = arith.constant 16 : i32
      %mul3A_71 = arith.muli %scan3A_68, %mul3A_70 : i32
      %get3A = arith.index_cast %mul3A_71 : i32 to index
      %get3A_72 = tpu.vector_load %arg8[%get3A] {strides = array<i32>} : memref<10240xf32, #tpu.memory_space<vmem>>, vector<16xf32>,
      %max3A_73 = arith.maximumf %scan3A_69, %get3A_72 : vector<16xf32>
      scf.yield %max3A_73 : vector<16xf32>
    }
    %scan3A_44 = arith.constant 640 : i32
    %reduce_max3A_45 = arith.constant true
    %reduce_max3A_46 = vector.broadcast %reduce_max3A_45 : i1 to vector<16xi1>
    %reduce_max3A_47 = tpu.scan <max>, %scan3A_43 masked %reduce_max3A_46 : vector<16xf32>, vector<16xi1> -> vector<16xf32>
    %reduce_max3A_48 = vector.extract %reduce_max3A_47[15] : f32 from vector<16xf32>
    %add3A_49 = arith.addf %reduce_max3A_36, %reduce_max3A_48 : f32
    %mul3A_50 = arith.constant 2.000000e-01 : f32
    %mul3A_51 = arith.mulf %mul3A_50, %add3A_49 : f32
    %max3A = arith.maximumf %add3A_49, %mul3A_51 : f32
    %mul3A_52 = arith.constant 10240 : i32
    %mul3A_53 = arith.muli %arg0, %mul3A_52 : i32
    %broadcast_in_dim3A_54 = vector.broadcast %mul3A_53 : i32 to vector<16xi32>
    %mul3A_55 = arith.constant 16 : i32
    %mul3A_56 = arith.muli %arg0, %mul3A_55 : i32
    %add3A_57 = arith.addi %mul3A_56, %arg1 : i32
    %scan3A_58 = arith.constant 0 : i32
    %scan3A_59 = arith.constant 162 : i32
    %scan3A_60 = arith.addi %scan3A_58, %scan3A_59 : i32
    %scan3A_61 = arith.constant 1 : i32
    scf.for %scan3A_68 = %scan3A_58 to %scan3A_60 step %scan3A_61  : i32 {
      %mul3A_69 = arith.constant 1 : i32
      %mul3A_70 = arith.muli %scan3A_68, %mul3A_69 : i32
      %add3A_71 = arith.constant 0 : i32
      %add3A_72 = arith.addi %add3A_71, %mul3A_70 : i32
      "tpu.region"() ({
        %run_scoped3A_91 = tpu.sem_alloc : memref<!tpu.dma_semaphore, #tpu.memory_space<semaphore_mem>>
        %dma_start3A_92 = arith.constant 0 : i32
        %dma_start3A_93 = arith.constant 0 : i32
        %dma_start3A_94 = tpu.memref_slice %arg2[%add3A_57, %add3A_72, %dma_start3A_92, %dma_start3A_93] : memref<32x162x2x128xi32, #tpu.memory_space<hbm>> -> memref<1x1x2x128xi32, #tpu.memory_space<hbm>>
        %dma_start3A_95 = tpu.memref_squeeze %dma_start3A_94 : memref<1x1x2x128xi32, #tpu.memory_space<hbm>> -> memref<2x128xi32, #tpu.memory_space<hbm>>
        %dma_start3A_96 = arith.constant 0 : i32
        %dma_start3A_97 = arith.constant 0 : i32
        %dma_start3A_98 = tpu.memref_slice %arg2[%add3A_57, %add3A_72, %dma_start3A_96, %dma_start3A_97] : memref<32x162x2x128xi32, #tpu.memory_space<hbm>> -> memref<1x1x2x128xi32, #tpu.memory_space<hbm>>
        %dma_start3A_99 = tpu.memref_squeeze %dma_start3A_98 : memref<1x1x2x128xi32, #tpu.memory_space<hbm>> -> memref<2x128xi32, #tpu.memory_space<hbm>>
        tpu.enqueue_dma source(%dma_start3A_99 : memref<2x128xi32, #tpu.memory_space<hbm>>) target(%arg6 : memref<2x128xi32, #tpu.memory_space<vmem>>) target_semaphore(%run_scoped3A_91 : memref<!tpu.dma_semaphore, #tpu.memory_space<semaphore_mem>>)
        %dma_wait3A_100 = arith.constant 0 : i32
        %dma_wait3A_101 = arith.constant 0 : i32
        %dma_wait3A_102 = tpu.memref_slice %arg2[%add3A_57, %add3A_72, %dma_wait3A_100, %dma_wait3A_101] : memref<32x162x2x128xi32, #tpu.memory_space<hbm>> -> memref<1x1x2x128xi32, #tpu.memory_space<hbm>>
        %dma_wait3A_103 = tpu.memref_squeeze %dma_wait3A_102 : memref<1x1x2x128xi32, #tpu.memory_space<hbm>> -> memref<2x128xi32, #tpu.memory_space<hbm>>
        %dma_wait3A_104 = arith.constant 0 : i32
        %dma_wait3A_105 = arith.constant 0 : i32
        %dma_wait3A_106 = tpu.memref_slice %arg2[%add3A_57, %add3A_72, %dma_wait3A_104, %dma_wait3A_105] : memref<32x162x2x128xi32, #tpu.memory_space<hbm>> -> memref<1x1x2x128xi32, #tpu.memory_space<hbm>>
        %dma_wait3A_107 = tpu.memref_squeeze %dma_wait3A_106 : memref<1x1x2x128xi32, #tpu.memory_space<hbm>> -> memref<2x128xi32, #tpu.memory_space<hbm>>
        tpu.wait_dma2 semaphore(%run_scoped3A_91 : memref<!tpu.dma_semaphore, #tpu.memory_space<semaphore_mem>>) src(%dma_wait3A_107 : memref<2x128xi32, #tpu.memory_space<hbm>>) dst(%arg6 : memref<2x128xi32, #tpu.memory_space<vmem>>)
        tpu.yield
      }) : () -> ()
      %dma_start3A = arith.constant 0 : i32
      %dma_start3A_73 = arith.constant 0 : i32
      %dma_start3A_74 = tpu.memref_slice %arg6[%dma_start3A, %dma_start3A_73] : memref<2x128xi32, #tpu.memory_space<vmem>> -> memref<1x128xi32, #tpu.memory_space<vmem>>
      %dma_start3A_75 = tpu.memref_squeeze %dma_start3A_74 : memref<1x128xi32, #tpu.memory_space<vmem>> -> memref<128xi32, #tpu.memory_space<vmem>>
      %dma_start3A_76 = arith.constant 0 : i32
      %dma_start3A_77 = arith.constant 0 : i32
      %dma_start3A_78 = tpu.memref_slice %arg4[%dma_start3A_76, %dma_start3A_77] : memref<20480x128xf32, #tpu.memory_space<hbm>> -> memref<20480x128xf32, #tpu.memory_space<hbm>>
      tpu.enqueue_indirect_dma source(%dma_start3A_78 : memref<20480x128xf32, #tpu.memory_space<hbm>>) target(%arg10 : memref<128x128xf32, #tpu.memory_space<vmem>>) offsets(%dma_start3A_75 : memref<128xi32, #tpu.memory_space<vmem>>) semaphore(%arg12 : memref<!tpu.dma_semaphore, #tpu.memory_space<semaphore_mem>>)
      %parallel_loop3A_79 = arith.constant 0 : i32
      %parallel_loop3A_80 = arith.constant 8 : i32
      %parallel_loop3A_81 = arith.constant 1 : i32
      scf.for %parallel_loop3A_91 = %parallel_loop3A_79 to %parallel_loop3A_80 step %parallel_loop3A_81  : i32 {
        %parallel_loop3A_92 = arith.constant 16 : i32
        %parallel_loop3A_93 = arith.muli %parallel_loop3A_91, %parallel_loop3A_92 : i32
        %parallel_loop3A_94 = arith.constant 0 : i32
        %parallel_loop3A_95 = arith.index_cast %parallel_loop3A_94 : i32 to index
        %parallel_loop3A_96 = arith.index_cast %parallel_loop3A_93 : i32 to index
        %parallel_loop3A_97 = tpu.vector_load %arg6[%parallel_loop3A_95, %parallel_loop3A_96] {strides = array<i32>} : memref<2x128xi32, #tpu.memory_space<vmem>>, vector<16xi32>,
        %parallel_loop3A_98 = arith.constant 16 : i32
        %parallel_loop3A_99 = arith.muli %parallel_loop3A_91, %parallel_loop3A_98 : i32
        %parallel_loop3A_100 = arith.constant 1 : i32
        %parallel_loop3A_101 = arith.index_cast %parallel_loop3A_100 : i32 to index
        %parallel_loop3A_102 = arith.index_cast %parallel_loop3A_99 : i32 to index
        %parallel_loop3A_103 = tpu.vector_load %arg6[%parallel_loop3A_101, %parallel_loop3A_102] {strides = array<i32>} : memref<2x128xi32, #tpu.memory_space<vmem>>, vector<16xi32>,
        %parallel_loop3A_104 = arith.subi %parallel_loop3A_97, %broadcast_in_dim3A_54 : vector<16xi32>
        %parallel_loop3A_105 = tpu.vector_load_idx %arg7[%parallel_loop3A_104] : memref<10240xf32, #tpu.memory_space<vmem>>[vector<16xi32>], vector<16xf32>,
        %parallel_loop3A_106 = tpu.vector_load_idx %arg8[%parallel_loop3A_103] : memref<10240xf32, #tpu.memory_space<vmem>>[vector<16xi32>], vector<16xf32>,
        %parallel_loop3A_107 = arith.addf %parallel_loop3A_105, %parallel_loop3A_106 : vector<16xf32>
        %parallel_loop3A_108 = arith.constant 2.000000e-01 : f32
        %parallel_loop3A_109 = vector.broadcast %parallel_loop3A_108 : f32 to vector<16xf32>
        %parallel_loop3A_110 = arith.mulf %parallel_loop3A_109, %parallel_loop3A_107 : vector<16xf32>
        %parallel_loop3A_111 = arith.maximumf %parallel_loop3A_107, %parallel_loop3A_110 : vector<16xf32>
        %parallel_loop3A_112 = vector.broadcast %max3A : f32 to vector<16xf32>
        %parallel_loop3A_113 = arith.subf %parallel_loop3A_111, %parallel_loop3A_112 : vector<16xf32>
        %parallel_loop3A_114 = math.exp %parallel_loop3A_113 : vector<16xf32>
        %parallel_loop3A_115 = arith.constant 16 : i32
        %parallel_loop3A_116 = arith.muli %parallel_loop3A_91, %parallel_loop3A_115 : i32
        %parallel_loop3A_117 = arith.index_cast %parallel_loop3A_116 : i32 to index
        %parallel_loop3A_118 = tpu.vector_load %arg9[%parallel_loop3A_117] {strides = array<i32>} : memref<128xf32, #tpu.memory_space<vmem>>, vector<16xf32>,
        tpu.vector_store %arg9[%parallel_loop3A_117], %parallel_loop3A_114 {strides = array<i32>} : memref<128xf32, #tpu.memory_space<vmem>>, vector<16xf32>,
      } {sc.loop_unroll_factor = 2 : i64, sc.parallel_access}
      %dma_wait3A = arith.constant 0 : i32
      %dma_wait3A_82 = arith.constant 0 : i32
      %dma_wait3A_83 = tpu.memref_slice %arg6[%dma_wait3A, %dma_wait3A_82] : memref<2x128xi32, #tpu.memory_space<vmem>> -> memref<1x128xi32, #tpu.memory_space<vmem>>
      %dma_wait3A_84 = tpu.memref_squeeze %dma_wait3A_83 : memref<1x128xi32, #tpu.memory_space<vmem>> -> memref<128xi32, #tpu.memory_space<vmem>>
      %dma_wait3A_85 = arith.constant 0 : i32
      %dma_wait3A_86 = arith.constant 0 : i32
      %dma_wait3A_87 = tpu.memref_slice %arg4[%dma_wait3A_85, %dma_wait3A_86] : memref<20480x128xf32, #tpu.memory_space<hbm>> -> memref<20480x128xf32, #tpu.memory_space<hbm>>
      tpu.wait_indirect_dma semaphore(%arg12 : memref<!tpu.dma_semaphore, #tpu.memory_space<semaphore_mem>>) src(%dma_wait3A_87 : memref<20480x128xf32, #tpu.memory_space<hbm>>) dst(%arg10 : memref<128x128xf32, #tpu.memory_space<vmem>>)
      %parallel_loop3A_88 = arith.constant 0 : i32
      %parallel_loop3A_89 = arith.constant 128 : i32
      %parallel_loop3A_90 = arith.constant 1 : i32
      scf.for %parallel_loop3A_91 = %parallel_loop3A_88 to %parallel_loop3A_89 step %parallel_loop3A_90  : i32 {
        %parallel_loop3A_92 = vector.broadcast %parallel_loop3A_91 : i32 to vector<16xi32>
        %parallel_loop3A_93 = tpu.vector_load_idx %arg9[%parallel_loop3A_92] : memref<128xf32, #tpu.memory_space<vmem>>[vector<16xi32>], vector<16xf32>,
        %parallel_loop3A_94 = arith.index_cast %parallel_loop3A_91 : i32 to index
        %parallel_loop3A_95 = arith.constant 0 : index
        %parallel_loop3A_96 = tpu.vector_load %arg10[%parallel_loop3A_94, %parallel_loop3A_95] {strides = array<i32>} : memref<128x128xf32, #tpu.memory_space<vmem>>, vector<16xf32>,
        %parallel_loop3A_97 = arith.mulf %parallel_loop3A_96, %parallel_loop3A_93 : vector<16xf32>
        %parallel_loop3A_98 = arith.index_cast %parallel_loop3A_91 : i32 to index
        %parallel_loop3A_99 = arith.constant 0 : index
        %parallel_loop3A_100 = tpu.vector_load %arg10[%parallel_loop3A_98, %parallel_loop3A_99] {strides = array<i32>} : memref<128x128xf32, #tpu.memory_space<vmem>>, vector<16xf32>,
        tpu.vector_store %arg10[%parallel_loop3A_98, %parallel_loop3A_99], %parallel_loop3A_97 {strides = array<i32>} : memref<128x128xf32, #tpu.memory_space<vmem>>, vector<16xf32>,
        %parallel_loop3A_101 = arith.index_cast %parallel_loop3A_91 : i32 to index
        %parallel_loop3A_102 = arith.constant 16 : index
        %parallel_loop3A_103 = tpu.vector_load %arg10[%parallel_loop3A_101, %parallel_loop3A_102] {strides = array<i32>} : memref<128x128xf32, #tpu.memory_space<vmem>>, vector<16xf32>,
        %parallel_loop3A_104 = arith.mulf %parallel_loop3A_103, %parallel_loop3A_93 : vector<16xf32>
        %parallel_loop3A_105 = arith.index_cast %parallel_loop3A_91 : i32 to index
        %parallel_loop3A_106 = arith.constant 16 : index
        %parallel_loop3A_107 = tpu.vector_load %arg10[%parallel_loop3A_105, %parallel_loop3A_106] {strides = array<i32>} : memref<128x128xf32, #tpu.memory_space<vmem>>, vector<16xf32>,
        tpu.vector_store %arg10[%parallel_loop3A_105, %parallel_loop3A_106], %parallel_loop3A_104 {strides = array<i32>} : memref<128x128xf32, #tpu.memory_space<vmem>>, vector<16xf32>,
        %parallel_loop3A_108 = arith.index_cast %parallel_loop3A_91 : i32 to index
        %parallel_loop3A_109 = arith.constant 32 : index
        %parallel_loop3A_110 = tpu.vector_load %arg10[%parallel_loop3A_108, %parallel_loop3A_109] {strides = array<i32>} : memref<128x128xf32, #tpu.memory_space<vmem>>, vector<16xf32>,
        %parallel_loop3A_111 = arith.mulf %parallel_loop3A_110, %parallel_loop3A_93 : vector<16xf32>
        %parallel_loop3A_112 = arith.index_cast %parallel_loop3A_91 : i32 to index
        %parallel_loop3A_113 = arith.constant 32 : index
        %parallel_loop3A_114 = tpu.vector_load %arg10[%parallel_loop3A_112, %parallel_loop3A_113] {strides = array<i32>} : memref<128x128xf32, #tpu.memory_space<vmem>>, vector<16xf32>,
        tpu.vector_store %arg10[%parallel_loop3A_112, %parallel_loop3A_113], %parallel_loop3A_111 {strides = array<i32>} : memref<128x128xf32, #tpu.memory_space<vmem>>, vector<16xf32>,
        %parallel_loop3A_115 = arith.index_cast %parallel_loop3A_91 : i32 to index
        %parallel_loop3A_116 = arith.constant 48 : index
        %parallel_loop3A_117 = tpu.vector_load %arg10[%parallel_loop3A_115, %parallel_loop3A_116] {strides = array<i32>} : memref<128x128xf32, #tpu.memory_space<vmem>>, vector<16xf32>,
        %parallel_loop3A_118 = arith.mulf %parallel_loop3A_117, %parallel_loop3A_93 : vector<16xf32>
        %parallel_loop3A_119 = arith.index_cast %parallel_loop3A_91 : i32 to index
        %parallel_loop3A_120 = arith.constant 48 : index
        %parallel_loop3A_121 = tpu.vector_load %arg10[%parallel_loop3A_119, %parallel_loop3A_120] {strides = array<i32>} : memref<128x128xf32, #tpu.memory_space<vmem>>, vector<16xf32>,
        tpu.vector_store %arg10[%parallel_loop3A_119, %parallel_loop3A_120], %parallel_loop3A_118 {strides = array<i32>} : memref<128x128xf32, #tpu.memory_space<vmem>>, vector<16xf32>,
        %parallel_loop3A_122 = arith.index_cast %parallel_loop3A_91 : i32 to index
        %parallel_loop3A_123 = arith.constant 64 : index
        %parallel_loop3A_124 = tpu.vector_load %arg10[%parallel_loop3A_122, %parallel_loop3A_123] {strides = array<i32>} : memref<128x128xf32, #tpu.memory_space<vmem>>, vector<16xf32>,
        %parallel_loop3A_125 = arith.mulf %parallel_loop3A_124, %parallel_loop3A_93 : vector<16xf32>
        %parallel_loop3A_126 = arith.index_cast %parallel_loop3A_91 : i32 to index
        %parallel_loop3A_127 = arith.constant 64 : index
        %parallel_loop3A_128 = tpu.vector_load %arg10[%parallel_loop3A_126, %parallel_loop3A_127] {strides = array<i32>} : memref<128x128xf32, #tpu.memory_space<vmem>>, vector<16xf32>,
        tpu.vector_store %arg10[%parallel_loop3A_126, %parallel_loop3A_127], %parallel_loop3A_125 {strides = array<i32>} : memref<128x128xf32, #tpu.memory_space<vmem>>, vector<16xf32>,
      } {sc.loop_unroll_factor = 8 : i64, sc.parallel_access}
      %run_scoped3A = arith.constant 1 : i32
      "tpu.region"() ({
        %run_scoped3A_91 = tpu.sem_alloc : memref<!tpu.dma_semaphore, #tpu.memory_space<semaphore_mem>>
        %dma_start3A_92 = arith.constant 0 : i32
        %dma_start3A_93 = tpu.memref_slice %arg6[%run_scoped3A, %dma_start3A_92] : memref<2x128xi32, #tpu.memory_space<vmem>> -> memref<1x128xi32, #tpu.memory_space<vmem>>
        %dma_start3A_94 = tpu.memref_squeeze %dma_start3A_93 : memref<1x128xi32, #tpu.memory_space<vmem>> -> memref<128xi32, #tpu.memory_space<vmem>>
        %dma_start3A_95 = arith.constant 0 : i32
        %dma_start3A_96 = arith.constant 0 : i32
        %dma_start3A_97 = tpu.memref_slice %arg11[%dma_start3A_95, %dma_start3A_96] : memref<10240x128xf32, #tpu.memory_space<vmem_shared>> -> memref<10240x128xf32, #tpu.memory_space<vmem_shared>>
        tpu.enqueue_indirect_dma source(%arg10 : memref<128x128xf32, #tpu.memory_space<vmem>>) target(%dma_start3A_97 : memref<10240x128xf32, #tpu.memory_space<vmem_shared>>) offsets(%dma_start3A_94 : memref<128xi32, #tpu.memory_space<vmem>>) semaphore(%run_scoped3A_91 : memref<!tpu.dma_semaphore, #tpu.memory_space<semaphore_mem>>) {add = true}
        %dma_wait3A_98 = arith.constant 0 : i32
        %dma_wait3A_99 = tpu.memref_slice %arg6[%run_scoped3A, %dma_wait3A_98] : memref<2x128xi32, #tpu.memory_space<vmem>> -> memref<1x128xi32, #tpu.memory_space<vmem>>
        %dma_wait3A_100 = tpu.memref_squeeze %dma_wait3A_99 : memref<1x128xi32, #tpu.memory_space<vmem>> -> memref<128xi32, #tpu.memory_space<vmem>>
        %dma_wait3A_101 = arith.constant 0 : i32
        %dma_wait3A_102 = arith.constant 0 : i32
        %dma_wait3A_103 = tpu.memref_slice %arg11[%dma_wait3A_101, %dma_wait3A_102] : memref<10240x128xf32, #tpu.memory_space<vmem_shared>> -> memref<10240x128xf32, #tpu.memory_space<vmem_shared>>
        tpu.wait_indirect_dma semaphore(%run_scoped3A_91 : memref<!tpu.dma_semaphore, #tpu.memory_space<semaphore_mem>>) src(%arg10 : memref<128x128xf32, #tpu.memory_space<vmem>>) dst(%dma_wait3A_103 : memref<10240x128xf32, #tpu.memory_space<vmem_shared>>)
        tpu.yield
      }) : () -> ()
    }
    %scan3A_62 = arith.constant 162 : i32
    %barrier3A_63 = arith.constant 0 : index
    tpu.barrier barrier_id(%barrier3A_63)
    %mul3A_64 = arith.constant 640 : i32
    %mul3A_65 = arith.muli %arg1, %mul3A_64 : i32
    %mul3A_66 = arith.constant 640 : i32
    %mul3A_67 = arith.muli %arg1, %mul3A_66 : i32
    "tpu.region"() ({
      %run_scoped3A = tpu.sem_alloc : memref<!tpu.dma_semaphore, #tpu.memory_space<semaphore_mem>>
      %dma_start3A = arith.constant 0 : i32
      %dma_start3A_68 = tpu.memref_slice %arg5[%arg0, %mul3A_67, %dma_start3A] : memref<2x10240x128xf32, #tpu.memory_space<hbm>> -> memref<1x640x128xf32, #tpu.memory_space<hbm>>
      %dma_start3A_69 = tpu.memref_squeeze %dma_start3A_68 : memref<1x640x128xf32, #tpu.memory_space<hbm>> -> memref<640x128xf32, #tpu.memory_space<hbm>>
      %dma_start3A_70 = arith.constant 0 : i32
      %dma_start3A_71 = tpu.memref_slice %arg11[%mul3A_65, %dma_start3A_70] : memref<10240x128xf32, #tpu.memory_space<vmem_shared>> -> memref<640x128xf32, #tpu.memory_space<vmem_shared>>
      tpu.enqueue_dma source(%dma_start3A_71 : memref<640x128xf32, #tpu.memory_space<vmem_shared>>) target(%dma_start3A_69 : memref<640x128xf32, #tpu.memory_space<hbm>>) target_semaphore(%run_scoped3A : memref<!tpu.dma_semaphore, #tpu.memory_space<semaphore_mem>>)
      %dma_wait3A = arith.constant 0 : i32
      %dma_wait3A_72 = tpu.memref_slice %arg5[%arg0, %mul3A_67, %dma_wait3A] : memref<2x10240x128xf32, #tpu.memory_space<hbm>> -> memref<1x640x128xf32, #tpu.memory_space<hbm>>
      %dma_wait3A_73 = tpu.memref_squeeze %dma_wait3A_72 : memref<1x640x128xf32, #tpu.memory_space<hbm>> -> memref<640x128xf32, #tpu.memory_space<hbm>>
      %dma_wait3A_74 = arith.constant 0 : i32
      %dma_wait3A_75 = tpu.memref_slice %arg11[%mul3A_65, %dma_wait3A_74] : memref<10240x128xf32, #tpu.memory_space<vmem_shared>> -> memref<640x128xf32, #tpu.memory_space<vmem_shared>>
      tpu.wait_dma2 semaphore(%run_scoped3A : memref<!tpu.dma_semaphore, #tpu.memory_space<semaphore_mem>>) src(%dma_wait3A_75 : memref<640x128xf32, #tpu.memory_space<vmem_shared>>) dst(%dma_wait3A_73 : memref<640x128xf32, #tpu.memory_space<hbm>>)
      tpu.yield
    }) : () -> ()
    return
  }
}

module attributes {stable_mosaic.version = 14 : i64} {
  func.func @_dense1_body(%arg0: i32, %arg1: i32, %arg2: memref<512x128xf32, #tpu.memory_space<vmem>>, %arg3: memref<1x128x64xf32, #tpu.memory_space<vmem>>, %arg4: memref<1x1x64xf32, #tpu.memory_space<vmem>>, %arg5: memref<1x1x64xf32, #tpu.memory_space<vmem>>, %arg6: memref<1x512x128xf32, #tpu.memory_space<vmem>>, %arg7: memref<1x2x512xf32, #tpu.memory_space<vmem>>) attributes {dimension_semantics = [#tpu.dimension_semantics<arbitrary>, #tpu.dimension_semantics<arbitrary>], iteration_bounds = array<i64: 2, 20>, scalar_prefetch = 0 : i64, scratch_operands = 0 : i64, tpu.core_type = #tpu.core_type<tc>, window_params = [{transform_indices = @transform_0, window_bounds = array<i64: 512, 128>}, {transform_indices = @transform_1, window_bounds = array<i64: 1, 128, 64>}, {transform_indices = @transform_2, window_bounds = array<i64: 1, 1, 64>}, {transform_indices = @transform_3, window_bounds = array<i64: 1, 1, 64>}, {transform_indices = @transform_4, window_bounds = array<i64: 1, 512, 128>}, {transform_indices = @transform_5, window_bounds = array<i64: 1, 2, 512>}]} {
    %get3A = arith.constant 0 : index
    %get3A_0 = arith.constant 0 : index
    %get3A_1 = vector.load %arg2[%get3A, %get3A_0] : memref<512x128xf32, #tpu.memory_space<vmem>>, vector<512x128xf32>
    %get3A_2 = arith.constant 0 : index
    %get3A_3 = arith.constant 0 : index
    %get3A_4 = arith.constant 0 : index
    %get3A_5 = vector.load %arg3[%get3A_2, %get3A_3, %get3A_4] : memref<1x128x64xf32, #tpu.memory_space<vmem>>, vector<1x128x64xf32>
    %get3A_6 = vector.shape_cast %get3A_5 : vector<1x128x64xf32> to vector<128x64xf32>
    %dot_general3A = arith.constant dense<0.000000e+00> : vector<512x64xf32>
    %dot_general3A_7 = tpu.matmul %get3A_1, %get3A_6, %dot_general3A {dimension_numbers = #tpu.dot_dimension_numbers<[1], [0], [0], [1], [0, 0, 1, 1], [], []>, transpose_lhs_hint = false} : vector<512x128xf32>, vector<128x64xf32>, vector<512x64xf32> -> vector<512x64xf32>
    %iota3A = tpu.iota {dimensions = array<i32: 1>} : vector<512x64xi32>
    %eq3A = arith.constant 0 : i32
    %eq3A_8 = vector.broadcast %eq3A : i32 to vector<512x64xi32>
    %eq3A_9 = arith.cmpi eq, %iota3A, %eq3A_8 : vector<512x64xi32>
    %jit3A = arith.constant 1.000000e+00 : f32
    %jit3A_10 = arith.constant 0.000000e+00 : f32
    %broadcast_in_dim3A = vector.broadcast %jit3A : f32 to vector<512x64xf32>
    %broadcast_in_dim3A_11 = vector.broadcast %jit3A_10 : f32 to vector<512x64xf32>
    %select_n3A = arith.select %eq3A_9, %broadcast_in_dim3A, %broadcast_in_dim3A_11 : vector<512x64xi1>, vector<512x64xf32>
    %concatenate3A = tpu.concatenate %dot_general3A_7, %select_n3A in 1 : vector<512x64xf32>, vector<512x64xf32> -> vector<512x128xf32>
    %broadcast_in_dim3A_12 = vector.shape_cast %concatenate3A : vector<512x128xf32> to vector<1x512x128xf32>
    %swap3A = arith.constant 0 : index
    %swap3A_13 = arith.constant 0 : index
    %swap3A_14 = arith.constant 0 : index
    %swap3A_15 = vector.load %arg6[%swap3A, %swap3A_13, %swap3A_14] : memref<1x512x128xf32, #tpu.memory_space<vmem>>, vector<1x512x128xf32>
    tpu.vector_store %arg6[%swap3A, %swap3A_13, %swap3A_14], %broadcast_in_dim3A_12 {strides = array<i32>} : memref<1x512x128xf32, #tpu.memory_space<vmem>>, vector<1x512x128xf32>,
    %get3A_16 = arith.constant 0 : index
    %get3A_17 = arith.constant 0 : index
    %get3A_18 = arith.constant 0 : index
    %get3A_19 = vector.load %arg4[%get3A_16, %get3A_17, %get3A_18] : memref<1x1x64xf32, #tpu.memory_space<vmem>>, vector<1x1x64xf32>
    %get3A_20 = vector.shape_cast %get3A_19 : vector<1x1x64xf32> to vector<1x64xf32>
    %mul3A = vector.broadcast %get3A_20 : vector<1x64xf32> to vector<512x64xf32>
    %mul3A_21 = arith.mulf %dot_general3A_7, %mul3A : vector<512x64xf32>
    %reduce_sum3A = arith.constant dense<0.000000e+00> : vector<512xf32>
    %reduce_sum3A_22 = vector.multi_reduction <add>, %mul3A_21, %reduce_sum3A [1] : vector<512x64xf32> to vector<512xf32>
    %get3A_23 = arith.constant 0 : index
    %get3A_24 = arith.constant 0 : index
    %get3A_25 = arith.constant 0 : index
    %get3A_26 = vector.load %arg5[%get3A_23, %get3A_24, %get3A_25] : memref<1x1x64xf32, #tpu.memory_space<vmem>>, vector<1x1x64xf32>
    %get3A_27 = vector.shape_cast %get3A_26 : vector<1x1x64xf32> to vector<1x64xf32>
    %mul3A_28 = vector.broadcast %get3A_27 : vector<1x64xf32> to vector<512x64xf32>
    %mul3A_29 = arith.mulf %dot_general3A_7, %mul3A_28 : vector<512x64xf32>
    %reduce_sum3A_30 = arith.constant dense<0.000000e+00> : vector<512xf32>
    %reduce_sum3A_31 = vector.multi_reduction <add>, %mul3A_29, %reduce_sum3A_30 [1] : vector<512x64xf32> to vector<512xf32>
    %stack3A = vector.shape_cast %reduce_sum3A_22 : vector<512xf32> to vector<1x512xf32>
    %stack3A_32 = vector.shape_cast %reduce_sum3A_31 : vector<512xf32> to vector<1x512xf32>
    %stack3A_33 = tpu.concatenate %stack3A, %stack3A_32 in 0 : vector<1x512xf32>, vector<1x512xf32> -> vector<2x512xf32>
    %broadcast_in_dim3A_34 = vector.shape_cast %stack3A_33 : vector<2x512xf32> to vector<1x2x512xf32>
    %swap3A_35 = arith.constant 0 : index
    %swap3A_36 = arith.constant 0 : index
    %swap3A_37 = arith.constant 0 : index
    %swap3A_38 = vector.load %arg7[%swap3A_35, %swap3A_36, %swap3A_37] : memref<1x2x512xf32, #tpu.memory_space<vmem>>, vector<1x2x512xf32>
    tpu.vector_store %arg7[%swap3A_35, %swap3A_36, %swap3A_37], %broadcast_in_dim3A_34 {strides = array<i32>} : memref<1x2x512xf32, #tpu.memory_space<vmem>>, vector<1x2x512xf32>,
    return
  }
  func.func @transform_0(%arg0: i32, %arg1: i32) -> (i32, i32) {
    %c0_i32 = arith.constant 0 : i32
    %c0_i32_0 = arith.constant 0 : i32
    return %arg1, %c0_i32 : i32, i32
  }
  func.func @transform_1(%arg0: i32, %arg1: i32) -> (i32, i32, i32) {
    %c0_i32 = arith.constant 0 : i32
    %c0_i32_0 = arith.constant 0 : i32
    %c0_i32_1 = arith.constant 0 : i32
    return %arg0, %c0_i32, %c0_i32_0 : i32, i32, i32
  }
  func.func @transform_2(%arg0: i32, %arg1: i32) -> (i32, i32, i32) {
    %c0_i32 = arith.constant 0 : i32
    %c0_i32_0 = arith.constant 0 : i32
    %c0_i32_1 = arith.constant 0 : i32
    return %arg0, %c0_i32, %c0_i32_0 : i32, i32, i32
  }
  func.func @transform_3(%arg0: i32, %arg1: i32) -> (i32, i32, i32) {
    %c0_i32 = arith.constant 0 : i32
    %c0_i32_0 = arith.constant 0 : i32
    %c0_i32_1 = arith.constant 0 : i32
    return %arg0, %c0_i32, %c0_i32_0 : i32, i32, i32
  }
  func.func @transform_4(%arg0: i32, %arg1: i32) -> (i32, i32, i32) {
    %c0_i32 = arith.constant 0 : i32
    %c0_i32_0 = arith.constant 0 : i32
    return %arg0, %arg1, %c0_i32 : i32, i32, i32
  }
  func.func @transform_5(%arg0: i32, %arg1: i32) -> (i32, i32, i32) {
    %c0_i32 = arith.constant 0 : i32
    %c0_i32_0 = arith.constant 0 : i32
    return %arg0, %c0_i32, %arg1 : i32, i32, i32
  }
}

module attributes {stable_mosaic.version = 14 : i64} {
  func.func @_dense2_body(%arg0: i32, %arg1: memref<2x512x128xf32, #tpu.memory_space<vmem>>, %arg2: memref<128x64xf32, #tpu.memory_space<vmem>>, %arg3: memref<1x64xf32, #tpu.memory_space<vmem>>, %arg4: memref<1x64xf32, #tpu.memory_space<vmem>>, %arg5: memref<128xf32, #tpu.memory_space<vmem>>, %arg6: memref<512x128xf32, #tpu.memory_space<vmem>>, %arg7: memref<2x512xf32, #tpu.memory_space<vmem>>) attributes {dimension_semantics = [#tpu.dimension_semantics<arbitrary>], iteration_bounds = array<i64: 20>, scalar_prefetch = 0 : i64, scratch_operands = 0 : i64, tpu.core_type = #tpu.core_type<tc>, window_params = [{transform_indices = @transform_0, window_bounds = array<i64: 2, 512, 128>}, {pipeline_mode = #tpu.pipeline_mode<synchronous>, transform_indices = @transform_1, window_bounds = array<i64: 128, 64>}, {pipeline_mode = #tpu.pipeline_mode<synchronous>, transform_indices = @transform_2, window_bounds = array<i64: 1, 64>}, {pipeline_mode = #tpu.pipeline_mode<synchronous>, transform_indices = @transform_3, window_bounds = array<i64: 1, 64>}, {pipeline_mode = #tpu.pipeline_mode<synchronous>, transform_indices = @transform_4, window_bounds = array<i64: 128>}, {transform_indices = @transform_5, window_bounds = array<i64: 512, 128>}, {transform_indices = @transform_6, window_bounds = array<i64: 2, 512>}]} {
    %get3A = arith.constant 0 : index
    %get3A_0 = arith.constant 0 : index
    %get3A_1 = arith.constant 0 : index
    %get3A_2 = vector.load %arg1[%get3A, %get3A_0, %get3A_1] : memref<2x512x128xf32, #tpu.memory_space<vmem>>, vector<1x512x64xf32>
    %get3A_3 = vector.shape_cast %get3A_2 : vector<1x512x64xf32> to vector<512x64xf32>
    %get3A_4 = arith.constant 1 : index
    %get3A_5 = arith.constant 0 : index
    %get3A_6 = arith.constant 0 : index
    %get3A_7 = vector.load %arg1[%get3A_4, %get3A_5, %get3A_6] : memref<2x512x128xf32, #tpu.memory_space<vmem>>, vector<1x512x64xf32>
    %get3A_8 = vector.shape_cast %get3A_7 : vector<1x512x64xf32> to vector<512x64xf32>
    %get3A_9 = arith.constant 0 : index
    %get3A_10 = arith.constant 0 : index
    %get3A_11 = arith.constant 64 : index
    %get3A_12 = vector.load %arg1[%get3A_9, %get3A_10, %get3A_11] : memref<2x512x128xf32, #tpu.memory_space<vmem>>, vector<1x512x1xf32>
    %get3A_13 = vector.shape_cast %get3A_12 : vector<1x512x1xf32> to vector<512x1xf32>
    %add3A = arith.constant 1.000000e-16 : f32
    %add3A_14 = vector.broadcast %add3A : f32 to vector<512x1xf32>
    %add3A_15 = arith.addf %get3A_13, %add3A_14 : vector<512x1xf32>
    %get3A_16 = arith.constant 1 : index
    %get3A_17 = arith.constant 0 : index
    %get3A_18 = arith.constant 64 : index
    %get3A_19 = vector.load %arg1[%get3A_16, %get3A_17, %get3A_18] : memref<2x512x128xf32, #tpu.memory_space<vmem>>, vector<1x512x1xf32>
    %get3A_20 = vector.shape_cast %get3A_19 : vector<1x512x1xf32> to vector<512x1xf32>
    %add3A_21 = arith.constant 1.000000e-16 : f32
    %add3A_22 = vector.broadcast %add3A_21 : f32 to vector<512x1xf32>
    %add3A_23 = arith.addf %get3A_20, %add3A_22 : vector<512x1xf32>
    %div3A = vector.broadcast %add3A_15 : vector<512x1xf32> to vector<512x64xf32>
    %div3A_24 = arith.divf %get3A_3, %div3A : vector<512x64xf32>
    %div3A_25 = vector.broadcast %add3A_23 : vector<512x1xf32> to vector<512x64xf32>
    %div3A_26 = arith.divf %get3A_8, %div3A_25 : vector<512x64xf32>
    %concatenate3A = tpu.concatenate %div3A_24, %div3A_26 in 1 : vector<512x64xf32>, vector<512x64xf32> -> vector<512x128xf32>
    %get3A_27 = arith.constant 0 : index
    %get3A_28 = vector.load %arg5[%get3A_27] : memref<128xf32, #tpu.memory_space<vmem>>, vector<128xf32>
    %broadcast_in_dim3A = vector.shape_cast %get3A_28 : vector<128xf32> to vector<1x128xf32>
    %add3A_29 = vector.broadcast %broadcast_in_dim3A : vector<1x128xf32> to vector<512x128xf32>
    %add3A_30 = arith.addf %concatenate3A, %add3A_29 : vector<512x128xf32>
    %max3A = arith.constant 0.000000e+00 : f32
    %max3A_31 = vector.broadcast %max3A : f32 to vector<512x128xf32>
    %max3A_32 = arith.maximumf %add3A_30, %max3A_31 : vector<512x128xf32>
    %get3A_33 = arith.constant 0 : index
    %get3A_34 = arith.constant 0 : index
    %get3A_35 = vector.load %arg2[%get3A_33, %get3A_34] : memref<128x64xf32, #tpu.memory_space<vmem>>, vector<128x64xf32>
    %dot_general3A = arith.constant dense<0.000000e+00> : vector<512x64xf32>
    %dot_general3A_36 = tpu.matmul %max3A_32, %get3A_35, %dot_general3A {dimension_numbers = #tpu.dot_dimension_numbers<[1], [0], [0], [1], [0, 0, 1, 1], [], []>, transpose_lhs_hint = false} : vector<512x128xf32>, vector<128x64xf32>, vector<512x64xf32> -> vector<512x64xf32>
    %iota3A = tpu.iota {dimensions = array<i32: 1>} : vector<512x64xi32>
    %eq3A = arith.constant 0 : i32
    %eq3A_37 = vector.broadcast %eq3A : i32 to vector<512x64xi32>
    %eq3A_38 = arith.cmpi eq, %iota3A, %eq3A_37 : vector<512x64xi32>
    %jit3A = arith.constant 1.000000e+00 : f32
    %jit3A_39 = arith.constant 0.000000e+00 : f32
    %broadcast_in_dim3A_40 = vector.broadcast %jit3A : f32 to vector<512x64xf32>
    %broadcast_in_dim3A_41 = vector.broadcast %jit3A_39 : f32 to vector<512x64xf32>
    %select_n3A = arith.select %eq3A_38, %broadcast_in_dim3A_40, %broadcast_in_dim3A_41 : vector<512x64xi1>, vector<512x64xf32>
    %concatenate3A_42 = tpu.concatenate %dot_general3A_36, %select_n3A in 1 : vector<512x64xf32>, vector<512x64xf32> -> vector<512x128xf32>
    %swap3A = arith.constant 0 : index
    %swap3A_43 = arith.constant 0 : index
    %swap3A_44 = vector.load %arg6[%swap3A, %swap3A_43] : memref<512x128xf32, #tpu.memory_space<vmem>>, vector<512x128xf32>
    tpu.vector_store %arg6[%swap3A, %swap3A_43], %concatenate3A_42 {strides = array<i32>} : memref<512x128xf32, #tpu.memory_space<vmem>>, vector<512x128xf32>,
    %get3A_45 = arith.constant 0 : index
    %get3A_46 = arith.constant 0 : index
    %get3A_47 = vector.load %arg3[%get3A_45, %get3A_46] : memref<1x64xf32, #tpu.memory_space<vmem>>, vector<1x64xf32>
    %mul3A = vector.broadcast %get3A_47 : vector<1x64xf32> to vector<512x64xf32>
    %mul3A_48 = arith.mulf %dot_general3A_36, %mul3A : vector<512x64xf32>
    %reduce_sum3A = arith.constant dense<0.000000e+00> : vector<512xf32>
    %reduce_sum3A_49 = vector.multi_reduction <add>, %mul3A_48, %reduce_sum3A [1] : vector<512x64xf32> to vector<512xf32>
    %get3A_50 = arith.constant 0 : index
    %get3A_51 = arith.constant 0 : index
    %get3A_52 = vector.load %arg4[%get3A_50, %get3A_51] : memref<1x64xf32, #tpu.memory_space<vmem>>, vector<1x64xf32>
    %mul3A_53 = vector.broadcast %get3A_52 : vector<1x64xf32> to vector<512x64xf32>
    %mul3A_54 = arith.mulf %dot_general3A_36, %mul3A_53 : vector<512x64xf32>
    %reduce_sum3A_55 = arith.constant dense<0.000000e+00> : vector<512xf32>
    %reduce_sum3A_56 = vector.multi_reduction <add>, %mul3A_54, %reduce_sum3A_55 [1] : vector<512x64xf32> to vector<512xf32>
    %stack3A = vector.shape_cast %reduce_sum3A_49 : vector<512xf32> to vector<1x512xf32>
    %stack3A_57 = vector.shape_cast %reduce_sum3A_56 : vector<512xf32> to vector<1x512xf32>
    %stack3A_58 = tpu.concatenate %stack3A, %stack3A_57 in 0 : vector<1x512xf32>, vector<1x512xf32> -> vector<2x512xf32>
    %swap3A_59 = arith.constant 0 : index
    %swap3A_60 = arith.constant 0 : index
    %swap3A_61 = vector.load %arg7[%swap3A_59, %swap3A_60] : memref<2x512xf32, #tpu.memory_space<vmem>>, vector<2x512xf32>
    tpu.vector_store %arg7[%swap3A_59, %swap3A_60], %stack3A_58 {strides = array<i32>} : memref<2x512xf32, #tpu.memory_space<vmem>>, vector<2x512xf32>,
    return
  }
  func.func @transform_0(%arg0: i32) -> (i32, i32, i32) {
    %c0_i32 = arith.constant 0 : i32
    %c0_i32_0 = arith.constant 0 : i32
    %c0_i32_1 = arith.constant 0 : i32
    return %c0_i32, %arg0, %c0_i32_0 : i32, i32, i32
  }
  func.func @transform_1(%arg0: i32) -> (i32, i32) {
    %c0_i32 = arith.constant 0 : i32
    %c0_i32_0 = arith.constant 0 : i32
    %c0_i32_1 = arith.constant 0 : i32
    return %c0_i32, %c0_i32_0 : i32, i32
  }
  func.func @transform_2(%arg0: i32) -> (i32, i32) {
    %c0_i32 = arith.constant 0 : i32
    %c0_i32_0 = arith.constant 0 : i32
    %c0_i32_1 = arith.constant 0 : i32
    return %c0_i32, %c0_i32_0 : i32, i32
  }
  func.func @transform_3(%arg0: i32) -> (i32, i32) {
    %c0_i32 = arith.constant 0 : i32
    %c0_i32_0 = arith.constant 0 : i32
    %c0_i32_1 = arith.constant 0 : i32
    return %c0_i32, %c0_i32_0 : i32, i32
  }
  func.func @transform_4(%arg0: i32) -> i32 {
    %c0_i32 = arith.constant 0 : i32
    %c0_i32_0 = arith.constant 0 : i32
    return %c0_i32 : i32
  }
  func.func @transform_5(%arg0: i32) -> (i32, i32) {
    %c0_i32 = arith.constant 0 : i32
    %c0_i32_0 = arith.constant 0 : i32
    return %arg0, %c0_i32 : i32, i32
  }
  func.func @transform_6(%arg0: i32) -> (i32, i32) {
    %c0_i32 = arith.constant 0 : i32
    %c0_i32_0 = arith.constant 0 : i32
    return %c0_i32, %arg0 : i32, i32
  }
}

module attributes {stable_mosaic.version = 14 : i64} {
  func.func @_final_body(%arg0: i32, %arg1: memref<2x512x128xf32, #tpu.memory_space<vmem>>, %arg2: memref<64xf32, #tpu.memory_space<vmem>>, %arg3: memref<512x64xf32, #tpu.memory_space<vmem>>) attributes {dimension_semantics = [#tpu.dimension_semantics<arbitrary>], iteration_bounds = array<i64: 20>, scalar_prefetch = 0 : i64, scratch_operands = 0 : i64, tpu.core_type = #tpu.core_type<tc>, window_params = [{transform_indices = @transform_0, window_bounds = array<i64: 2, 512, 128>}, {pipeline_mode = #tpu.pipeline_mode<synchronous>, transform_indices = @transform_1, window_bounds = array<i64: 64>}, {transform_indices = @transform_2, window_bounds = array<i64: 512, 64>}]} {
    %get3A = arith.constant 0 : index
    %get3A_0 = arith.constant 0 : index
    %get3A_1 = arith.constant 0 : index
    %get3A_2 = vector.load %arg1[%get3A, %get3A_0, %get3A_1] : memref<2x512x128xf32, #tpu.memory_space<vmem>>, vector<1x512x128xf32>
    %get3A_3 = vector.shape_cast %get3A_2 : vector<1x512x128xf32> to vector<512x128xf32>
    %get3A_4 = arith.constant 1 : index
    %get3A_5 = arith.constant 0 : index
    %get3A_6 = arith.constant 0 : index
    %get3A_7 = vector.load %arg1[%get3A_4, %get3A_5, %get3A_6] : memref<2x512x128xf32, #tpu.memory_space<vmem>>, vector<1x512x128xf32>
    %get3A_8 = vector.shape_cast %get3A_7 : vector<1x512x128xf32> to vector<512x128xf32>
    %add3A = arith.addf %get3A_3, %get3A_8 : vector<512x128xf32>
    %slice3A = vector.extract_strided_slice %add3A {offsets = [0, 64], sizes = [512, 1], strides = [1, 1]} : vector<512x128xf32> to vector<512x1xf32>
    %add3A_9 = arith.constant 1.000000e-16 : f32
    %add3A_10 = vector.broadcast %add3A_9 : f32 to vector<512x1xf32>
    %add3A_11 = arith.addf %slice3A, %add3A_10 : vector<512x1xf32>
    %slice3A_12 = vector.extract_strided_slice %add3A {offsets = [0, 0], sizes = [512, 64], strides = [1, 1]} : vector<512x128xf32> to vector<512x64xf32>
    %div3A = vector.broadcast %add3A_11 : vector<512x1xf32> to vector<512x64xf32>
    %div3A_13 = arith.divf %slice3A_12, %div3A : vector<512x64xf32>
    %get3A_14 = arith.constant 0 : index
    %get3A_15 = vector.load %arg2[%get3A_14] : memref<64xf32, #tpu.memory_space<vmem>>, vector<64xf32>
    %broadcast_in_dim3A = vector.shape_cast %get3A_15 : vector<64xf32> to vector<1x64xf32>
    %add3A_16 = vector.broadcast %broadcast_in_dim3A : vector<1x64xf32> to vector<512x64xf32>
    %add3A_17 = arith.addf %div3A_13, %add3A_16 : vector<512x64xf32>
    %swap3A = arith.constant 0 : index
    %swap3A_18 = arith.constant 0 : index
    %swap3A_19 = vector.load %arg3[%swap3A, %swap3A_18] : memref<512x64xf32, #tpu.memory_space<vmem>>, vector<512x64xf32>
    tpu.vector_store %arg3[%swap3A, %swap3A_18], %add3A_17 {strides = array<i32>} : memref<512x64xf32, #tpu.memory_space<vmem>>, vector<512x64xf32>,
    return
  }
  func.func @transform_0(%arg0: i32) -> (i32, i32, i32) {
    %c0_i32 = arith.constant 0 : i32
    %c0_i32_0 = arith.constant 0 : i32
    %c0_i32_1 = arith.constant 0 : i32
    return %c0_i32, %arg0, %c0_i32_0 : i32, i32, i32
  }
  func.func @transform_1(%arg0: i32) -> i32 {
    %c0_i32 = arith.constant 0 : i32
    %c0_i32_0 = arith.constant 0 : i32
    return %c0_i32 : i32
  }
  func.func @transform_2(%arg0: i32) -> (i32, i32) {
    %c0_i32 = arith.constant 0 : i32
    %c0_i32_0 = arith.constant 0 : i32
    return %arg0, %c0_i32 : i32, i32
  }
}

</mosaic_0001>

<sc_bundles>
// kernel: kernel.10.cloned.1.call-start
scs
__scs_entry_jumppad:
0x0: {  	(pc) =	sbr.rel $0x88, $3  }
0x1: {  	(tag) =	ssettag $0x0;
	lr =	simm.s32 $0x1  }
0x2: {  	[smem:$0x3F97] =	sst lr;
	_ =	strace $0xD0000000  }
0x3: {  	_ = 	snop  }
0x4: {  	_ = 	snop  }
0x5: {  	_ = 	snop  }
0x6: {  	_ = 	snop  }
0x7: {  	_ = 	snop  }
__scs_overlays_trampoline_lowered:
0x8: {  	[smem:$0x3FA6] =	sst s0  }
0x9: {  	[smem:$0x3FA7] =	sst s1  }
0xa: {  	[smem:$0x3FA8] =	sst s2  }
0xb: {  	[smem:$0x3FA9] =	sst s3  }
0xc: {  	[smem:$0x3FAA] =	sst s4  }
0xd: {  	[smem:$0x3FAB] =	sst s5  }
0xe: {  	[smem:$0x3FAC] =	sst s6  }
0xf: {  	[smem:$0x3FAD] =	sst s7  }
0x10: {  	[smem:$0x3FAE] =	sst s8  }
0x11: {  	[smem:$0x3FAF] =	sst s9;
	s0 =	simm.s32 @!p0 $0x0  }
0x12: {  	s1 =	sld [smem:$0x3F95];
	s0 =	simm.s32 @p0 $0x1  }
0x13: {  	[smem:$0x3FB0] =	sst s0;
	s0 =	simm.s32 @!p1 $0x0  }
0x14: {  	s2 =	sld [smem:$0x3F94];
	s0 =	simm.s32 @p1 $0x1  }
0x15: {  	[smem:$0x3FB1] =	sst s0;
	s0 =	simm.s32 @!p2 $0x0  }
0x16: {  	s3 =	sld [smem:$0x3FDB];
	s0 =	simm.s32 @p2 $0x1  }
0x17: {  	s4 =	simm.s32 $0x1BF5;
	[smem:$0x3FB3] =	sst s0  }
0x18: {  	s0 =	sld [smem:$0x3F96];
	_ =	swait.ge [sflag:s4], $0x0  }
0x19: {  	s7 =	sld [smem:$0x3F97]  }
0x1a: {  	s8 =	sadd.s32 $0xFFFFE003, lr  }
0x1b: {  	s9 =	sadd.s32 $0xFFFFFEF7, lr;
	s5 =	simm.s32 $0xFFFFFFFF;
	p2 =	slt.u32 s8, $0xFFFFF086  }
0x1c: {  	p1 =	slt.u32 s9, $0xF7A;
	s5 =	simm.s32 @!p2 $0x0  }
0x1d: {  	s5 =	simm.s32 @p1 $0x1;
	p0 =	seq.s32 s7, s2  }
0x1e: {  	s7 =	smul.u32 @!p0 $0xF7A, s2;
	p2 =	seq.s32 @!p0 s5, $0x0  }
0x1f: {  	s9 =	smul.u32 $0xF7A, s1;
	s8 =	simm.s32 @!p0 $0x1BF5;
	p2 =	por !p2, p0  }
0x20: {  	[sflag:s8] =	ssyncset.s32 @!p0 $0xFFFFF086;
	s6 =	sadd.s32 @!p0 s3, s7;
	s7 =	simm.s32 @!p0 $0x108  }
0x21: {  	s3 =	sadd.s32 s3, s9;
	s6 =	sadd.s32 @!p0 $0x88, s6;
	s7 =	simm.s32 @p2 $0x1082  }
0x22: {  	[simem:s7], [sflag:s8] =	dma.local @!p0 [hbm:s6], $0xF7A  }
0x23: {  	s9 =	sor.u32 $0xD0000000, s2;
	s6 =	simm.s32 $0x108;
	_ =	swait.ge @!p0 [sflag:s8], $0x0  }
0x24: {  	s3 =	sadd.s32 $0x88, s3;
	s6 =	simm.s32 @!p1 $0x1082;
	[sflag:s4] =	ssyncset.s32 $0xFFFFF086  }
0x25: {  	[simem:s6], [sflag:s4] =	dma.local [hbm:s3], $0xF7A  }
0x26: {  	[smem:$0x3F97] =	sst s1;
	(tag) =	ssettag s2;
	_ =	strace s9  }
0x27: {  	s1 =	sld [smem:$0x3FA7]  }
0x28: {  	s2 =	sld [smem:$0x3FA8]  }
0x29: {  	s4 =	sld [smem:$0x3FAA]  }
0x2a: {  	p0 =	seq.s32 s5, $0x0;
	s5 =	sld [smem:$0x3FAB]  }
0x2b: {  	s6 =	sld [smem:$0x3FAC]  }
0x2c: {  	s7 =	sld [smem:$0x3FAD]  }
0x2d: {  	s3 =	simm.s32 $0x108;
	s8 =	sld [smem:$0x3FAE]  }
0x2e: {  	s3 =	simm.s32 @!p0 $0x1082;
	s9 =	sld [smem:$0x3FAF]  }
0x2f: {  	lr =	sadd.s32 s0, s3;
	s0 =	sld [smem:$0x3FA6]  }
0x30: {  	s3 =	sld [smem:$0x3FA9]  }
0x31: {  	[smem:$0x3FB2] =	sst s10  }
0x32: {  	s10 =	sld [smem:$0x3FB0];
	_ =	sdelay $0x3  }
0x33: {  	p0 =	seq.s32 s10, $0x1;
	s10 =	sld [smem:$0x3FB2];
	_ =	sdelay $0x3  }
0x34: {  	[smem:$0x3FB2] =	sst s10  }
0x35: {  	s10 =	sld [smem:$0x3FB1];
	_ =	sdelay $0x3  }
0x36: {  	p1 =	seq.s32 s10, $0x1;
	s10 =	sld [smem:$0x3FB2];
	_ =	sdelay $0x3  }
0x37: {  	[smem:$0x3FB2] =	sst s10  }
0x38: {  	s10 =	sld [smem:$0x3FB3]  }
0x39: {  	_ = 	snop;
	(pc) =	sbr.ind lr, $3  }
0x3a: {  	_ = 	snop  }
0x3b: {  	_ = 	snop  }
0x3c: {  	p2 =	seq.s32 s10, $0x1;
	s10 =	sld [smem:$0x3FB2]  }
0x3d: {  	_ =	shalt  }
0x3e: {  	_ =	shalt  }
0x3f: {  	_ =	shalt  }
0x40: {  	_ =	shalt  }
0x41: {  	_ =	shalt  }
0x42: {  	_ =	shalt  }
0x43: {  	_ =	shalt  }
0x44: {  	_ =	shalt  }
0x45: {  	_ =	shalt  }
0x46: {  	_ =	shalt  }
0x47: {  	_ =	shalt  }
0x48: {  	_ =	shalt  }
0x49: {  	_ =	shalt  }
0x4a: {  	_ =	shalt  }
0x4b: {  	_ =	shalt  }
0x4c: {  	_ =	shalt  }
0x4d: {  	_ =	shalt  }
0x4e: {  	_ =	shalt  }
0x4f: {  	_ =	shalt  }
0x50: {  	_ =	shalt  }
0x51: {  	_ =	shalt  }
0x52: {  	_ =	shalt  }
0x53: {  	_ =	shalt  }
0x54: {  	_ =	shalt  }
0x55: {  	_ =	shalt  }
0x56: {  	_ =	shalt  }
0x57: {  	_ =	shalt  }
0x58: {  	_ =	shalt  }
0x59: {  	_ =	shalt  }
0x5a: {  	_ =	shalt  }
0x5b: {  	_ =	shalt  }
0x5c: {  	_ =	shalt  }
0x5d: {  	_ =	shalt  }
0x5e: {  	_ =	shalt  }
0x5f: {  	_ =	shalt  }
0x60: {  	_ =	shalt  }
0x61: {  	_ =	shalt  }
0x62: {  	_ =	shalt  }
0x63: {  	_ =	shalt  }
0x64: {  	_ =	shalt  }
0x65: {  	_ =	shalt  }
0x66: {  	_ =	shalt  }
0x67: {  	_ =	shalt  }
0x68: {  	_ =	shalt  }
0x69: {  	_ =	shalt  }
0x6a: {  	_ =	shalt  }
0x6b: {  	_ =	shalt  }
0x6c: {  	_ =	shalt  }
0x6d: {  	_ =	shalt  }
0x6e: {  	_ =	shalt  }
0x6f: {  	_ =	shalt  }
0x70: {  	_ =	shalt  }
0x71: {  	_ =	shalt  }
0x72: {  	_ =	shalt  }
0x73: {  	_ =	shalt  }
0x74: {  	_ =	shalt  }
0x75: {  	_ =	shalt  }
0x76: {  	_ =	shalt  }
0x77: {  	_ =	shalt  }
0x78: {  	_ =	shalt  }
0x79: {  	_ =	shalt  }
0x7a: {  	_ =	shalt  }
0x7b: {  	_ =	shalt  }
0x7c: {  	_ =	shalt  }
0x7d: {  	_ =	shalt  }
0x7e: {  	_ =	shalt  }
0x7f: {  	_ =	shalt  }
0x80: {  	_ =	shalt  }
0x81: {  	_ =	shalt  }
0x82: {  	_ =	shalt  }
0x83: {  	_ =	shalt  }
0x84: {  	_ =	shalt  }
0x85: {  	_ =	shalt  }
0x86: {  	_ =	shalt  }
0x87: {  	_ =	shalt  }
.Lfunc_end0:
.L_simem_size_0:
called_computation.1_lowered:
.L_overlay_start_0:
0x88: {  	s2 =	sld [smem:$0x3FD9]  }
0x89: {  	s3 =	sld [smem:$0x3FFE];
	_ =	sdelay $0x1  }
0x8a: {  	s1 =	srdreg.scid  }
0x8b: {  	s0 =	sand.u32 $0x1, s1  }
0x8c: {  	s17 =	sshll.u32 s0, $0xA;
	s2 =	sadd.s32 s3, s2  }
0x8d: {  	s2 =	sadd.s32 s2, s17  }
0x8e: {  	[smem:$0x3FBE] =	sst s2  }
0x8f: {  	_ = 	snop  }
0x90: {  	s2 =	sld [smem:$0x3FD0];
	(tm) =	ssettm $0x1  }
0x91: {  	s18 =	sld [smem:$0x3FFB];
	_ =	sdelay $0x3  }
0x92: {  	_ =	strace s18  }
0x93: {  	s3 =	sld [smem:$0x3FFC];
	_ =	sdelay $0x3  }
0x94: {  	_ =	strace s3  }
0x95: {  	s3 =	sld [smem:$0x3FFD];
	_ =	sdelay $0x3  }
0x96: {  	_ =	strace s3  }
0x97: {  	_ =	strace $0x8FFFFFFF  }
0x98: {  	s19 =	sld [smem:$0x3FDB];
	_ =	sdelay $0x1  }
0x99: {  	s4 =	simm.s32 $_scs_section_size  }
0x9a: {  	s5 =	simm.s32 $_size__tile_overlayer_lowered;
	s6 =	simm.s32 $_tile_overlayer_lowered  }
0x9b: {  	s22 =	simm.s32 $0x1BFF;
	s21 =	sshll.u32 s6, $0x1;
	s3 =	sadd.s32 s4, s19  }
0x9c: {  	s7 =	simm.s32 $0x0;
	s20 =	sshll.u32 s5, $0x1;
	s5 =	sadd.s32 s21, s3  }
0x9d: {  	[timem:s7], [sflag:s22] =	dma.local [hbm:s5], s20  }
0x9e: {  	_ =	swait.ge [sflag:s22], s20  }
0x9f: {  	s4 =	ssub.s32 $0x0, s20;
	[sflag:s22] =	ssyncset.done $0x0  }
0xa0: {  	[sflag:s22] =	ssyncadd.s32 s4;
	_ =	sdelay $0x1  }
0xa1: {  	s23 =	simm.s32 $0x1B8B  }
0xa2: {  	_ =	swait.ge [sflag:s23], $0x1  }
0xa3: {  	[sflag:s23] =	ssyncset.done $0x0  }
0xa4: {  	s25 =	simm.s32 $0x1B8E;
	s24 =	sld [smem:$0x3FFE];
	[sflag:s23] =	ssyncadd.s32 $0xFFFFFFFF  }
0xa5: {  	s26 =	simm.s32 $execute0_lowered;
	[smem:$0x3FD2] =	sst s25  }
0xa6: {  	s5 =	sshll.u32 s26, $0x1;
	_ =	strace $0x80000049;
	[dreg:$0x1] =	wrdreg $0xFFFFFFFF  }
0xa7: {  	s28 =	simm.s32 $_size_execute0_lowered;
	s3 =	sadd.s32 s3, s5;
	[dreg:$0x0] =	wrdreg $0x0  }
0xa8: {  	s5 =	sshll.u32 s28, $0x1;
	[dreg:$0x2] =	wrdreg s3  }
0xa9: {  	[dreg:$0x3] =	wrdreg s5  }
0xaa: {  	[dreg:$0x4] =	wrdreg $0xC0  }
0xab: {  	_ =	task [dreg:s7], $0x5FFFF  }
0xac: {  	[dreg:$0x1] =	wrdreg $0xFFFFFFFF  }
0xad: {  	[dreg:$0x0] =	wrdreg $0x60  }
0xae: {  	[dreg:$0x2] =	wrdreg s24  }
0xaf: {  	[dreg:$0x3] =	wrdreg s2  }
0xb0: {  	[dreg:$0x4] =	wrdreg $0x91800  }
0xb1: {  	[dreg:$0x5] =	wrdreg $0x9  }
0xb2: {  	_ =	task.clear_ibuf [dreg:s7], $0x6FFFF;
	_ =	strace $0x90000049  }
0xb3: {  	s29 =	simm.s32 $0x9;
	_ =	strace $0x8000004B  }
0xb4: {  	_ =	swait.ge [sflag:s29], $0x1  }
0xb5: {  	[sflag:s29] =	ssyncadd.s32 $0xFFFFFFFF  }
0xb6: {  	_ =	strace $0x9000004B  }
0xb7: {  	_ =	sfence  }
0xb8: {  	s30 =	sld [smem:$0x0];
	_ =	sdelay $0x2  }
0xb9: {  	s31 =	sshll.u32 s1, $0xD;
	s1 =	sshrl.u32 s1, $0x2  }
0xba: {  	s3 =	sand.u32 $0x4000, s31;
	s1 =	sadd.s32 s1, s30  }
0xbb: {  	s0 =	sor.u32 s3, s0;
	s1 =	sshll.u32 s1, $0x11  }
0xbc: {  	s0 =	sor.u32 s1, s0  }
0xbd: {  	s0 =	sadd.s32 $0x8F2B, s0  }
0xbe: {  	[sflag:s0] =	ssyncadd.remote.s32 $0x1  }
0xbf: {  	_ =	sfence.sel $0xFFFF  }
0xc0: {  	[dreg:$0x0] =	wrdreg $0xFFFFFFFF;
	(pc) =	sbr.abs _section_cstart, $3  }
0xc1: {  	[dreg:$0x1] =	wrdreg $0xFFFFFFFF  }
0xc2: {  	_ =	task.clear_ibuf [dreg:s7], $0x2FFFF;
	_ =	strace $0x9FFFFFFF  }
0xc3: {  	(tm) =	ssettm $0x7FFFFFFF  }
tec
execute0_lowered:
.L_overlay_start_1:
0x0: {  	(tag) =	ssettag $0x1  }
0x1: {  	s7 =	rddreg [dreg:$0x0]  }
0x2: {  	s2 =	rddreg [dreg:$0x1];
	s0 =	srdreg.scid  }
0x3: {  	s3 =	rddreg [dreg:$0x2];
	s1 =	stileid.u32  }
0x4: {  	s4 =	simm.s32 $0x0;
	s16 =	simm.s32 $0x5180;
	s17 =	simm.s32 $0x2  }
0x5: {  	s18 =	simm.s32 $0x80;
	s19 =	simm.s32 $0x100;
	s20 =	simm.s32 $0x2900  }
0x6: {  	s21 =	simm.s32 $0x1;
	s22 =	simm.s32 $0x5100;
	s23 =	simm.s32 $0x0  }
0x7: {  	s8 =	sand.u32 $0x1, s0;
	s0 =	rddreg [dreg:$0x3];
	s6 =	smul.u32 $0x14000, s1  }
0x8: {  	[smem:$0x7FF] =	sst s4;
	s10 =	smul.u32 $0x50000, s1;
	s11 =	sshll.u32 s1, $0x1  }
0x9: {  	s12 =	sadd.s32 $0x10, s2;
	s5 =	smul.u32 $0x140000, s8;
	_ =	strace $0x8000004A  }
0xa: {  	s29 =	ssub.s32 $0x2, s8;
	s13 =	sor.u32 s8, s11;
	s30 =	sshrl.u32 s10, $0x2  }
0xb: {  	s31 =	sshrl.u32 s29, $0x1;
	s13 =	smul.u32 $0x5100, s13;
	s9 =	sadd.s32 s6, s5  }
0xc: {  	s5 =	sadd.s32 $0xCB000, s7;
	s6 =	sadd.s32 $0x2800, s7;
	s9 =	sshrl.u32 s9, $0x3  }
0xd: {  	s15 =	ssub.s32 s29, s31;
	s14 =	sadd.s32 s9, s7;
	s7 =	sadd.s32 s30, s3  }
0xe: {  	s15 =	smax.u32 s15, $0x1;
	s8 =	sadd.s32 $0x4000, s7;
	s9 =	sadd.s32 $0x8000, s7  }
0xf: {  	v0 =	vimm.f32 $0.0e+00;
	s10 =	sadd.s32 $0xC000, s7;
	s11 =	sadd.s32 $0x10000, s7;
	s14 =	sadd.s32 $0x2A800, s14  }
.LBB2_1:
0x10: {  	s24 =	simm.s32 $0x5380  }
0x11: {  	[tilespmem:s24+$0xFFFFFE00] =	vst v0  }
0x12: {  	[tilespmem:s24+$0x1F0] =	vst v0  }
0x13: {  	[tilespmem:s24+$0x1E0] =	vst v0  }
0x14: {  	[tilespmem:s24+$0x1D0] =	vst v0  }
0x15: {  	[tilespmem:s24+$0x1C0] =	vst v0  }
0x16: {  	[tilespmem:s24+$0x1B0] =	vst v0  }
0x17: {  	[tilespmem:s24+$0x1A0] =	vst v0  }
0x18: {  	[tilespmem:s24+$0x190] =	vst v0  }
0x19: {  	[tilespmem:s24+$0x180] =	vst v0  }
0x1a: {  	[tilespmem:s24+$0x170] =	vst v0  }
0x1b: {  	[tilespmem:s24+$0x160] =	vst v0  }
0x1c: {  	[tilespmem:s24+$0x150] =	vst v0  }
0x1d: {  	[tilespmem:s24+$0x140] =	vst v0  }
0x1e: {  	[tilespmem:s24+$0x130] =	vst v0  }
0x1f: {  	[tilespmem:s24+$0x120] =	vst v0  }
0x20: {  	[tilespmem:s24+$0x110] =	vst v0  }
0x21: {  	[tilespmem:s24+$0x100] =	vst v0  }
0x22: {  	[tilespmem:s24+$0xF0] =	vst v0  }
0x23: {  	[tilespmem:s24+$0xE0] =	vst v0  }
0x24: {  	[tilespmem:s24+$0xD0] =	vst v0  }
0x25: {  	[tilespmem:s24+$0xC0] =	vst v0  }
0x26: {  	[tilespmem:s24+$0xB0] =	vst v0  }
0x27: {  	[tilespmem:s24+$0xA0] =	vst v0  }
0x28: {  	[tilespmem:s24+$0x90] =	vst v0  }
0x29: {  	[tilespmem:s24+$0x80] =	vst v0  }
0x2a: {  	[tilespmem:s24+$0x70] =	vst v0  }
0x2b: {  	[tilespmem:s24+$0x60] =	vst v0  }
0x2c: {  	[tilespmem:s24+$0x50] =	vst v0  }
0x2d: {  	[tilespmem:s24+$0x40] =	vst v0  }
0x2e: {  	[tilespmem:s24+$0x30] =	vst v0  }
0x2f: {  	[tilespmem:s24+$0x20] =	vst v0  }
0x30: {  	[tilespmem:s24+$0x10] =	vst v0  }
0x31: {  	[tilespmem:s24+$0x0] =	vst v0  }
0x32: {  	[tilespmem:s24+$0xFFFFFFF0] =	vst v0  }
0x33: {  	[tilespmem:s24+$0xFFFFFFE0] =	vst v0  }
0x34: {  	[tilespmem:s24+$0xFFFFFFD0] =	vst v0  }
0x35: {  	[tilespmem:s24+$0xFFFFFFC0] =	vst v0  }
0x36: {  	[tilespmem:s24+$0xFFFFFFB0] =	vst v0  }
0x37: {  	[tilespmem:s24+$0xFFFFFFA0] =	vst v0  }
0x38: {  	[tilespmem:s24+$0xFFFFFF90] =	vst v0  }
0x39: {  	[tilespmem:s24+$0xFFFFFF80] =	vst v0  }
0x3a: {  	[tilespmem:s24+$0xFFFFFF70] =	vst v0  }
0x3b: {  	[tilespmem:s24+$0xFFFFFF60] =	vst v0  }
0x3c: {  	[tilespmem:s24+$0xFFFFFF50] =	vst v0  }
0x3d: {  	[tilespmem:s24+$0xFFFFFF40] =	vst v0  }
0x3e: {  	[tilespmem:s24+$0xFFFFFF30] =	vst v0  }
0x3f: {  	[tilespmem:s24+$0xFFFFFF20] =	vst v0  }
0x40: {  	[tilespmem:s24+$0xFFFFFF10] =	vst v0  }
0x41: {  	[tilespmem:s24+$0xFFFFFF00] =	vst v0  }
0x42: {  	[tilespmem:s24+$0xFFFFFEF0] =	vst v0  }
0x43: {  	[tilespmem:s24+$0xFFFFFEE0] =	vst v0  }
0x44: {  	[tilespmem:s24+$0xFFFFFED0] =	vst v0  }
0x45: {  	[tilespmem:s24+$0xFFFFFEC0] =	vst v0  }
0x46: {  	[tilespmem:s24+$0xFFFFFEB0] =	vst v0  }
0x47: {  	[tilespmem:s24+$0xFFFFFEA0] =	vst v0  }
0x48: {  	[tilespmem:s24+$0xFFFFFE90] =	vst v0  }
0x49: {  	[tilespmem:s24+$0xFFFFFE80] =	vst v0  }
0x4a: {  	[tilespmem:s24+$0xFFFFFE70] =	vst v0  }
0x4b: {  	[tilespmem:s24+$0xFFFFFE60] =	vst v0  }
0x4c: {  	[tilespmem:s24+$0xFFFFFE50] =	vst v0  }
0x4d: {  	[tilespmem:s24+$0xFFFFFE40] =	vst v0  }
0x4e: {  	[tilespmem:s24+$0xFFFFFE30] =	vst v0  }
0x4f: {  	s25 =	simm.s32 $0x0;
	[tilespmem:s24+$0xFFFFFE20] =	vst v0  }
.LBB2_2:
0x50: {  	s25 =	sadd.s32 $0x8, s25;
	[tilespmem:s24+$0xFFFFFE10] =	vst v0;
	s24 =	sadd.s32 $0x400, s24  }
0x51: {  	[tilespmem:s24+$0xFFFFFE00] =	vst v0;
	p0 =	slt.u32 s25, $0x78  }
0x52: {  	[tilespmem:s24+$0x1F0] =	vst v0  }
0x53: {  	[tilespmem:s24+$0x1E0] =	vst v0  }
0x54: {  	[tilespmem:s24+$0x1D0] =	vst v0  }
0x55: {  	[tilespmem:s24+$0x1C0] =	vst v0  }
0x56: {  	[tilespmem:s24+$0x1B0] =	vst v0  }
0x57: {  	[tilespmem:s24+$0x1A0] =	vst v0  }
0x58: {  	[tilespmem:s24+$0x190] =	vst v0  }
0x59: {  	[tilespmem:s24+$0x180] =	vst v0  }
0x5a: {  	[tilespmem:s24+$0x170] =	vst v0  }
0x5b: {  	[tilespmem:s24+$0x160] =	vst v0  }
0x5c: {  	[tilespmem:s24+$0x150] =	vst v0  }
0x5d: {  	[tilespmem:s24+$0x140] =	vst v0  }
0x5e: {  	[tilespmem:s24+$0x130] =	vst v0  }
0x5f: {  	[tilespmem:s24+$0x120] =	vst v0  }
0x60: {  	[tilespmem:s24+$0x110] =	vst v0  }
0x61: {  	[tilespmem:s24+$0x100] =	vst v0  }
0x62: {  	[tilespmem:s24+$0xF0] =	vst v0  }
0x63: {  	[tilespmem:s24+$0xE0] =	vst v0  }
0x64: {  	[tilespmem:s24+$0xD0] =	vst v0  }
0x65: {  	[tilespmem:s24+$0xC0] =	vst v0  }
0x66: {  	[tilespmem:s24+$0xB0] =	vst v0  }
0x67: {  	[tilespmem:s24+$0xA0] =	vst v0  }
0x68: {  	[tilespmem:s24+$0x90] =	vst v0  }
0x69: {  	[tilespmem:s24+$0x80] =	vst v0  }
0x6a: {  	[tilespmem:s24+$0x70] =	vst v0  }
0x6b: {  	[tilespmem:s24+$0x60] =	vst v0  }
0x6c: {  	[tilespmem:s24+$0x50] =	vst v0  }
0x6d: {  	[tilespmem:s24+$0x40] =	vst v0  }
0x6e: {  	[tilespmem:s24+$0x30] =	vst v0  }
0x6f: {  	[tilespmem:s24+$0x20] =	vst v0  }
0x70: {  	[tilespmem:s24+$0x10] =	vst v0  }
0x71: {  	[tilespmem:s24+$0x0] =	vst v0  }
0x72: {  	[tilespmem:s24+$0xFFFFFFF0] =	vst v0  }
0x73: {  	[tilespmem:s24+$0xFFFFFFE0] =	vst v0  }
0x74: {  	[tilespmem:s24+$0xFFFFFFD0] =	vst v0  }
0x75: {  	[tilespmem:s24+$0xFFFFFFC0] =	vst v0  }
0x76: {  	[tilespmem:s24+$0xFFFFFFB0] =	vst v0  }
0x77: {  	[tilespmem:s24+$0xFFFFFFA0] =	vst v0  }
0x78: {  	[tilespmem:s24+$0xFFFFFF90] =	vst v0  }
0x79: {  	[tilespmem:s24+$0xFFFFFF80] =	vst v0  }
0x7a: {  	[tilespmem:s24+$0xFFFFFF70] =	vst v0  }
0x7b: {  	[tilespmem:s24+$0xFFFFFF60] =	vst v0  }
0x7c: {  	[tilespmem:s24+$0xFFFFFF50] =	vst v0  }
0x7d: {  	[tilespmem:s24+$0xFFFFFF40] =	vst v0  }
0x7e: {  	[tilespmem:s24+$0xFFFFFF30] =	vst v0  }
0x7f: {  	[tilespmem:s24+$0xFFFFFF20] =	vst v0  }
0x80: {  	[tilespmem:s24+$0xFFFFFF10] =	vst v0  }
0x81: {  	[tilespmem:s24+$0xFFFFFF00] =	vst v0  }
0x82: {  	[tilespmem:s24+$0xFFFFFEF0] =	vst v0  }
0x83: {  	[tilespmem:s24+$0xFFFFFEE0] =	vst v0  }
0x84: {  	[tilespmem:s24+$0xFFFFFED0] =	vst v0  }
0x85: {  	[tilespmem:s24+$0xFFFFFEC0] =	vst v0  }
0x86: {  	[tilespmem:s24+$0xFFFFFEB0] =	vst v0  }
0x87: {  	[tilespmem:s24+$0xFFFFFEA0] =	vst v0  }
0x88: {  	[tilespmem:s24+$0xFFFFFE90] =	vst v0  }
0x89: {  	[tilespmem:s24+$0xFFFFFE80] =	vst v0  }
0x8a: {  	[tilespmem:s24+$0xFFFFFE70] =	vst v0  }
.Ltmp0:
0x8b: {  	[tilespmem:s24+$0xFFFFFE60] =	vst v0;
	(pc) =	sbr.rel @p0 .LBB2_2-.Ltmp0, $4  }
0x8c: {  	[tilespmem:s24+$0xFFFFFE50] =	vst v0  }
0x8d: {  	[tilespmem:s24+$0xFFFFFE40] =	vst v0  }
0x8e: {  	[tilespmem:s24+$0xFFFFFE30] =	vst v0  }
0x8f: {  	[tilespmem:s24+$0xFFFFFE20] =	vst v0  }
0x90: {  	[tilespmem:s24+$0xFFFFFE10] =	vst v0  }
0x91: {  	[spmem:s7] =	stream.linear.scatter [tilespmem:s16], [sflag:$0x2], $0x4000, $0x38;
	[tilespmem:$0x1D180] =	vst v63  }
0x92: {  	_ =	swait.ge [sflag:s17], $0x4000  }
0x93: {  	[sflag:s17] =	ssyncset.done $0x0  }
0x94: {  	[sflag:s17] =	ssyncadd.s32 $0xFFFFC000  }
0x95: {  	[spmem:s8] =	stream.linear.scatter [tilespmem:s16], [sflag:$0x2], $0x4000, $0x38;
	[tilespmem:$0x1D180] =	vst v63  }
0x96: {  	_ =	swait.ge [sflag:s17], $0x4000  }
0x97: {  	[sflag:s17] =	ssyncset.done $0x0  }
0x98: {  	[sflag:s17] =	ssyncadd.s32 $0xFFFFC000  }
0x99: {  	[spmem:s9] =	stream.linear.scatter [tilespmem:s16], [sflag:$0x2], $0x4000, $0x38;
	[tilespmem:$0x1D180] =	vst v63  }
0x9a: {  	_ =	swait.ge [sflag:s17], $0x4000  }
0x9b: {  	[sflag:s17] =	ssyncset.done $0x0  }
0x9c: {  	[sflag:s17] =	ssyncadd.s32 $0xFFFFC000  }
0x9d: {  	[spmem:s10] =	stream.linear.scatter [tilespmem:s16], [sflag:$0x2], $0x4000, $0x38;
	[tilespmem:$0x1D180] =	vst v63  }
0x9e: {  	_ =	swait.ge [sflag:s17], $0x4000  }
0x9f: {  	[sflag:s17] =	ssyncset.done $0x0  }
0xa0: {  	[sflag:s17] =	ssyncadd.s32 $0xFFFFC000  }
0xa1: {  	[spmem:s11] =	stream.linear.scatter [tilespmem:s16], [sflag:$0x2], $0x4000, $0x38;
	[tilespmem:$0x1D180] =	vst v63  }
0xa2: {  	_ =	swait.ge [sflag:s17], $0x4000  }
0xa3: {  	[sflag:s17] =	ssyncset.done $0x0  }
0xa4: {  	[sflag:s17] =	ssyncadd.s32 $0xFFFFC000  }
0xa5: {  	[bflag:$0x0] =	sbarrier.arrive $0xFFFF  }
0xa6: {  	[tilespmem:s19], [sflag:$0x2] =	stream.strided.gather [hbm4b:s2+s18], $0x2800, s19, s18, $0x38;
	[tilespmem:$0x1D180] =	vst v63  }
0xa7: {  	_ =	swait.ge [sflag:s17], $0x2800  }
0xa8: {  	[sflag:s17] =	ssyncset.done $0x0  }
0xa9: {  	[sflag:s17] =	ssyncadd.s32 $0xFFFFD800  }
0xaa: {  	[tilespmem:s20], [sflag:$0x2] =	stream.strided.gather [hbm4b:s12+s18], $0x2800, s19, s18, $0x38;
	[tilespmem:$0x1D180] =	vst v63  }
0xab: {  	_ =	swait.ge [sflag:s17], $0x2800  }
0xac: {  	[sflag:s17] =	ssyncset.done $0x0  }
0xad: {  	s24 =	simm.s32 $0x0;
	[sflag:s17] =	ssyncadd.s32 $0xFFFFD800  }
0xae: {  	v1 =	vimm.f32 $-Inf;
	s25 =	simm.s32 $0x40;
	v2 =	vimm.f32 $-Inf;
	v3 =	vld [tilespmem:s24+$0x100]  }
.LBB2_4:
0xaf: {  	p0 =	sne.s32 s25, $0x9FC0  }
.Ltmp1:
0xb0: {  	_ = 	snop;
	(pc) =	sbr.rel @p0 .LBB2_4-.Ltmp1, $3  }
0xb1: {  	_ =	sdelay $0x1  }
0xb2: {  	s26 =	sshra.s32 s25, $0x2;
	s25 =	sadd.s32 $0x40, s25;
	v2 =	vmax.f32 v2, v3  }
0xb3: {  	v3 =	vld [tilespmem:s26+$0x100]  }
0xb4: {  	_ =	sdelay $0x3  }
0xb5: {  	s25 =	simm.s32 $0x40;
	v2 =	vmax.f32 v2, v3;
	v3 =	vld [tilespmem:s24+$0x2900]  }
.LBB2_6:
0xb6: {  	p0 =	sne.s32 s25, $0x9FC0  }
.Ltmp2:
0xb7: {  	_ = 	snop;
	(pc) =	sbr.rel @p0 .LBB2_6-.Ltmp2, $3  }
0xb8: {  	_ =	sdelay $0x1  }
0xb9: {  	s24 =	sshra.s32 s25, $0x2;
	s25 =	sadd.s32 $0x40, s25;
	v1 =	vmax.f32 v1, v3  }
0xba: {  	v3 =	vld [tilespmem:s24+$0x2900]  }
0xbb: {  	_ =	sdelay $0x3  }
0xbc: {  	(xrf0) =	vmax.scan.msk.f32 $0xffff, v2;
	v1 =	vmax.f32 v1, v3  }
0xbd: {  	(xrf0) =	vmax.scan.msk.f32 $0xffff, v1;
	_ =	sdelay $0x4  }
0xbe: {  	v1, _, _ =	vpop (xrf0)  }
0xbf: {  	(v2sf) =	vpush v1, $0xF;
	v1, _, _ =	vpop (xrf0)  }
0xc0: {  	(v2sf) =	vpush v1, $0xF;
	_ =	sdelay $0xd  }
0xc1: {  	s24 =	spop (v2sf)  }
0xc2: {  	s25 =	spop (v2sf)  }
0xc3: {  	s24 =	sadd.f32 s25, s24;
	_ =	sdelay $0x1  }
0xc4: {  	s25 =	smul.f32 $2.000000030e-01, s24;
	_ =	sdelay $0x1  }
0xc5: {  	s24 =	smax.f32 s24, s25  }
0xc6: {  	v1 =	vmov s24;
	s24 =	simm.s32 $0x0  }
.LBB2_8:
0xc7: {  	s25 =	sshll.u32 s24, $0x8  }
0xc8: {  	s25 =	sadd.s32 s13, s25  }
0xc9: {  	s25 =	sshrl.u32 s25, $0x3  }
0xca: {  	s25 =	sadd.s32 s5, s25  }
0xcb: {  	[tilespmem:s4], [sflag:$0x2] =	stream.linear.gather [hbm4b:s25+s4], $0x100, $0x38;
	[tilespmem:$0x1D180] =	vst v63  }
0xcc: {  	_ =	swait.ge [sflag:s17], $0x100  }
0xcd: {  	[sflag:s17] =	ssyncset.done $0x0  }
0xce: {  	s29 =	simm.s32 $0x90;
	[sflag:s17] =	ssyncadd.s32 $0xFFFFFF00  }
0xcf: {  	[tilespmem:s16], [sflag:$0x1] =	stream.indirect.gather [hbm4b:s6+s18], $0x80, s4, s18, $0xb8;
	[tilespmem:$0x1D180] =	vst v63  }
0xd0: {  	v2 =	vld [tilespmem:s29+$0xFFFFFF80]  }
0xd1: {  	v3 =	vld [tilespmem:s29+$0x0]  }
0xd2: {  	v4 =	vld [tilespmem:s29+$0xFFFFFFF0]  }
0xd3: {  	v5 =	vld [tilespmem:s29+$0xFFFFFF70];
	_ =	sdelay $0x2  }
0xd4: {  	s30 =	simm.s32 $0xB0  }
0xd5: {  	v6 =	vld [tilespmem:s30+$0xFFFFFF80]  }
0xd6: {  	v2 =	vld.idx.msk [tilespmem:v2+s19+$0x0], $0xffff  }
0xd7: {  	v3 =	vld.idx.msk [tilespmem:v3+s20+$0x0], $0xffff  }
0xd8: {  	v4 =	vld.idx.msk [tilespmem:v4+s20+$0x0], $0xffff  }
0xd9: {  	v5 =	vld.idx.msk [tilespmem:v5+s19+$0x0], $0xffff  }
0xda: {  	v7 =	vld [tilespmem:s30+$0x0]  }
0xdb: {  	v8 =	vld [tilespmem:s30+$0xFFFFFFF0]  }
0xdc: {  	v9 =	vld [tilespmem:s30+$0xFFFFFF70]  }
0xdd: {  	v2 =	vadd.f32 v3, v2  }
0xde: {  	v3 =	vadd.f32 v4, v5  }
0xdf: {  	v4 =	vmul.f32 $2.000000030e-01, v2  }
0xe0: {  	v5 =	vmul.f32 $2.000000030e-01, v3  }
0xe1: {  	v2 =	vmax.f32 v2, v4;
	v4 =	vld.idx.msk [tilespmem:v6+s19+$0x0], $0xffff  }
0xe2: {  	v6 =	vld.idx.msk [tilespmem:v7+s20+$0x0], $0xffff;
	v3 =	vmax.f32 v3, v5;
	v2 =	vsub.f32 v2, v1  }
0xe3: {  	v5 =	vld.idx.msk [tilespmem:v8+s20+$0x0], $0xffff;
	v3 =	vsub.f32 v3, v1  }
0xe4: {  	s31 =	simm.s32 $0xD0;
	v7 =	vld.idx.msk [tilespmem:v9+s19+$0x0], $0xffff;
	v2 =	vmul.f32 $1.442695020e+00, v2  }
0xe5: {  	v8 =	vld [tilespmem:s31+$0xFFFFFF80];
	v3 =	vmul.f32 $1.442695020e+00, v3  }
0xe6: {  	v10 =	vld [tilespmem:s31+$0xFFFFFFF0];
	(erf) = vpow2.f32 v2  }
0xe7: {  	v9 =	vld [tilespmem:s31+$0x0];
	(erf) = vpow2.f32 v3  }
0xe8: {  	v11 =	vld [tilespmem:s31+$0xFFFFFF70];
	v2 =	vadd.f32 v6, v4;
	_ =	sdelay $0x1  }
0xe9: {  	v4 =	vadd.f32 v5, v7;
	v3 =	vmul.f32 $2.000000030e-01, v2;
	_ =	sdelay $0x1  }
0xea: {  	v5 =	vmul.f32 $2.000000030e-01, v4;
	v3 =	vmax.f32 v2, v3  }
0xeb: {  	v2 =	vld.idx.msk [tilespmem:v8+s19+$0x0], $0xffff;
	v6 =	vsub.f32 v3, v1  }
0xec: {  	v5 =	vmax.f32 v4, v5;
	v4 =	vld.idx.msk [tilespmem:v10+s20+$0x0], $0xffff  }
0xed: {  	s25 =	simm.s32 $0x5110;
	v3 =	vld.idx.msk [tilespmem:v9+s20+$0x0], $0xffff;
	v7 =	vsub.f32 v5, v1;
	v6 =	vmul.f32 $1.442695020e+00, v6;
	v8 =	vpop (erf)  }
0xee: {  	s26 =	simm.s32 $0x4;
	s28 =	simm.s32 $0xF0;
	v5 =	vld.idx.msk [tilespmem:v11+s19+$0x0], $0xffff;
	[tilespmem:s25+$0x0] =	vst v8;
	v8 =	vpop (erf)  }
.LBB2_9:
0xef: {  	v9 =	vld [tilespmem:s28+$0xFFFFFF80];
	v7 =	vmul.f32 $1.442695020e+00, v7;
	(erf) = vpow2.f32 v6;
	[tilespmem:s25+$0xFFFFFFF0] =	vst v8  }
0xf0: {  	s26 =	sadd.s32 $0x2, s26;
	v6 =	vld [tilespmem:s28+$0x0]  }
0xf1: {  	p0 =	slt.u32 s26, $0x6;
	v8 =	vld [tilespmem:s28+$0xFFFFFFF0];
	(erf) = vpow2.f32 v7  }
0xf2: {  	v2 =	vadd.f32 v3, v2;
	v10 =	vld [tilespmem:s28+$0xFFFFFF70];
	_ =	sdelay $0x1  }
0xf3: {  	v4 =	vadd.f32 v4, v5;
	v3 =	vmul.f32 $2.000000030e-01, v2;
	_ =	sdelay $0x1  }
.Ltmp3:
0xf4: {  	v5 =	vmul.f32 $2.000000030e-01, v4;
	v3 =	vmax.f32 v2, v3;
	(pc) =	sbr.rel @p0 .LBB2_9-.Ltmp3, $4  }
0xf5: {  	v2 =	vld.idx.msk [tilespmem:v9+s19+$0x0], $0xffff;
	v9 =	vsub.f32 v3, v1  }
0xf6: {  	s25 =	sadd.s32 $0x20, s25;
	v5 =	vmax.f32 v4, v5;
	v3 =	vld.idx.msk [tilespmem:v6+s20+$0x0], $0xffff;
	v11 =	vpop (erf)  }
0xf7: {  	v7 =	vsub.f32 v5, v1;
	v4 =	vld.idx.msk [tilespmem:v8+s20+$0x0], $0xffff;
	v6 =	vmul.f32 $1.442695020e+00, v9;
	[tilespmem:s25+$0x0] =	vst v11  }
0xf8: {  	s28 =	sadd.s32 $0x20, s28;
	v5 =	vld.idx.msk [tilespmem:v10+s19+$0x0], $0xffff;
	v8 =	vpop (erf)  }
0xf9: {  	_ =	sdelay $0x2  }
0xfa: {  	v2 =	vadd.f32 v3, v2  }
0xfb: {  	v3 =	vadd.f32 v4, v5  }
0xfc: {  	v4 =	vmul.f32 $2.000000030e-01, v2  }
0xfd: {  	v5 =	vmul.f32 $2.000000030e-01, v3  }
0xfe: {  	v2 =	vmax.f32 v2, v4  }
0xff: {  	v2 =	vsub.f32 v2, v1;
	v3 =	vmax.f32 v3, v5  }
0x100: {  	v4 =	vmul.f32 $1.442695020e+00, v7;
	v3 =	vsub.f32 v3, v1  }
0x101: {  	(erf) = vpow2.f32 v6;
	v2 =	vmul.f32 $1.442695020e+00, v2  }
0x102: {  	(erf) = vpow2.f32 v4;
	v3 =	vmul.f32 $1.442695020e+00, v3  }
0x103: {  	(erf) = vpow2.f32 v2  }
0x104: {  	(erf) = vpow2.f32 v3;
	_ =	sdelay $0x5  }
0x105: {  	[tilespmem:s25+$0xFFFFFFF0] =	vst v8;
	s30 =	sadd.s32 $0x20, s25;
	s26 =	simm.s32 $0x0;
	v2 =	vpop (erf)  }
0x106: {  	s28 =	simm.s32 $0x1;
	s29 =	simm.s32 $0x2;
	[tilespmem:s30+$0x0] =	vst v2;
	v2 =	vmov s26;
	v3 =	vpop (erf)  }
0x107: {  	s31 =	simm.s32 $0x7;
	s25 =	sadd.s32 $0x20, s30;
	v6 =	vmov s29;
	v5 =	vmov s28;
	v2 =	vand.u32 $0xFFFFFFF8, v2;
	[tilespmem:s30+$0xFFFFFFF0] =	vst v3;
	v3 =	vpop (erf)  }
0x108: {  	v4 =	vmov s31;
	v7 =	vbroadcast v2, $0x0;
	v2 =	vand.u32 $0xFFFFFFF9, v5;
	s30 =	simm.s32 $0x4;
	[tilespmem:s25+$0x0] =	vst v3;
	v3 =	vpop (erf)  }
0x109: {  	s31 =	simm.s32 $0x5;
	v5 =	vand.u32 $0xFFFFFFFA, v6;
	v6 =	vbroadcast v2, $0x0;
	v2 =	vmov s30;
	[tilespmem:s25+$0xFFFFFFF0] =	vst v3  }
0x10a: {  	v8 =	vmov s31;
	v5 =	vbroadcast v5, $0x0;
	v2 =	vand.u32 $0xFFFFFFFC, v2;
	_ =	swait.ge [sflag:s21], $0x4000  }
0x10b: {  	v8 =	vand.u32 $0xFFFFFFFD, v8;
	s26 =	simm.s32 $0x6;
	v9 =	vbroadcast v2, $0x0;
	[sflag:s21] =	ssyncset.done $0x0  }
0x10c: {  	s29 =	simm.s32 $0x3;
	v8 =	vbroadcast v8, $0x0;
	v2 =	vmov s26;
	[sflag:s21] =	ssyncadd.s32 $0xFFFFC000  }
0x10d: {  	v10 =	vand.u32 $0xFFFFFFFE, v2;
	v3 =	vmov s29;
	v2 =	vld.idx.msk [tilespmem:v4+s22+$0x0], $0xffff  }
0x10e: {  	v3 =	vand.u32 $0xFFFFFFFB, v3;
	v4 =	vld.idx.msk [tilespmem:v7+s22+$0x0], $0xffff  }
0x10f: {  	v3 =	vbroadcast v3, $0x0;
	v6 =	vld.idx.msk [tilespmem:v6+s22+$0x0], $0xffff  }
0x110: {  	v7 =	vbroadcast v10, $0x0;
	v5 =	vld.idx.msk [tilespmem:v5+s22+$0x0], $0xffff  }
0x111: {  	v9 =	vld.idx.msk [tilespmem:v9+s22+$0x0], $0xffff  }
0x112: {  	s25 =	simm.s32 $0x5380;
	v8 =	vld.idx.msk [tilespmem:v8+s22+$0x0], $0xffff  }
0x113: {  	v11 =	vld [tilespmem:s25+$0xFFFFFE00]  }
0x114: {  	v12 =	vld [tilespmem:s25+$0xFFFFFE10]  }
0x115: {  	v10 =	vld.idx.msk [tilespmem:v3+s22+$0x0], $0xffff  }
0x116: {  	v3 =	vld.idx.msk [tilespmem:v7+s22+$0x0], $0xffff  }
0x117: {  	v7 =	vld [tilespmem:s25+$0x140]  }
0x118: {  	v13 =	vld [tilespmem:s25+$0xFFFFFE20]  }
0x119: {  	v14 =	vld [tilespmem:s25+$0xFFFFFE30]  }
0x11a: {  	v15 =	vld [tilespmem:s25+$0xFFFFFE40];
	v11 =	vmul.f32 v11, v4  }
0x11b: {  	v16 =	vld [tilespmem:s25+$0xFFFFFE80];
	v12 =	vmul.f32 v12, v4  }
0x11c: {  	v17 =	vld [tilespmem:s25+$0xFFFFFE90];
	[tilespmem:s25+$0xFFFFFE00] =	vst v11;
	v7 =	vmul.f32 v7, v3  }
0x11d: {  	v11 =	vld [tilespmem:s25+$0xFFFFFEA0];
	[tilespmem:s25+$0xFFFFFE10] =	vst v12  }
0x11e: {  	v12 =	vmul.f32 v14, v4;
	v14 =	vld [tilespmem:s25+$0xFFFFFF00];
	[tilespmem:s25+$0x140] =	vst v7;
	v7 =	vmul.f32 v13, v4  }
0x11f: {  	v13 =	vld [tilespmem:s25+$0xFFFFFEB0]  }
0x120: {  	v4 =	vmul.f32 v15, v4;
	[tilespmem:s25+$0xFFFFFE20] =	vst v7;
	v7 =	vld [tilespmem:s25+$0xFFFFFEC0]  }
0x121: {  	[tilespmem:s25+$0xFFFFFE30] =	vst v12;
	v12 =	vmul.f32 v16, v6;
	v16 =	vld [tilespmem:s25+$0x110]  }
0x122: {  	v15 =	vld [tilespmem:s25+$0xFFFFFF10];
	[tilespmem:s25+$0xFFFFFE40] =	vst v4;
	v4 =	vmul.f32 v17, v6  }
0x123: {  	[tilespmem:s25+$0xFFFFFE80] =	vst v12;
	v12 =	vld [tilespmem:s25+$0xFFFFFF20];
	v11 =	vmul.f32 v11, v6  }
0x124: {  	[tilespmem:s25+$0xFFFFFE90] =	vst v4;
	v4 =	vmul.f32 v13, v6;
	v13 =	vld [tilespmem:s25+$0xFFFFFF30]  }
0x125: {  	[tilespmem:s25+$0xFFFFFEA0] =	vst v11;
	v6 =	vmul.f32 v7, v6;
	v7 =	vld [tilespmem:s25+$0xFFFFFF40]  }
0x126: {  	v11 =	vld [tilespmem:s25+$0xFFFFFF80];
	[tilespmem:s25+$0xFFFFFEB0] =	vst v4;
	v4 =	vmul.f32 v14, v5  }
0x127: {  	v14 =	vld [tilespmem:s25+$0xFFFFFF90];
	[tilespmem:s25+$0xFFFFFEC0] =	vst v6;
	v6 =	vmul.f32 v15, v5  }
0x128: {  	[tilespmem:s25+$0xFFFFFF00] =	vst v4;
	v4 =	vmul.f32 v12, v5;
	v12 =	vld [tilespmem:s25+$0xFFFFFFA0]  }
0x129: {  	[tilespmem:s25+$0xFFFFFF10] =	vst v6;
	v6 =	vmul.f32 v13, v5;
	v13 =	vld [tilespmem:s25+$0xFFFFFFB0]  }
0x12a: {  	[tilespmem:s25+$0xFFFFFF20] =	vst v4;
	v4 =	vmul.f32 v7, v5;
	v5 =	vld [tilespmem:s25+$0xFFFFFFC0]  }
0x12b: {  	v7 =	vld [tilespmem:s25+$0x0];
	[tilespmem:s25+$0xFFFFFF30] =	vst v6;
	v6 =	vmul.f32 v11, v10  }
0x12c: {  	v11 =	vld [tilespmem:s25+$0x10];
	[tilespmem:s25+$0xFFFFFF40] =	vst v4;
	v4 =	vmul.f32 v14, v10  }
0x12d: {  	[tilespmem:s25+$0xFFFFFF80] =	vst v6;
	v6 =	vmul.f32 v12, v10;
	v12 =	vld [tilespmem:s25+$0x20]  }
0x12e: {  	[tilespmem:s25+$0xFFFFFF90] =	vst v4;
	v4 =	vmul.f32 v13, v10;
	v13 =	vld [tilespmem:s25+$0x30]  }
0x12f: {  	[tilespmem:s25+$0xFFFFFFA0] =	vst v6;
	v5 =	vmul.f32 v5, v10;
	v6 =	vld [tilespmem:s25+$0x40]  }
0x130: {  	[tilespmem:s25+$0xFFFFFFB0] =	vst v4;
	v4 =	vmul.f32 v7, v9;
	v7 =	vld [tilespmem:s25+$0x80]  }
0x131: {  	v10 =	vld [tilespmem:s25+$0x90];
	[tilespmem:s25+$0xFFFFFFC0] =	vst v5;
	v5 =	vmul.f32 v11, v9  }
0x132: {  	v11 =	vld [tilespmem:s25+$0xA0];
	[tilespmem:s25+$0x0] =	vst v4;
	v4 =	vmul.f32 v12, v9  }
0x133: {  	s31 =	simm.s32 $0xA;
	[tilespmem:s25+$0x10] =	vst v5;
	v12 =	vmul.f32 v13, v9;
	v13 =	vld [tilespmem:s25+$0xB0]  }
0x134: {  	s28 =	simm.s32 $0x9;
	v15 =	vmov s31;
	s31 =	simm.s32 $0xD;
	[tilespmem:s25+$0x20] =	vst v4;
	v4 =	vmul.f32 v6, v9;
	v9 =	vld [tilespmem:s25+$0xC0]  }
0x135: {  	s29 =	simm.s32 $0x8;
	v20 =	vmov s31;
	v14 =	vmov s28;
	s28 =	simm.s32 $0xC;
	[tilespmem:s25+$0x30] =	vst v12;
	v7 =	vmul.f32 v7, v8;
	v12 =	vld [tilespmem:s25+$0x100]  }
0x136: {  	s30 =	simm.s32 $0xF;
	v19 =	vld [tilespmem:s25+$0x120];
	v18 =	vmov s28;
	v5 =	vmov s29;
	[tilespmem:s25+$0x40] =	vst v4;
	v4 =	vmul.f32 v10, v8  }
0x137: {  	v6 =	vand.u32 $0xFFFFFFF8, v5;
	v5 =	vmov s30;
	v10 =	vmul.f32 v11, v8;
	[tilespmem:s25+$0x80] =	vst v7  }
0x138: {  	s30 =	simm.s32 $0xB;
	v6 =	vbroadcast v6, $0x0;
	v11 =	vand.u32 $0xFFFFFFF9, v14;
	v7 =	vld [tilespmem:s25+$0x130];
	[tilespmem:s25+$0x90] =	vst v4;
	v4 =	vmul.f32 v13, v8  }
0x139: {  	v17 =	vmov s30;
	[tilespmem:s25+$0xA0] =	vst v10;
	v10 =	vbroadcast v11, $0x0;
	v14 =	vmul.f32 v9, v8;
	v8 =	vld [tilespmem:s25+$0x180]  }
0x13a: {  	v13 =	vand.u32 $0xFFFFFFFA, v15;
	v15 =	vmul.f32 v16, v3;
	v9 =	vld [tilespmem:s25+$0x190];
	[tilespmem:s25+$0xB0] =	vst v4;
	v21 =	vmul.f32 v12, v3  }
0x13b: {  	v17 =	vand.u32 $0xFFFFFFFB, v17;
	v11 =	vld [tilespmem:s25+$0x1A0];
	v16 =	vmul.f32 v19, v3;
	v12 =	vbroadcast v13, $0x0;
	[tilespmem:s25+$0xC0] =	vst v14  }
0x13c: {  	s26 =	simm.s32 $0x10;
	s28 =	simm.s32 $0xE;
	v4 =	vand.u32 $0xFFFFFFFC, v18;
	v13 =	vld [tilespmem:s25+$0x1B0];
	v14 =	vbroadcast v17, $0x0;
	v17 =	vand.u32 $0xFFFFFFFD, v20;
	[tilespmem:s25+$0x100] =	vst v21  }
.LBB2_11:
0x13d: {  	p0 =	slt.u32 s26, $0x78;
	v4 =	vbroadcast v4, $0x0;
	v18 =	vmov s28;
	[tilespmem:s25+$0x110] =	vst v15;
	v3 =	vmul.f32 v7, v3;
	v7 =	vld [tilespmem:s25+$0x1C0]  }
0x13e: {  	v15 =	vbroadcast v17, $0x0;
	v17 =	vand.u32 $0xFFFFFFFE, v18;
	v5 =	vld.idx.msk [tilespmem:v5+s22+$0x0], $0xffff;
	[tilespmem:s25+$0x120] =	vst v16;
	v8 =	vmul.f32 v8, v2  }
0x13f: {  	v6 =	vld.idx.msk [tilespmem:v6+s22+$0x0], $0xffff;
	v16 =	vbroadcast v17, $0x0;
	[tilespmem:s25+$0x130] =	vst v3;
	v3 =	vmul.f32 v9, v2  }
0x140: {  	v9 =	vld.idx.msk [tilespmem:v10+s22+$0x0], $0xffff;
	[tilespmem:s25+$0x180] =	vst v8;
	v8 =	vmul.f32 v11, v2  }
0x141: {  	v10 =	vld.idx.msk [tilespmem:v12+s22+$0x0], $0xffff;
	[tilespmem:s25+$0x190] =	vst v3;
	v3 =	vmul.f32 v13, v2  }
0x142: {  	v11 =	vld.idx.msk [tilespmem:v14+s22+$0x0], $0xffff;
	[tilespmem:s25+$0x1A0] =	vst v8;
	v8 =	vmul.f32 v7, v2  }
0x143: {  	v7 =	vld.idx.msk [tilespmem:v4+s22+$0x0], $0xffff;
	[tilespmem:s25+$0x1B0] =	vst v3  }
0x144: {  	v2 =	vmov v5;
	v4 =	vld.idx.msk [tilespmem:v15+s22+$0x0], $0xffff;
	[tilespmem:s25+$0x1C0] =	vst v8  }
0x145: {  	s25 =	sadd.s32 $0x400, s25;
	v3 =	vld.idx.msk [tilespmem:v16+s22+$0x0], $0xffff  }
0x146: {  	v5 =	vld [tilespmem:s25+$0x140]  }
0x147: {  	v8 =	vld [tilespmem:s25+$0xFFFFFE00]  }
0x148: {  	v12 =	vld [tilespmem:s25+$0xFFFFFE10]  }
0x149: {  	v13 =	vld [tilespmem:s25+$0xFFFFFE20]  }
0x14a: {  	v14 =	vld [tilespmem:s25+$0xFFFFFE30]  }
0x14b: {  	v15 =	vld [tilespmem:s25+$0xFFFFFE40];
	v5 =	vmul.f32 v5, v3  }
0x14c: {  	v8 =	vmul.f32 v8, v6;
	v16 =	vld [tilespmem:s25+$0xFFFFFE80]  }
0x14d: {  	v12 =	vmul.f32 v12, v6;
	v17 =	vld [tilespmem:s25+$0xFFFFFE90];
	[tilespmem:s25+$0x140] =	vst v5  }
0x14e: {  	[tilespmem:s25+$0xFFFFFE00] =	vst v8;
	v5 =	vmul.f32 v13, v6;
	v8 =	vld [tilespmem:s25+$0xFFFFFEA0]  }
0x14f: {  	[tilespmem:s25+$0xFFFFFE10] =	vst v12;
	v12 =	vmul.f32 v14, v6;
	v13 =	vld [tilespmem:s25+$0xFFFFFEB0]  }
0x150: {  	[tilespmem:s25+$0xFFFFFE20] =	vst v5;
	v5 =	vmul.f32 v15, v6;
	v6 =	vld [tilespmem:s25+$0xFFFFFEC0]  }
0x151: {  	[tilespmem:s25+$0xFFFFFE30] =	vst v12;
	v12 =	vmul.f32 v16, v9;
	v14 =	vld [tilespmem:s25+$0xFFFFFF00]  }
0x152: {  	[tilespmem:s25+$0xFFFFFE40] =	vst v5;
	v5 =	vmul.f32 v17, v9;
	v15 =	vld [tilespmem:s25+$0xFFFFFF10]  }
0x153: {  	[tilespmem:s25+$0xFFFFFE80] =	vst v12;
	v8 =	vmul.f32 v8, v9;
	v12 =	vld [tilespmem:s25+$0xFFFFFF20]  }
0x154: {  	[tilespmem:s25+$0xFFFFFE90] =	vst v5;
	v5 =	vmul.f32 v13, v9;
	v13 =	vld [tilespmem:s25+$0xFFFFFF30]  }
0x155: {  	[tilespmem:s25+$0xFFFFFEA0] =	vst v8;
	v6 =	vmul.f32 v6, v9;
	v8 =	vld [tilespmem:s25+$0xFFFFFF40]  }
0x156: {  	[tilespmem:s25+$0xFFFFFEB0] =	vst v5;
	v5 =	vmul.f32 v14, v10;
	v9 =	vld [tilespmem:s25+$0xFFFFFF80]  }
0x157: {  	[tilespmem:s25+$0xFFFFFEC0] =	vst v6;
	v6 =	vmul.f32 v15, v10;
	v14 =	vld [tilespmem:s25+$0xFFFFFF90]  }
0x158: {  	[tilespmem:s25+$0xFFFFFF00] =	vst v5;
	v5 =	vmul.f32 v12, v10;
	v12 =	vld [tilespmem:s25+$0xFFFFFFA0]  }
0x159: {  	[tilespmem:s25+$0xFFFFFF10] =	vst v6;
	v6 =	vmul.f32 v13, v10;
	v13 =	vld [tilespmem:s25+$0xFFFFFFB0]  }
0x15a: {  	[tilespmem:s25+$0xFFFFFF20] =	vst v5;
	v5 =	vmul.f32 v8, v10;
	v8 =	vld [tilespmem:s25+$0xFFFFFFC0]  }
0x15b: {  	[tilespmem:s25+$0xFFFFFF30] =	vst v6;
	v6 =	vmul.f32 v9, v11;
	v9 =	vld [tilespmem:s25+$0x0]  }
0x15c: {  	[tilespmem:s25+$0xFFFFFF40] =	vst v5;
	v5 =	vmul.f32 v14, v11;
	v10 =	vld [tilespmem:s25+$0x10]  }
0x15d: {  	[tilespmem:s25+$0xFFFFFF80] =	vst v6;
	v6 =	vmul.f32 v12, v11;
	v12 =	vld [tilespmem:s25+$0x20]  }
0x15e: {  	[tilespmem:s25+$0xFFFFFF90] =	vst v5;
	v5 =	vmul.f32 v13, v11;
	v13 =	vld [tilespmem:s25+$0x30]  }
0x15f: {  	[tilespmem:s25+$0xFFFFFFA0] =	vst v6;
	v6 =	vmul.f32 v8, v11;
	v8 =	vld [tilespmem:s25+$0x40]  }
0x160: {  	[tilespmem:s25+$0xFFFFFFB0] =	vst v5;
	v5 =	vmul.f32 v9, v7;
	v9 =	vld [tilespmem:s25+$0x80]  }
0x161: {  	[tilespmem:s25+$0xFFFFFFC0] =	vst v6;
	v6 =	vmul.f32 v10, v7;
	v10 =	vld [tilespmem:s25+$0x90]  }
0x162: {  	[tilespmem:s25+$0x0] =	vst v5;
	v5 =	vmul.f32 v12, v7;
	v11 =	vld [tilespmem:s25+$0xA0]  }
0x163: {  	[tilespmem:s25+$0x10] =	vst v6;
	v6 =	vmul.f32 v13, v7;
	v12 =	vld [tilespmem:s25+$0xB0]  }
0x164: {  	s28 =	sadd.s32 $0x7, s26;
	v13 =	vmov s26;
	[tilespmem:s25+$0x20] =	vst v5;
	v7 =	vmul.f32 v8, v7;
	v8 =	vld [tilespmem:s25+$0xC0]  }
0x165: {  	s29 =	sadd.s32 $0x1, s26;
	s30 =	sadd.s32 $0x2, s26;
	v13 =	vand.u32 $0xFFFFFFF8, v13;
	v5 =	vmov s28;
	[tilespmem:s25+$0x30] =	vst v6;
	v6 =	vmul.f32 v9, v4;
	v9 =	vld [tilespmem:s25+$0x100]  }
0x166: {  	v15 =	vmov s30;
	v14 =	vmov s29;
	s29 =	sadd.s32 $0x4, s26;
	s28 =	sadd.s32 $0x3, s26;
	[tilespmem:s25+$0x40] =	vst v7;
	v7 =	vmul.f32 v10, v4;
	v16 =	vld [tilespmem:s25+$0x110]  }
0x167: {  	v18 =	vmov s29;
	v17 =	vmov s28;
	s28 =	sadd.s32 $0x5, s26;
	[tilespmem:s25+$0x80] =	vst v6;
	v10 =	vmul.f32 v11, v4;
	v19 =	vld [tilespmem:s25+$0x120]  }
.Ltmp4:
0x168: {  	v6 =	vbroadcast v13, $0x0;
	v13 =	vmov s28;
	[tilespmem:s25+$0x90] =	vst v7;
	v11 =	vmul.f32 v12, v4;
	v7 =	vld [tilespmem:s25+$0x130];
	(pc) =	sbr.rel @p0 .LBB2_11-.Ltmp4, $4  }
0x169: {  	v12 =	vand.u32 $0xFFFFFFF9, v14;
	v14 =	vand.u32 $0xFFFFFFFA, v15;
	[tilespmem:s25+$0xA0] =	vst v10;
	v15 =	vmul.f32 v8, v4;
	v8 =	vld [tilespmem:s25+$0x180]  }
0x16a: {  	v17 =	vand.u32 $0xFFFFFFFB, v17;
	v10 =	vbroadcast v12, $0x0;
	[tilespmem:s25+$0xB0] =	vst v11;
	v20 =	vmul.f32 v9, v3;
	v9 =	vld [tilespmem:s25+$0x190]  }
0x16b: {  	v12 =	vbroadcast v14, $0x0;
	v4 =	vand.u32 $0xFFFFFFFC, v18;
	[tilespmem:s25+$0xC0] =	vst v15;
	v15 =	vmul.f32 v16, v3;
	v11 =	vld [tilespmem:s25+$0x1A0]  }
0x16c: {  	s28 =	sadd.s32 $0x6, s26;
	s26 =	sadd.s32 $0x8, s26;
	v14 =	vbroadcast v17, $0x0;
	v17 =	vand.u32 $0xFFFFFFFD, v13;
	[tilespmem:s25+$0x100] =	vst v20;
	v16 =	vmul.f32 v19, v3;
	v13 =	vld [tilespmem:s25+$0x1B0]  }
0x16d: {  	_ =	sdelay $0x2  }
0x16e: {  	v19 =	vld [tilespmem:s25+$0x1C0]  }
0x16f: {  	v18 =	vbroadcast v4, $0x0;
	v4 =	vld.idx.msk [tilespmem:v5+s22+$0x0], $0xffff  }
0x170: {  	v63 =	vld.idx.msk [tilespmem:v6+s22+$0x0], $0xffff  }
0x171: {  	v10 =	vld.idx.msk [tilespmem:v10+s22+$0x0], $0xffff  }
0x172: {  	v12 =	vld.idx.msk [tilespmem:v12+s22+$0x0], $0xffff  }
0x173: {  	s26 =	sadd.s32 $0x400, s25;
	v14 =	vld.idx.msk [tilespmem:v14+s22+$0x0], $0xffff  }
0x174: {  	v23 =	vld [tilespmem:s26+$0x140]  }
0x175: {  	v24 =	vld [tilespmem:s26+$0xFFFFFE00]  }
0x176: {  	[tilespmem:s25+$0x110] =	vst v15;
	v3 =	vmul.f32 v7, v3;
	v26 =	vld [tilespmem:s26+$0xFFFFFE10]  }
0x177: {  	v62 =	vmov s28;
	[tilespmem:s25+$0x120] =	vst v16;
	v22 =	vmul.f32 v8, v2;
	v27 =	vld [tilespmem:s26+$0xFFFFFE20]  }
0x178: {  	v20 =	vand.u32 $0xFFFFFFFE, v62;
	v28 =	vld [tilespmem:s26+$0xFFFFFE30];
	[tilespmem:s25+$0x130] =	vst v3;
	v3 =	vmul.f32 v9, v2  }
0x179: {  	v29 =	vld [tilespmem:s26+$0xFFFFFE80];
	v21 =	vbroadcast v20, $0x0;
	[tilespmem:s25+$0x180] =	vst v22;
	v25 =	vmul.f32 v11, v2  }
0x17a: {  	v30 =	vld [tilespmem:s26+$0xFFFFFE90];
	[tilespmem:s25+$0x190] =	vst v3;
	v3 =	vmul.f32 v13, v2  }
0x17b: {  	v31 =	vld [tilespmem:s26+$0xFFFFFEA0];
	[tilespmem:s25+$0x1A0] =	vst v25;
	v2 =	vmul.f32 v19, v2  }
0x17c: {  	[tilespmem:s25+$0x1B0] =	vst v3;
	v3 =	vld [tilespmem:s26+$0xFFFFFE40];
	v11 =	vmul.f32 v26, v63  }
0x17d: {  	v32 =	vld [tilespmem:s26+$0xFFFFFEB0];
	[tilespmem:s25+$0x1C0] =	vst v2;
	v2 =	vmul.f32 v24, v63  }
0x17e: {  	v34 =	vld [tilespmem:s26+$0xFFFFFF00];
	v7 =	vmul.f32 v28, v63;
	[tilespmem:s26+$0xFFFFFE10] =	vst v11  }
0x17f: {  	v6 =	vld.idx.msk [tilespmem:v21+s22+$0x0], $0xffff;
	[tilespmem:s26+$0xFFFFFE00] =	vst v2;
	v2 =	vmul.f32 v27, v63  }
0x180: {  	v35 =	vld [tilespmem:s26+$0xFFFFFF10];
	v33 =	vmul.f32 v29, v10;
	[tilespmem:s26+$0xFFFFFE30] =	vst v7  }
0x181: {  	[tilespmem:s26+$0xFFFFFE20] =	vst v2;
	v2 =	vmul.f32 v3, v63;
	v3 =	vld [tilespmem:s26+$0xFFFFFEC0]  }
0x182: {  	v37 =	vld [tilespmem:s26+$0xFFFFFF20];
	v36 =	vmul.f32 v31, v10;
	[tilespmem:s26+$0xFFFFFE80] =	vst v33  }
0x183: {  	v38 =	vld [tilespmem:s26+$0xFFFFFF30];
	[tilespmem:s26+$0xFFFFFE40] =	vst v2;
	v2 =	vmul.f32 v30, v10  }
0x184: {  	v39 =	vld [tilespmem:s26+$0xFFFFFF40];
	[tilespmem:s26+$0xFFFFFEA0] =	vst v36;
	v8 =	vmul.f32 v23, v6  }
0x185: {  	v40 =	vld [tilespmem:s26+$0xFFFFFF80];
	[tilespmem:s26+$0xFFFFFE90] =	vst v2;
	v2 =	vmul.f32 v32, v10  }
0x186: {  	v41 =	vld [tilespmem:s26+$0xFFFFFF90];
	[tilespmem:s26+$0x140] =	vst v8;
	v3 =	vmul.f32 v3, v10  }
0x187: {  	v42 =	vld [tilespmem:s26+$0xFFFFFFA0];
	[tilespmem:s26+$0xFFFFFEB0] =	vst v2;
	v2 =	vmul.f32 v34, v12  }
0x188: {  	v43 =	vld [tilespmem:s26+$0xFFFFFFB0];
	[tilespmem:s26+$0xFFFFFEC0] =	vst v3;
	v3 =	vmul.f32 v35, v12  }
0x189: {  	v44 =	vld [tilespmem:s26+$0xFFFFFFC0];
	[tilespmem:s26+$0xFFFFFF00] =	vst v2;
	v2 =	vmul.f32 v37, v12  }
0x18a: {  	v45 =	vld [tilespmem:s26+$0x0];
	[tilespmem:s26+$0xFFFFFF10] =	vst v3;
	v3 =	vmul.f32 v38, v12  }
0x18b: {  	v17 =	vbroadcast v17, $0x0;
	v46 =	vld [tilespmem:s26+$0x10];
	[tilespmem:s26+$0xFFFFFF20] =	vst v2;
	v2 =	vmul.f32 v39, v12  }
0x18c: {  	v18 =	vld.idx.msk [tilespmem:v18+s22+$0x0], $0xffff;
	[tilespmem:s26+$0xFFFFFF30] =	vst v3;
	v3 =	vmul.f32 v40, v14  }
0x18d: {  	v47 =	vld [tilespmem:s26+$0x20];
	[tilespmem:s26+$0xFFFFFF40] =	vst v2;
	v2 =	vmul.f32 v41, v14  }
0x18e: {  	v48 =	vld [tilespmem:s26+$0x30];
	[tilespmem:s26+$0xFFFFFF80] =	vst v3;
	v3 =	vmul.f32 v42, v14  }
0x18f: {  	v49 =	vld [tilespmem:s26+$0x40];
	[tilespmem:s26+$0xFFFFFF90] =	vst v2;
	v2 =	vmul.f32 v43, v14  }
0x190: {  	v50 =	vld [tilespmem:s26+$0x80];
	[tilespmem:s26+$0xFFFFFFA0] =	vst v3;
	v3 =	vmul.f32 v44, v14  }
0x191: {  	v17 =	vld.idx.msk [tilespmem:v17+s22+$0x0], $0xffff;
	[tilespmem:s26+$0xFFFFFFB0] =	vst v2;
	v2 =	vmul.f32 v45, v18  }
0x192: {  	v51 =	vld [tilespmem:s26+$0x90];
	[tilespmem:s26+$0xFFFFFFC0] =	vst v3;
	v3 =	vmul.f32 v46, v18  }
0x193: {  	v52 =	vld [tilespmem:s26+$0xA0];
	[tilespmem:s26+$0x0] =	vst v2;
	v2 =	vmul.f32 v47, v18  }
0x194: {  	v53 =	vld [tilespmem:s26+$0xB0];
	[tilespmem:s26+$0x10] =	vst v3;
	v3 =	vmul.f32 v48, v18  }
0x195: {  	v54 =	vld [tilespmem:s26+$0xC0];
	[tilespmem:s26+$0x20] =	vst v2;
	v2 =	vmul.f32 v49, v18  }
0x196: {  	v55 =	vld [tilespmem:s26+$0x100];
	[tilespmem:s26+$0x30] =	vst v3;
	v3 =	vmul.f32 v50, v17  }
0x197: {  	v56 =	vld [tilespmem:s26+$0x110];
	[tilespmem:s26+$0x40] =	vst v2;
	v2 =	vmul.f32 v51, v17  }
0x198: {  	v57 =	vld [tilespmem:s26+$0x120];
	[tilespmem:s26+$0x80] =	vst v3;
	v3 =	vmul.f32 v52, v17  }
0x199: {  	v58 =	vld [tilespmem:s26+$0x130];
	[tilespmem:s26+$0x90] =	vst v2;
	v2 =	vmul.f32 v53, v17  }
0x19a: {  	v59 =	vld [tilespmem:s26+$0x180];
	[tilespmem:s26+$0xA0] =	vst v3;
	v3 =	vmul.f32 v54, v17  }
0x19b: {  	v60 =	vld [tilespmem:s26+$0x190];
	[tilespmem:s26+$0xB0] =	vst v2;
	v2 =	vmul.f32 v55, v6  }
0x19c: {  	v61 =	vld [tilespmem:s26+$0x1A0];
	[tilespmem:s26+$0xC0] =	vst v3;
	v3 =	vmul.f32 v56, v6  }
0x19d: {  	v62 =	vld [tilespmem:s26+$0x1B0];
	[tilespmem:s26+$0x100] =	vst v2;
	v2 =	vmul.f32 v57, v6  }
0x19e: {  	v63 =	vld [tilespmem:s26+$0x1C0];
	[tilespmem:s26+$0x110] =	vst v3;
	v3 =	vmul.f32 v58, v6  }
0x19f: {  	[tilespmem:s26+$0x120] =	vst v2;
	v2 =	vmul.f32 v59, v4  }
0x1a0: {  	[tilespmem:s26+$0x130] =	vst v3;
	v3 =	vmul.f32 v60, v4  }
0x1a1: {  	[tilespmem:s26+$0x180] =	vst v2;
	v2 =	vmul.f32 v61, v4  }
0x1a2: {  	[tilespmem:s26+$0x190] =	vst v3;
	v3 =	vmul.f32 v62, v4  }
0x1a3: {  	s24 =	sadd.s32 $0x1, s24;
	[tilespmem:s26+$0x1A0] =	vst v2;
	v2 =	vmul.f32 v63, v4  }
0x1a4: {  	p0 =	sne.s32 s24, $0x51;
	[tilespmem:s26+$0x1B0] =	vst v3  }
.Ltmp5:
0x1a5: {  	[tilespmem:s26+$0x1C0] =	vst v2;
	(pc) =	sbr.rel @p0 .LBB2_8-.Ltmp5, $4  }
0x1a6: {  	[spmem:s3] =	stream.indirect.scatter.add.f32 [tilespmem:s16], [sflag:$0x2], $0x80, s18, s18, $0xb8;
	[tilespmem:$0x1D180] =	vst v63  }
0x1a7: {  	_ =	swait.ge [sflag:s17], $0x4000  }
0x1a8: {  	[sflag:s17] =	ssyncset.done $0x0  }
0x1a9: {  	[sflag:s17] =	ssyncadd.s32 $0xFFFFC000  }
0x1aa: {  	s23 =	sadd.s32 $0x1, s23  }
0x1ab: {  	s24 =	sshll.u32 s1, $0x6;
	[bflag:$0x0] =	sbarrier.arrive $0xFFFF;
	p0 =	sne.s32 s23, s15  }
.Ltmp6:
0x1ac: {  	s25 =	sshrl.u32 s7, $0x3;
	s24 =	sor.u32 $0x1C02, s24;
	(pc) =	sbr.rel @p0 .LBB2_1-.Ltmp6, $4  }
0x1ad: {  	[hbm:s14], [sflag:s24] =	dma.local [spmem:s25], $0x2800  }
0x1ae: {  	_ =	swait.ge [sflag:s17], $0x2800  }
0x1af: {  	[sflag:s17] =	ssyncset.done $0x0  }
0x1b0: {  	[sflag:s17] =	ssyncadd.s32 $0xFFFFD800  }
0x1b1: {  	_ =	sfence.sel $0x180000  }
0x1b2: {  	[bflag:$0x0] =	sbarrier.arrive $0xFFFF  }
0x1b3: {  	p0 =	sne.s32 s1, $0x0;
	_ =	strace $0x9000004A  }
0x1b4: {  	s0 =	sadd.s32 @!p0 $0x100000, s0;
	[bflag:$0x2] =	sbarrier.arrive $0xFFFF  }
0x1b5: {  	[sflag:s0] =	ssyncadd.tile.s32 @!p0 $0x1;
	_ =	shalt  }
.Lfunc_end2:
_tile_overlayer_lowered:
.L_overlay_start_2:
0x1b6: {  	(tag) =	ssettag $0x2  }
0x1b7: {  	s0 =	rddreg [dreg:$0x0];
	s2 =	stileid.u32  }
0x1b8: {  	s1 =	rddreg [dreg:$0x1];
	p0 =	sne.s32 s2, $0x0  }
0x1b9: {  	s3 =	rddreg [dreg:$0x2];
	[bflag:$0x3] =	sbarrier.arrive $0xFFFF;
	s2 =	simm.s32 @!p0 $0x1C02  }
0x1ba: {  	[timem:s3], [sflag:s2] =	dma.local @!p0 [hbm:s0], s1  }
0x1bb: {  	s0 =	simm.s32 @!p0 $0x2  }
0x1bc: {  	_ =	swait.ge @!p0 [sflag:s0], s1  }
0x1bd: {  	s1 =	ssub.s32 @!p0 $0x0, s1;
	[sflag:s0] =	ssyncset.done @!p0 $0x0  }
0x1be: {  	[sflag:s0] =	ssyncadd.s32 @!p0 s1  }
0x1bf: {  	[bflag:$0x3] =	sbarrier.arrive $0xFFFF  }
0x1c0: {  	_ =	shalt  }

// kernel: kernel.7.cloned.1.call-start
scs
__scs_entry_jumppad:
0x0: {  	(pc) =	sbr.rel $0x88, $3  }
0x1: {  	(tag) =	ssettag $0x0;
	lr =	simm.s32 $0x1  }
0x2: {  	[smem:$0x3F97] =	sst lr;
	_ =	strace $0xD0000000  }
0x3: {  	_ = 	snop  }
0x4: {  	_ = 	snop  }
0x5: {  	_ = 	snop  }
0x6: {  	_ = 	snop  }
0x7: {  	_ = 	snop  }
__scs_overlays_trampoline_lowered:
0x8: {  	[smem:$0x3FA6] =	sst s0  }
0x9: {  	[smem:$0x3FA7] =	sst s1  }
0xa: {  	[smem:$0x3FA8] =	sst s2  }
0xb: {  	[smem:$0x3FA9] =	sst s3  }
0xc: {  	[smem:$0x3FAA] =	sst s4  }
0xd: {  	[smem:$0x3FAB] =	sst s5  }
0xe: {  	[smem:$0x3FAC] =	sst s6  }
0xf: {  	[smem:$0x3FAD] =	sst s7  }
0x10: {  	[smem:$0x3FAE] =	sst s8  }
0x11: {  	[smem:$0x3FAF] =	sst s9;
	s0 =	simm.s32 @!p0 $0x0  }
0x12: {  	s1 =	sld [smem:$0x3F95];
	s0 =	simm.s32 @p0 $0x1  }
0x13: {  	[smem:$0x3FB0] =	sst s0;
	s0 =	simm.s32 @!p1 $0x0  }
0x14: {  	s2 =	sld [smem:$0x3F94];
	s0 =	simm.s32 @p1 $0x1  }
0x15: {  	[smem:$0x3FB1] =	sst s0;
	s0 =	simm.s32 @!p2 $0x0  }
0x16: {  	s3 =	sld [smem:$0x3FDB];
	s0 =	simm.s32 @p2 $0x1  }
0x17: {  	s4 =	simm.s32 $0x1BF5;
	[smem:$0x3FB3] =	sst s0  }
0x18: {  	s0 =	sld [smem:$0x3F96];
	_ =	swait.ge [sflag:s4], $0x0  }
0x19: {  	s7 =	sld [smem:$0x3F97]  }
0x1a: {  	s8 =	sadd.s32 $0xFFFFE003, lr  }
0x1b: {  	s9 =	sadd.s32 $0xFFFFFEF7, lr;
	s5 =	simm.s32 $0xFFFFFFFF;
	p2 =	slt.u32 s8, $0xFFFFF086  }
0x1c: {  	p1 =	slt.u32 s9, $0xF7A;
	s5 =	simm.s32 @!p2 $0x0  }
0x1d: {  	s5 =	simm.s32 @p1 $0x1;
	p0 =	seq.s32 s7, s2  }
0x1e: {  	s7 =	smul.u32 @!p0 $0xF7A, s2;
	p2 =	seq.s32 @!p0 s5, $0x0  }
0x1f: {  	s9 =	smul.u32 $0xF7A, s1;
	s8 =	simm.s32 @!p0 $0x1BF5;
	p2 =	por !p2, p0  }
0x20: {  	[sflag:s8] =	ssyncset.s32 @!p0 $0xFFFFF086;
	s6 =	sadd.s32 @!p0 s3, s7;
	s7 =	simm.s32 @!p0 $0x108  }
0x21: {  	s3 =	sadd.s32 s3, s9;
	s6 =	sadd.s32 @!p0 $0x88, s6;
	s7 =	simm.s32 @p2 $0x1082  }
0x22: {  	[simem:s7], [sflag:s8] =	dma.local @!p0 [hbm:s6], $0xF7A  }
0x23: {  	s9 =	sor.u32 $0xD0000000, s2;
	s6 =	simm.s32 $0x108;
	_ =	swait.ge @!p0 [sflag:s8], $0x0  }
0x24: {  	s3 =	sadd.s32 $0x88, s3;
	s6 =	simm.s32 @!p1 $0x1082;
	[sflag:s4] =	ssyncset.s32 $0xFFFFF086  }
0x25: {  	[simem:s6], [sflag:s4] =	dma.local [hbm:s3], $0xF7A  }
0x26: {  	[smem:$0x3F97] =	sst s1;
	(tag) =	ssettag s2;
	_ =	strace s9  }
0x27: {  	s1 =	sld [smem:$0x3FA7]  }
0x28: {  	s2 =	sld [smem:$0x3FA8]  }
0x29: {  	s4 =	sld [smem:$0x3FAA]  }
0x2a: {  	p0 =	seq.s32 s5, $0x0;
	s5 =	sld [smem:$0x3FAB]  }
0x2b: {  	s6 =	sld [smem:$0x3FAC]  }
0x2c: {  	s7 =	sld [smem:$0x3FAD]  }
0x2d: {  	s3 =	simm.s32 $0x108;
	s8 =	sld [smem:$0x3FAE]  }
0x2e: {  	s3 =	simm.s32 @!p0 $0x1082;
	s9 =	sld [smem:$0x3FAF]  }
0x2f: {  	lr =	sadd.s32 s0, s3;
	s0 =	sld [smem:$0x3FA6]  }
0x30: {  	s3 =	sld [smem:$0x3FA9]  }
0x31: {  	[smem:$0x3FB2] =	sst s10  }
0x32: {  	s10 =	sld [smem:$0x3FB0];
	_ =	sdelay $0x3  }
0x33: {  	p0 =	seq.s32 s10, $0x1;
	s10 =	sld [smem:$0x3FB2];
	_ =	sdelay $0x3  }
0x34: {  	[smem:$0x3FB2] =	sst s10  }
0x35: {  	s10 =	sld [smem:$0x3FB1];
	_ =	sdelay $0x3  }
0x36: {  	p1 =	seq.s32 s10, $0x1;
	s10 =	sld [smem:$0x3FB2];
	_ =	sdelay $0x3  }
0x37: {  	[smem:$0x3FB2] =	sst s10  }
0x38: {  	s10 =	sld [smem:$0x3FB3]  }
0x39: {  	_ = 	snop;
	(pc) =	sbr.ind lr, $3  }
0x3a: {  	_ = 	snop  }
0x3b: {  	_ = 	snop  }
0x3c: {  	p2 =	seq.s32 s10, $0x1;
	s10 =	sld [smem:$0x3FB2]  }
0x3d: {  	_ =	shalt  }
0x3e: {  	_ =	shalt  }
0x3f: {  	_ =	shalt  }
0x40: {  	_ =	shalt  }
0x41: {  	_ =	shalt  }
0x42: {  	_ =	shalt  }
0x43: {  	_ =	shalt  }
0x44: {  	_ =	shalt  }
0x45: {  	_ =	shalt  }
0x46: {  	_ =	shalt  }
0x47: {  	_ =	shalt  }
0x48: {  	_ =	shalt  }
0x49: {  	_ =	shalt  }
0x4a: {  	_ =	shalt  }
0x4b: {  	_ =	shalt  }
0x4c: {  	_ =	shalt  }
0x4d: {  	_ =	shalt  }
0x4e: {  	_ =	shalt  }
0x4f: {  	_ =	shalt  }
0x50: {  	_ =	shalt  }
0x51: {  	_ =	shalt  }
0x52: {  	_ =	shalt  }
0x53: {  	_ =	shalt  }
0x54: {  	_ =	shalt  }
0x55: {  	_ =	shalt  }
0x56: {  	_ =	shalt  }
0x57: {  	_ =	shalt  }
0x58: {  	_ =	shalt  }
0x59: {  	_ =	shalt  }
0x5a: {  	_ =	shalt  }
0x5b: {  	_ =	shalt  }
0x5c: {  	_ =	shalt  }
0x5d: {  	_ =	shalt  }
0x5e: {  	_ =	shalt  }
0x5f: {  	_ =	shalt  }
0x60: {  	_ =	shalt  }
0x61: {  	_ =	shalt  }
0x62: {  	_ =	shalt  }
0x63: {  	_ =	shalt  }
0x64: {  	_ =	shalt  }
0x65: {  	_ =	shalt  }
0x66: {  	_ =	shalt  }
0x67: {  	_ =	shalt  }
0x68: {  	_ =	shalt  }
0x69: {  	_ =	shalt  }
0x6a: {  	_ =	shalt  }
0x6b: {  	_ =	shalt  }
0x6c: {  	_ =	shalt  }
0x6d: {  	_ =	shalt  }
0x6e: {  	_ =	shalt  }
0x6f: {  	_ =	shalt  }
0x70: {  	_ =	shalt  }
0x71: {  	_ =	shalt  }
0x72: {  	_ =	shalt  }
0x73: {  	_ =	shalt  }
0x74: {  	_ =	shalt  }
0x75: {  	_ =	shalt  }
0x76: {  	_ =	shalt  }
0x77: {  	_ =	shalt  }
0x78: {  	_ =	shalt  }
0x79: {  	_ =	shalt  }
0x7a: {  	_ =	shalt  }
0x7b: {  	_ =	shalt  }
0x7c: {  	_ =	shalt  }
0x7d: {  	_ =	shalt  }
0x7e: {  	_ =	shalt  }
0x7f: {  	_ =	shalt  }
0x80: {  	_ =	shalt  }
0x81: {  	_ =	shalt  }
0x82: {  	_ =	shalt  }
0x83: {  	_ =	shalt  }
0x84: {  	_ =	shalt  }
0x85: {  	_ =	shalt  }
0x86: {  	_ =	shalt  }
0x87: {  	_ =	shalt  }
.Lfunc_end0:
.L_simem_size_0:
called_computation_lowered:
.L_overlay_start_0:
0x88: {  	s2 =	sld [smem:$0x3FD9]  }
0x89: {  	s3 =	sld [smem:$0x3FFE];
	_ =	sdelay $0x1  }
0x8a: {  	s1 =	srdreg.scid  }
0x8b: {  	s0 =	sand.u32 $0x1, s1  }
0x8c: {  	s17 =	sshll.u32 s0, $0xA;
	s2 =	sadd.s32 s3, s2  }
0x8d: {  	s2 =	sadd.s32 s2, s17  }
0x8e: {  	[smem:$0x3FBE] =	sst s2  }
0x8f: {  	_ = 	snop  }
0x90: {  	s2 =	sld [smem:$0x3FD0];
	(tm) =	ssettm $0x1  }
0x91: {  	s18 =	sld [smem:$0x3FFB];
	_ =	sdelay $0x3  }
0x92: {  	_ =	strace s18  }
0x93: {  	s3 =	sld [smem:$0x3FFC];
	_ =	sdelay $0x3  }
0x94: {  	_ =	strace s3  }
0x95: {  	s3 =	sld [smem:$0x3FFD];
	_ =	sdelay $0x3  }
0x96: {  	_ =	strace s3  }
0x97: {  	_ =	strace $0x8FFFFFFF  }
0x98: {  	s19 =	sld [smem:$0x3FDB];
	_ =	sdelay $0x1  }
0x99: {  	s4 =	simm.s32 $_scs_section_size  }
0x9a: {  	s5 =	simm.s32 $_size__tile_overlayer_lowered;
	s6 =	simm.s32 $_tile_overlayer_lowered  }
0x9b: {  	s22 =	simm.s32 $0x1BFF;
	s21 =	sshll.u32 s6, $0x1;
	s3 =	sadd.s32 s4, s19  }
0x9c: {  	s7 =	simm.s32 $0x0;
	s20 =	sshll.u32 s5, $0x1;
	s5 =	sadd.s32 s21, s3  }
0x9d: {  	[timem:s7], [sflag:s22] =	dma.local [hbm:s5], s20  }
0x9e: {  	_ =	swait.ge [sflag:s22], s20  }
0x9f: {  	s4 =	ssub.s32 $0x0, s20;
	[sflag:s22] =	ssyncset.done $0x0  }
0xa0: {  	[sflag:s22] =	ssyncadd.s32 s4;
	_ =	sdelay $0x1  }
0xa1: {  	s23 =	simm.s32 $0x1B8B  }
0xa2: {  	_ =	swait.ge [sflag:s23], $0x1  }
0xa3: {  	[sflag:s23] =	ssyncset.done $0x0  }
0xa4: {  	s25 =	simm.s32 $0x1B8E;
	s24 =	sld [smem:$0x3FFE];
	[sflag:s23] =	ssyncadd.s32 $0xFFFFFFFF  }
0xa5: {  	s26 =	simm.s32 $execute0_lowered;
	[smem:$0x3FD2] =	sst s25  }
0xa6: {  	s5 =	sshll.u32 s26, $0x1;
	_ =	strace $0x80000046;
	[dreg:$0x1] =	wrdreg $0xFFFFFFFF  }
0xa7: {  	s28 =	simm.s32 $_size_execute0_lowered;
	s3 =	sadd.s32 s3, s5;
	[dreg:$0x0] =	wrdreg $0x0  }
0xa8: {  	s5 =	sshll.u32 s28, $0x1;
	[dreg:$0x2] =	wrdreg s3  }
0xa9: {  	[dreg:$0x3] =	wrdreg s5  }
0xaa: {  	[dreg:$0x4] =	wrdreg $0xC0  }
0xab: {  	_ =	task [dreg:s7], $0x5FFFF  }
0xac: {  	[dreg:$0x1] =	wrdreg $0xFFFFFFFF  }
0xad: {  	[dreg:$0x0] =	wrdreg $0x60  }
0xae: {  	[dreg:$0x2] =	wrdreg s24  }
0xaf: {  	[dreg:$0x3] =	wrdreg s2  }
0xb0: {  	[dreg:$0x4] =	wrdreg $0x91800  }
0xb1: {  	[dreg:$0x5] =	wrdreg $0x9  }
0xb2: {  	_ =	task.clear_ibuf [dreg:s7], $0x6FFFF;
	_ =	strace $0x90000046  }
0xb3: {  	s29 =	simm.s32 $0x9;
	_ =	strace $0x80000048  }
0xb4: {  	_ =	swait.ge [sflag:s29], $0x1  }
0xb5: {  	[sflag:s29] =	ssyncadd.s32 $0xFFFFFFFF  }
0xb6: {  	_ =	strace $0x90000048  }
0xb7: {  	_ =	sfence  }
0xb8: {  	s30 =	sld [smem:$0x0];
	_ =	sdelay $0x2  }
0xb9: {  	s31 =	sshll.u32 s1, $0xD;
	s1 =	sshrl.u32 s1, $0x2  }
0xba: {  	s3 =	sand.u32 $0x4000, s31;
	s1 =	sadd.s32 s1, s30  }
0xbb: {  	s0 =	sor.u32 s3, s0;
	s1 =	sshll.u32 s1, $0x11  }
0xbc: {  	s0 =	sor.u32 s1, s0  }
0xbd: {  	s0 =	sadd.s32 $0x8F2B, s0  }
0xbe: {  	[sflag:s0] =	ssyncadd.remote.s32 $0x1  }
0xbf: {  	_ =	sfence.sel $0xFFFF  }
0xc0: {  	[dreg:$0x0] =	wrdreg $0xFFFFFFFF;
	(pc) =	sbr.abs _section_cstart, $3  }
0xc1: {  	[dreg:$0x1] =	wrdreg $0xFFFFFFFF  }
0xc2: {  	_ =	task.clear_ibuf [dreg:s7], $0x2FFFF;
	_ =	strace $0x9FFFFFFF  }
0xc3: {  	(tm) =	ssettm $0x7FFFFFFF  }
tec
execute0_lowered:
.L_overlay_start_1:
0x0: {  	(tag) =	ssettag $0x1  }
0x1: {  	s7 =	rddreg [dreg:$0x0]  }
0x2: {  	s11 =	rddreg [dreg:$0x1];
	s0 =	srdreg.scid  }
0x3: {  	s2 =	rddreg [dreg:$0x2];
	s1 =	stileid.u32;
	s3 =	simm.s32 $0x0  }
0x4: {  	s17 =	simm.s32 $0x2;
	s18 =	simm.s32 $0x80;
	s19 =	simm.s32 $0x200  }
0x5: {  	s20 =	simm.s32 $0x100;
	s21 =	simm.s32 $0x2900;
	s23 =	simm.s32 $0x5100  }
0x6: {  	s13 =	sand.u32 $0x1, s0;
	s0 =	rddreg [dreg:$0x3];
	s8 =	smul.u32 $0x14000, s1  }
0x7: {  	s24 =	simm.s32 $0x0;
	[smem:$0x7FF] =	sst s3;
	s9 =	smul.u32 $0x50000, s1  }
0x8: {  	s4 =	sadd.s32 $0x52800, s7;
	s5 =	sadd.s32 $0x2800, s7;
	s6 =	smul.u32 $0x140000, s13  }
0x9: {  	_ =	strace $0x80000047;
	s29 =	ssub.s32 $0x2, s13;
	s30 =	sshll.u32 s13, $0x5  }
0xa: {  	s16 =	sshll.u32 s13, $0x4;
	s22 =	smul.u32 $0x2800, s13;
	s9 =	sshrl.u32 s9, $0x2  }
0xb: {  	s12 =	sshrl.u32 s29, $0x1;
	s11 =	sadd.s32 s11, s30;
	s31 =	sor.u32 s1, s16  }
0xc: {  	s16 =	simm.s32 $0x5180;
	s6 =	sadd.s32 s8, s6;
	s15 =	ssub.s32 s29, s12  }
0xd: {  	s12 =	sadd.s32 $0x10, s11;
	s13 =	smul.u32 $0xA200, s31;
	v0 =	vmov s22;
	s22 =	simm.s32 $0x1  }
0xe: {  	s10 =	sshrl.u32 s6, $0x3;
	s6 =	sadd.s32 s9, s2;
	s15 =	smax.u32 s15, $0x1  }
0xf: {  	s14 =	sadd.s32 s10, s7;
	s7 =	sadd.s32 $0x4000, s6;
	s8 =	sadd.s32 $0x8000, s6  }
0x10: {  	v1 =	vimm.f32 $0.0e+00;
	s9 =	sadd.s32 $0xC000, s6;
	s10 =	sadd.s32 $0x10000, s6;
	s14 =	sadd.s32 $0x7B000, s14  }
.LBB2_1:
0x11: {  	s25 =	simm.s32 $0x5380  }
0x12: {  	[tilespmem:s25+$0xFFFFFE00] =	vst v1  }
0x13: {  	[tilespmem:s25+$0x1F0] =	vst v1  }
0x14: {  	[tilespmem:s25+$0x1E0] =	vst v1  }
0x15: {  	[tilespmem:s25+$0x1D0] =	vst v1  }
0x16: {  	[tilespmem:s25+$0x1C0] =	vst v1  }
0x17: {  	[tilespmem:s25+$0x1B0] =	vst v1  }
0x18: {  	[tilespmem:s25+$0x1A0] =	vst v1  }
0x19: {  	[tilespmem:s25+$0x190] =	vst v1  }
0x1a: {  	[tilespmem:s25+$0x180] =	vst v1  }
0x1b: {  	[tilespmem:s25+$0x170] =	vst v1  }
0x1c: {  	[tilespmem:s25+$0x160] =	vst v1  }
0x1d: {  	[tilespmem:s25+$0x150] =	vst v1  }
0x1e: {  	[tilespmem:s25+$0x140] =	vst v1  }
0x1f: {  	[tilespmem:s25+$0x130] =	vst v1  }
0x20: {  	[tilespmem:s25+$0x120] =	vst v1  }
0x21: {  	[tilespmem:s25+$0x110] =	vst v1  }
0x22: {  	[tilespmem:s25+$0x100] =	vst v1  }
0x23: {  	[tilespmem:s25+$0xF0] =	vst v1  }
0x24: {  	[tilespmem:s25+$0xE0] =	vst v1  }
0x25: {  	[tilespmem:s25+$0xD0] =	vst v1  }
0x26: {  	[tilespmem:s25+$0xC0] =	vst v1  }
0x27: {  	[tilespmem:s25+$0xB0] =	vst v1  }
0x28: {  	[tilespmem:s25+$0xA0] =	vst v1  }
0x29: {  	[tilespmem:s25+$0x90] =	vst v1  }
0x2a: {  	[tilespmem:s25+$0x80] =	vst v1  }
0x2b: {  	[tilespmem:s25+$0x70] =	vst v1  }
0x2c: {  	[tilespmem:s25+$0x60] =	vst v1  }
0x2d: {  	[tilespmem:s25+$0x50] =	vst v1  }
0x2e: {  	[tilespmem:s25+$0x40] =	vst v1  }
0x2f: {  	[tilespmem:s25+$0x30] =	vst v1  }
0x30: {  	[tilespmem:s25+$0x20] =	vst v1  }
0x31: {  	[tilespmem:s25+$0x10] =	vst v1  }
0x32: {  	[tilespmem:s25+$0x0] =	vst v1  }
0x33: {  	[tilespmem:s25+$0xFFFFFFF0] =	vst v1  }
0x34: {  	[tilespmem:s25+$0xFFFFFFE0] =	vst v1  }
0x35: {  	[tilespmem:s25+$0xFFFFFFD0] =	vst v1  }
0x36: {  	[tilespmem:s25+$0xFFFFFFC0] =	vst v1  }
0x37: {  	[tilespmem:s25+$0xFFFFFFB0] =	vst v1  }
0x38: {  	[tilespmem:s25+$0xFFFFFFA0] =	vst v1  }
0x39: {  	[tilespmem:s25+$0xFFFFFF90] =	vst v1  }
0x3a: {  	[tilespmem:s25+$0xFFFFFF80] =	vst v1  }
0x3b: {  	[tilespmem:s25+$0xFFFFFF70] =	vst v1  }
0x3c: {  	[tilespmem:s25+$0xFFFFFF60] =	vst v1  }
0x3d: {  	[tilespmem:s25+$0xFFFFFF50] =	vst v1  }
0x3e: {  	[tilespmem:s25+$0xFFFFFF40] =	vst v1  }
0x3f: {  	[tilespmem:s25+$0xFFFFFF30] =	vst v1  }
0x40: {  	[tilespmem:s25+$0xFFFFFF20] =	vst v1  }
0x41: {  	[tilespmem:s25+$0xFFFFFF10] =	vst v1  }
0x42: {  	[tilespmem:s25+$0xFFFFFF00] =	vst v1  }
0x43: {  	[tilespmem:s25+$0xFFFFFEF0] =	vst v1  }
0x44: {  	[tilespmem:s25+$0xFFFFFEE0] =	vst v1  }
0x45: {  	[tilespmem:s25+$0xFFFFFED0] =	vst v1  }
0x46: {  	[tilespmem:s25+$0xFFFFFEC0] =	vst v1  }
0x47: {  	[tilespmem:s25+$0xFFFFFEB0] =	vst v1  }
0x48: {  	[tilespmem:s25+$0xFFFFFEA0] =	vst v1  }
0x49: {  	[tilespmem:s25+$0xFFFFFE90] =	vst v1  }
0x4a: {  	[tilespmem:s25+$0xFFFFFE80] =	vst v1  }
0x4b: {  	[tilespmem:s25+$0xFFFFFE70] =	vst v1  }
0x4c: {  	[tilespmem:s25+$0xFFFFFE60] =	vst v1  }
0x4d: {  	[tilespmem:s25+$0xFFFFFE50] =	vst v1  }
0x4e: {  	[tilespmem:s25+$0xFFFFFE40] =	vst v1  }
0x4f: {  	[tilespmem:s25+$0xFFFFFE30] =	vst v1  }
0x50: {  	s26 =	simm.s32 $0x0;
	[tilespmem:s25+$0xFFFFFE20] =	vst v1  }
.LBB2_2:
0x51: {  	s26 =	sadd.s32 $0x8, s26;
	[tilespmem:s25+$0xFFFFFE10] =	vst v1;
	s25 =	sadd.s32 $0x400, s25  }
0x52: {  	[tilespmem:s25+$0xFFFFFE00] =	vst v1;
	p0 =	slt.u32 s26, $0x78  }
0x53: {  	[tilespmem:s25+$0x1F0] =	vst v1  }
0x54: {  	[tilespmem:s25+$0x1E0] =	vst v1  }
0x55: {  	[tilespmem:s25+$0x1D0] =	vst v1  }
0x56: {  	[tilespmem:s25+$0x1C0] =	vst v1  }
0x57: {  	[tilespmem:s25+$0x1B0] =	vst v1  }
0x58: {  	[tilespmem:s25+$0x1A0] =	vst v1  }
0x59: {  	[tilespmem:s25+$0x190] =	vst v1  }
0x5a: {  	[tilespmem:s25+$0x180] =	vst v1  }
0x5b: {  	[tilespmem:s25+$0x170] =	vst v1  }
0x5c: {  	[tilespmem:s25+$0x160] =	vst v1  }
0x5d: {  	[tilespmem:s25+$0x150] =	vst v1  }
0x5e: {  	[tilespmem:s25+$0x140] =	vst v1  }
0x5f: {  	[tilespmem:s25+$0x130] =	vst v1  }
0x60: {  	[tilespmem:s25+$0x120] =	vst v1  }
0x61: {  	[tilespmem:s25+$0x110] =	vst v1  }
0x62: {  	[tilespmem:s25+$0x100] =	vst v1  }
0x63: {  	[tilespmem:s25+$0xF0] =	vst v1  }
0x64: {  	[tilespmem:s25+$0xE0] =	vst v1  }
0x65: {  	[tilespmem:s25+$0xD0] =	vst v1  }
0x66: {  	[tilespmem:s25+$0xC0] =	vst v1  }
0x67: {  	[tilespmem:s25+$0xB0] =	vst v1  }
0x68: {  	[tilespmem:s25+$0xA0] =	vst v1  }
0x69: {  	[tilespmem:s25+$0x90] =	vst v1  }
0x6a: {  	[tilespmem:s25+$0x80] =	vst v1  }
0x6b: {  	[tilespmem:s25+$0x70] =	vst v1  }
0x6c: {  	[tilespmem:s25+$0x60] =	vst v1  }
0x6d: {  	[tilespmem:s25+$0x50] =	vst v1  }
0x6e: {  	[tilespmem:s25+$0x40] =	vst v1  }
0x6f: {  	[tilespmem:s25+$0x30] =	vst v1  }
0x70: {  	[tilespmem:s25+$0x20] =	vst v1  }
0x71: {  	[tilespmem:s25+$0x10] =	vst v1  }
0x72: {  	[tilespmem:s25+$0x0] =	vst v1  }
0x73: {  	[tilespmem:s25+$0xFFFFFFF0] =	vst v1  }
0x74: {  	[tilespmem:s25+$0xFFFFFFE0] =	vst v1  }
0x75: {  	[tilespmem:s25+$0xFFFFFFD0] =	vst v1  }
0x76: {  	[tilespmem:s25+$0xFFFFFFC0] =	vst v1  }
0x77: {  	[tilespmem:s25+$0xFFFFFFB0] =	vst v1  }
0x78: {  	[tilespmem:s25+$0xFFFFFFA0] =	vst v1  }
0x79: {  	[tilespmem:s25+$0xFFFFFF90] =	vst v1  }
0x7a: {  	[tilespmem:s25+$0xFFFFFF80] =	vst v1  }
0x7b: {  	[tilespmem:s25+$0xFFFFFF70] =	vst v1  }
0x7c: {  	[tilespmem:s25+$0xFFFFFF60] =	vst v1  }
0x7d: {  	[tilespmem:s25+$0xFFFFFF50] =	vst v1  }
0x7e: {  	[tilespmem:s25+$0xFFFFFF40] =	vst v1  }
0x7f: {  	[tilespmem:s25+$0xFFFFFF30] =	vst v1  }
0x80: {  	[tilespmem:s25+$0xFFFFFF20] =	vst v1  }
0x81: {  	[tilespmem:s25+$0xFFFFFF10] =	vst v1  }
0x82: {  	[tilespmem:s25+$0xFFFFFF00] =	vst v1  }
0x83: {  	[tilespmem:s25+$0xFFFFFEF0] =	vst v1  }
0x84: {  	[tilespmem:s25+$0xFFFFFEE0] =	vst v1  }
0x85: {  	[tilespmem:s25+$0xFFFFFED0] =	vst v1  }
0x86: {  	[tilespmem:s25+$0xFFFFFEC0] =	vst v1  }
0x87: {  	[tilespmem:s25+$0xFFFFFEB0] =	vst v1  }
0x88: {  	[tilespmem:s25+$0xFFFFFEA0] =	vst v1  }
0x89: {  	[tilespmem:s25+$0xFFFFFE90] =	vst v1  }
0x8a: {  	[tilespmem:s25+$0xFFFFFE80] =	vst v1  }
0x8b: {  	[tilespmem:s25+$0xFFFFFE70] =	vst v1  }
.Ltmp0:
0x8c: {  	[tilespmem:s25+$0xFFFFFE60] =	vst v1;
	(pc) =	sbr.rel @p0 .LBB2_2-.Ltmp0, $4  }
0x8d: {  	[tilespmem:s25+$0xFFFFFE50] =	vst v1  }
0x8e: {  	[tilespmem:s25+$0xFFFFFE40] =	vst v1  }
0x8f: {  	[tilespmem:s25+$0xFFFFFE30] =	vst v1  }
0x90: {  	[tilespmem:s25+$0xFFFFFE20] =	vst v1  }
0x91: {  	[tilespmem:s25+$0xFFFFFE10] =	vst v1  }
0x92: {  	[spmem:s6] =	stream.linear.scatter [tilespmem:s16], [sflag:$0x2], $0x4000, $0x38;
	[tilespmem:$0x1D180] =	vst v63  }
0x93: {  	_ =	swait.ge [sflag:s17], $0x4000  }
0x94: {  	[sflag:s17] =	ssyncset.done $0x0  }
0x95: {  	[sflag:s17] =	ssyncadd.s32 $0xFFFFC000  }
0x96: {  	[spmem:s7] =	stream.linear.scatter [tilespmem:s16], [sflag:$0x2], $0x4000, $0x38;
	[tilespmem:$0x1D180] =	vst v63  }
0x97: {  	_ =	swait.ge [sflag:s17], $0x4000  }
0x98: {  	[sflag:s17] =	ssyncset.done $0x0  }
0x99: {  	[sflag:s17] =	ssyncadd.s32 $0xFFFFC000  }
0x9a: {  	[spmem:s8] =	stream.linear.scatter [tilespmem:s16], [sflag:$0x2], $0x4000, $0x38;
	[tilespmem:$0x1D180] =	vst v63  }
0x9b: {  	_ =	swait.ge [sflag:s17], $0x4000  }
0x9c: {  	[sflag:s17] =	ssyncset.done $0x0  }
0x9d: {  	[sflag:s17] =	ssyncadd.s32 $0xFFFFC000  }
0x9e: {  	[spmem:s9] =	stream.linear.scatter [tilespmem:s16], [sflag:$0x2], $0x4000, $0x38;
	[tilespmem:$0x1D180] =	vst v63  }
0x9f: {  	_ =	swait.ge [sflag:s17], $0x4000  }
0xa0: {  	[sflag:s17] =	ssyncset.done $0x0  }
0xa1: {  	[sflag:s17] =	ssyncadd.s32 $0xFFFFC000  }
0xa2: {  	[spmem:s10] =	stream.linear.scatter [tilespmem:s16], [sflag:$0x2], $0x4000, $0x38;
	[tilespmem:$0x1D180] =	vst v63  }
0xa3: {  	_ =	swait.ge [sflag:s17], $0x4000  }
0xa4: {  	[sflag:s17] =	ssyncset.done $0x0  }
0xa5: {  	[sflag:s17] =	ssyncadd.s32 $0xFFFFC000  }
0xa6: {  	[bflag:$0x0] =	sbarrier.arrive $0xFFFF  }
0xa7: {  	[tilespmem:s20], [sflag:$0x2] =	stream.strided.gather [hbm4b:s11+s18], $0x2800, s19, s18, $0x38;
	[tilespmem:$0x1D180] =	vst v63  }
0xa8: {  	_ =	swait.ge [sflag:s17], $0x2800  }
0xa9: {  	[sflag:s17] =	ssyncset.done $0x0  }
0xaa: {  	[sflag:s17] =	ssyncadd.s32 $0xFFFFD800  }
0xab: {  	[tilespmem:s21], [sflag:$0x2] =	stream.strided.gather [hbm4b:s12+s18], $0x2800, s19, s18, $0x38;
	[tilespmem:$0x1D180] =	vst v63  }
0xac: {  	_ =	swait.ge [sflag:s17], $0x2800  }
0xad: {  	[sflag:s17] =	ssyncset.done $0x0  }
0xae: {  	s25 =	simm.s32 $0x0;
	[sflag:s17] =	ssyncadd.s32 $0xFFFFD800  }
0xaf: {  	v2 =	vimm.f32 $-Inf;
	s26 =	simm.s32 $0x40;
	v3 =	vimm.f32 $-Inf;
	v4 =	vld [tilespmem:s25+$0x100]  }
.LBB2_4:
0xb0: {  	p0 =	sne.s32 s26, $0x9FC0  }
.Ltmp1:
0xb1: {  	_ = 	snop;
	(pc) =	sbr.rel @p0 .LBB2_4-.Ltmp1, $3  }
0xb2: {  	_ =	sdelay $0x1  }
0xb3: {  	s28 =	sshra.s32 s26, $0x2;
	s26 =	sadd.s32 $0x40, s26;
	v3 =	vmax.f32 v3, v4  }
0xb4: {  	v4 =	vld [tilespmem:s28+$0x100]  }
0xb5: {  	_ =	sdelay $0x3  }
0xb6: {  	s26 =	simm.s32 $0x40;
	v3 =	vmax.f32 v3, v4;
	v4 =	vld [tilespmem:s25+$0x2900]  }
.LBB2_6:
0xb7: {  	p0 =	sne.s32 s26, $0x9FC0  }
.Ltmp2:
0xb8: {  	_ = 	snop;
	(pc) =	sbr.rel @p0 .LBB2_6-.Ltmp2, $3  }
0xb9: {  	_ =	sdelay $0x1  }
0xba: {  	s25 =	sshra.s32 s26, $0x2;
	s26 =	sadd.s32 $0x40, s26;
	v2 =	vmax.f32 v2, v4  }
0xbb: {  	v4 =	vld [tilespmem:s25+$0x2900]  }
0xbc: {  	_ =	sdelay $0x3  }
0xbd: {  	(xrf0) =	vmax.scan.msk.f32 $0xffff, v3;
	v2 =	vmax.f32 v2, v4  }
0xbe: {  	(xrf0) =	vmax.scan.msk.f32 $0xffff, v2;
	_ =	sdelay $0x4  }
0xbf: {  	v2, _, _ =	vpop (xrf0)  }
0xc0: {  	(v2sf) =	vpush v2, $0xF;
	v2, _, _ =	vpop (xrf0)  }
0xc1: {  	(v2sf) =	vpush v2, $0xF;
	_ =	sdelay $0xd  }
0xc2: {  	s25 =	spop (v2sf)  }
0xc3: {  	s26 =	spop (v2sf)  }
0xc4: {  	s25 =	sadd.f32 s26, s25;
	_ =	sdelay $0x1  }
0xc5: {  	s26 =	smul.f32 $2.000000030e-01, s25;
	_ =	sdelay $0x1  }
0xc6: {  	s25 =	smax.f32 s25, s26  }
0xc7: {  	v2 =	vmov s25;
	s25 =	simm.s32 $0x0  }
.LBB2_8:
0xc8: {  	s26 =	sshll.u32 s25, $0x8  }
0xc9: {  	s26 =	sadd.s32 s13, s26  }
0xca: {  	s26 =	sshrl.u32 s26, $0x3  }
0xcb: {  	s26 =	sadd.s32 s4, s26  }
0xcc: {  	[tilespmem:s3], [sflag:$0x2] =	stream.linear.gather [hbm4b:s26+s3], $0x100, $0x38;
	[tilespmem:$0x1D180] =	vst v63  }
0xcd: {  	_ =	swait.ge [sflag:s17], $0x100  }
0xce: {  	[sflag:s17] =	ssyncset.done $0x0  }
0xcf: {  	s31 =	simm.s32 $0x90;
	[sflag:s17] =	ssyncadd.s32 $0xFFFFFF00  }
0xd0: {  	[tilespmem:s16], [sflag:$0x1] =	stream.indirect.gather [hbm4b:s5+s18], $0x80, s3, s18, $0xb8;
	[tilespmem:$0x1D180] =	vst v63  }
0xd1: {  	v3 =	vld [tilespmem:s31+$0xFFFFFF80];
	_ =	sdelay $0x3  }
0xd2: {  	v4 =	vld [tilespmem:s31+$0x0]  }
0xd3: {  	v5 =	vsub.s32 v3, v0  }
0xd4: {  	v3 =	vand.u32 $0x7F, v3;
	v5 =	vand.u32 $0xFFFFFF80, v5  }
0xd5: {  	v3 =	vor.u32 v3, v5;
	v5 =	vld [tilespmem:s31+$0xFFFFFF70];
	_ =	sdelay $0x1  }
0xd6: {  	v6 =	vld [tilespmem:s31+$0xFFFFFFF0]  }
0xd7: {  	s30 =	simm.s32 $0xB0  }
0xd8: {  	v7 =	vld [tilespmem:s30+$0xFFFFFF80]  }
0xd9: {  	v4 =	vld.idx.msk [tilespmem:v4+s21+$0x0], $0xffff;
	v8 =	vsub.s32 v5, v0  }
0xda: {  	v3 =	vld.idx.msk [tilespmem:v3+s20+$0x0], $0xffff;
	v5 =	vand.u32 $0x7F, v5;
	v8 =	vand.u32 $0xFFFFFF80, v8  }
0xdb: {  	v9 =	vld [tilespmem:s30+$0x0];
	v5 =	vor.u32 v5, v8;
	_ =	sdelay $0x1  }
0xdc: {  	v11 =	vld [tilespmem:s30+$0xFFFFFFF0]  }
0xdd: {  	v10 =	vsub.s32 v7, v0;
	v6 =	vld.idx.msk [tilespmem:v6+s21+$0x0], $0xffff  }
0xde: {  	v7 =	vand.u32 $0x7F, v7;
	v8 =	vld [tilespmem:s30+$0xFFFFFF70];
	v3 =	vadd.f32 v4, v3;
	v4 =	vand.u32 $0xFFFFFF80, v10  }
0xdf: {  	v4 =	vor.u32 v7, v4;
	v5 =	vld.idx.msk [tilespmem:v5+s20+$0x0], $0xffff  }
0xe0: {  	v7 =	vmul.f32 $2.000000030e-01, v3;
	_ =	sdelay $0x1  }
0xe1: {  	s31 =	simm.s32 $0xD0;
	v9 =	vld.idx.msk [tilespmem:v9+s21+$0x0], $0xffff;
	v3 =	vmax.f32 v3, v7  }
0xe2: {  	v12 =	vld [tilespmem:s31+$0xFFFFFF70];
	v7 =	vsub.s32 v8, v0;
	v3 =	vsub.f32 v3, v2  }
0xe3: {  	v8 =	vand.u32 $0x7F, v8;
	v7 =	vand.u32 $0xFFFFFF80, v7;
	v4 =	vld.idx.msk [tilespmem:v4+s20+$0x0], $0xffff;
	v5 =	vadd.f32 v6, v5  }
0xe4: {  	v7 =	vor.u32 v8, v7;
	v8 =	vld [tilespmem:s31+$0xFFFFFF80];
	v3 =	vmul.f32 $1.442695020e+00, v3  }
0xe5: {  	v10 =	vld.idx.msk [tilespmem:v11+s21+$0x0], $0xffff;
	v11 =	vmul.f32 $2.000000030e-01, v5  }
0xe6: {  	v6 =	vld [tilespmem:s31+$0x0];
	(erf) = vpow2.f32 v3  }
0xe7: {  	v3 =	vld [tilespmem:s31+$0xFFFFFFF0];
	v5 =	vmax.f32 v5, v11  }
0xe8: {  	v5 =	vsub.f32 v5, v2  }
0xe9: {  	v7 =	vld.idx.msk [tilespmem:v7+s20+$0x0], $0xffff;
	v4 =	vadd.f32 v9, v4;
	v9 =	vsub.s32 v8, v0  }
0xea: {  	v8 =	vand.u32 $0x7F, v8;
	v9 =	vand.u32 $0xFFFFFF80, v9;
	v5 =	vmul.f32 $1.442695020e+00, v5  }
0xeb: {  	v8 =	vor.u32 v8, v9;
	v9 =	vmul.f32 $2.000000030e-01, v4  }
0xec: {  	v11 =	vsub.s32 v12, v0;
	(erf) = vpow2.f32 v5  }
0xed: {  	v9 =	vmax.f32 v4, v9  }
0xee: {  	v6 =	vld.idx.msk [tilespmem:v6+s21+$0x0], $0xffff;
	v4 =	vadd.f32 v10, v7;
	v10 =	vsub.f32 v9, v2  }
0xef: {  	s26 =	simm.s32 $0x5110;
	v7 =	vand.u32 $0xFFFFFF80, v11;
	v9 =	vand.u32 $0x7F, v12;
	v3 =	vld.idx.msk [tilespmem:v3+s21+$0x0], $0xffff;
	v11 =	vpop (erf)  }
0xf0: {  	s28 =	simm.s32 $0x4;
	s29 =	simm.s32 $0xF0;
	v5 =	vor.u32 v9, v7;
	v7 =	vld.idx.msk [tilespmem:v8+s20+$0x0], $0xffff;
	v9 =	vmul.f32 $2.000000030e-01, v4;
	v8 =	vmul.f32 $1.442695020e+00, v10;
	[tilespmem:s26+$0x0] =	vst v11  }
.LBB2_9:
0xf1: {  	v10 =	vld [tilespmem:s29+$0xFFFFFF80];
	s28 =	sadd.s32 $0x2, s28  }
0xf2: {  	v11 =	vld [tilespmem:s29+$0xFFFFFF70];
	p0 =	slt.u32 s28, $0x6;
	v4 =	vmax.f32 v4, v9;
	(erf) = vpow2.f32 v8  }
0xf3: {  	v8 =	vld [tilespmem:s29+$0xFFFFFFF0];
	v4 =	vsub.f32 v4, v2  }
0xf4: {  	v9 =	vld [tilespmem:s29+$0x0]  }
0xf5: {  	v12 =	vld.idx.msk [tilespmem:v5+s20+$0x0], $0xffff;
	v4 =	vmul.f32 $1.442695020e+00, v4;
	v5 =	vpop (erf)  }
0xf6: {  	v6 =	vadd.f32 v6, v7;
	v13 =	vsub.s32 v10, v0;
	[tilespmem:s26+$0xFFFFFFF0] =	vst v5  }
0xf7: {  	v10 =	vand.u32 $0x7F, v10;
	v5 =	vsub.s32 v11, v0;
	v7 =	vand.u32 $0xFFFFFF80, v13  }
0xf8: {  	v13 =	vmul.f32 $2.000000030e-01, v6;
	v5 =	vand.u32 $0xFFFFFF80, v5;
	v7 =	vor.u32 v10, v7  }
.Ltmp3:
0xf9: {  	v11 =	vand.u32 $0x7F, v11;
	(erf) = vpow2.f32 v4;
	(pc) =	sbr.rel @p0 .LBB2_9-.Ltmp3, $4  }
0xfa: {  	v5 =	vor.u32 v11, v5;
	v6 =	vmax.f32 v6, v13  }
0xfb: {  	s26 =	sadd.s32 $0x20, s26;
	v4 =	vadd.f32 v3, v12;
	v3 =	vld.idx.msk [tilespmem:v8+s21+$0x0], $0xffff;
	v8 =	vsub.f32 v6, v2;
	v10 =	vpop (erf)  }
0xfc: {  	v6 =	vld.idx.msk [tilespmem:v9+s21+$0x0], $0xffff;
	[tilespmem:s26+$0x0] =	vst v10  }
0xfd: {  	s29 =	sadd.s32 $0x20, s29;
	v9 =	vmul.f32 $2.000000030e-01, v4;
	v7 =	vld.idx.msk [tilespmem:v7+s20+$0x0], $0xffff;
	v8 =	vmul.f32 $1.442695020e+00, v8  }
0xfe: {  	_ =	sdelay $0x3  }
0xff: {  	v5 =	vld.idx.msk [tilespmem:v5+s20+$0x0], $0xffff;
	_ =	sdelay $0x3  }
0x100: {  	v6 =	vadd.f32 v6, v7  }
0x101: {  	v3 =	vadd.f32 v3, v5  }
0x102: {  	v5 =	vmul.f32 $2.000000030e-01, v6  }
0x103: {  	v4 =	vmax.f32 v4, v9;
	v7 =	vmul.f32 $2.000000030e-01, v3  }
0x104: {  	v4 =	vsub.f32 v4, v2;
	v5 =	vmax.f32 v6, v5  }
0x105: {  	v5 =	vsub.f32 v5, v2;
	v3 =	vmax.f32 v3, v7  }
0x106: {  	v4 =	vmul.f32 $1.442695020e+00, v4;
	v3 =	vsub.f32 v3, v2  }
0x107: {  	(erf) = vpow2.f32 v8;
	v5 =	vmul.f32 $1.442695020e+00, v5  }
0x108: {  	(erf) = vpow2.f32 v4;
	v3 =	vmul.f32 $1.442695020e+00, v3  }
0x109: {  	(erf) = vpow2.f32 v5  }
0x10a: {  	(erf) = vpow2.f32 v3;
	_ =	sdelay $0x4  }
0x10b: {  	v3 =	vpop (erf)  }
0x10c: {  	s31 =	sadd.s32 $0x20, s26;
	s28 =	simm.s32 $0x0;
	v4 =	vpop (erf);
	[tilespmem:s26+$0xFFFFFFF0] =	vst v3  }
0x10d: {  	s29 =	simm.s32 $0x1;
	s30 =	simm.s32 $0x2;
	v3 =	vpop (erf);
	[tilespmem:s31+$0x0] =	vst v4;
	v4 =	vmov s28  }
0x10e: {  	v6 =	vmov s29;
	v7 =	vmov s30;
	s26 =	sadd.s32 $0x20, s31;
	s28 =	simm.s32 $0x7;
	[tilespmem:s31+$0xFFFFFFF0] =	vst v3;
	v4 =	vand.u32 $0xFFFFFFF8, v4;
	v3 =	vpop (erf)  }
0x10f: {  	v6 =	vand.u32 $0xFFFFFFF9, v6;
	s30 =	simm.s32 $0x4;
	v5 =	vmov s28;
	v4 =	vbroadcast v4, $0x0;
	[tilespmem:s26+$0x0] =	vst v3;
	v3 =	vpop (erf)  }
0x110: {  	v7 =	vand.u32 $0xFFFFFFFA, v7;
	v6 =	vbroadcast v6, $0x0;
	v8 =	vmov s30;
	s28 =	simm.s32 $0x3;
	[tilespmem:s26+$0xFFFFFFF0] =	vst v3  }
0x111: {  	v7 =	vbroadcast v7, $0x0;
	v8 =	vand.u32 $0xFFFFFFFC, v8;
	s31 =	simm.s32 $0x5;
	v3 =	vmov s28;
	_ =	swait.ge [sflag:s22], $0x4000  }
0x112: {  	v8 =	vbroadcast v8, $0x0;
	v9 =	vmov s31;
	v3 =	vand.u32 $0xFFFFFFFB, v3;
	[sflag:s22] =	ssyncset.done $0x0  }
0x113: {  	v10 =	vbroadcast v3, $0x0;
	v3 =	vand.u32 $0xFFFFFFFD, v9;
	[sflag:s22] =	ssyncadd.s32 $0xFFFFC000  }
0x114: {  	s30 =	simm.s32 $0x6;
	v11 =	vbroadcast v3, $0x0;
	v3 =	vld.idx.msk [tilespmem:v5+s23+$0x0], $0xffff  }
0x115: {  	v9 =	vmov s30;
	v5 =	vld.idx.msk [tilespmem:v4+s23+$0x0], $0xffff  }
0x116: {  	v9 =	vand.u32 $0xFFFFFFFE, v9;
	v6 =	vld.idx.msk [tilespmem:v6+s23+$0x0], $0xffff  }
0x117: {  	v4 =	vbroadcast v9, $0x0;
	v7 =	vld.idx.msk [tilespmem:v7+s23+$0x0], $0xffff  }
0x118: {  	s26 =	simm.s32 $0x5380;
	v8 =	vld.idx.msk [tilespmem:v8+s23+$0x0], $0xffff  }
0x119: {  	v12 =	vld [tilespmem:s26+$0xFFFFFE00]  }
0x11a: {  	v9 =	vld.idx.msk [tilespmem:v10+s23+$0x0], $0xffff  }
0x11b: {  	v10 =	vld.idx.msk [tilespmem:v11+s23+$0x0], $0xffff  }
0x11c: {  	v11 =	vld [tilespmem:s26+$0x140]  }
0x11d: {  	v4 =	vld.idx.msk [tilespmem:v4+s23+$0x0], $0xffff  }
0x11e: {  	v13 =	vld [tilespmem:s26+$0xFFFFFE10]  }
0x11f: {  	v14 =	vld [tilespmem:s26+$0xFFFFFE20]  }
0x120: {  	v15 =	vld [tilespmem:s26+$0xFFFFFE30]  }
0x121: {  	v16 =	vld [tilespmem:s26+$0xFFFFFE40];
	v12 =	vmul.f32 v12, v5  }
0x122: {  	v17 =	vld [tilespmem:s26+$0xFFFFFE80];
	v11 =	vmul.f32 v11, v4  }
0x123: {  	v18 =	vld [tilespmem:s26+$0xFFFFFE90];
	v13 =	vmul.f32 v13, v5;
	[tilespmem:s26+$0xFFFFFE00] =	vst v12  }
0x124: {  	v12 =	vld [tilespmem:s26+$0xFFFFFEA0];
	[tilespmem:s26+$0x140] =	vst v11;
	v11 =	vmul.f32 v14, v5  }
0x125: {  	[tilespmem:s26+$0xFFFFFE10] =	vst v13;
	v13 =	vmul.f32 v15, v5;
	v14 =	vld [tilespmem:s26+$0xFFFFFEB0]  }
0x126: {  	v5 =	vmul.f32 v16, v5;
	[tilespmem:s26+$0xFFFFFE20] =	vst v11;
	v11 =	vld [tilespmem:s26+$0xFFFFFEC0]  }
0x127: {  	v15 =	vld [tilespmem:s26+$0xFFFFFF00];
	[tilespmem:s26+$0xFFFFFE30] =	vst v13;
	v13 =	vmul.f32 v17, v6  }
0x128: {  	v16 =	vld [tilespmem:s26+$0xFFFFFF10];
	[tilespmem:s26+$0xFFFFFE40] =	vst v5;
	v5 =	vmul.f32 v18, v6  }
0x129: {  	[tilespmem:s26+$0xFFFFFE80] =	vst v13;
	v13 =	vld [tilespmem:s26+$0xFFFFFF20];
	v12 =	vmul.f32 v12, v6  }
0x12a: {  	[tilespmem:s26+$0xFFFFFE90] =	vst v5;
	v5 =	vmul.f32 v14, v6;
	v14 =	vld [tilespmem:s26+$0xFFFFFF30]  }
0x12b: {  	[tilespmem:s26+$0xFFFFFEA0] =	vst v12;
	v6 =	vmul.f32 v11, v6;
	v11 =	vld [tilespmem:s26+$0xFFFFFF40]  }
0x12c: {  	v12 =	vld [tilespmem:s26+$0xFFFFFF80];
	[tilespmem:s26+$0xFFFFFEB0] =	vst v5;
	v5 =	vmul.f32 v15, v7  }
0x12d: {  	v15 =	vld [tilespmem:s26+$0xFFFFFF90];
	[tilespmem:s26+$0xFFFFFEC0] =	vst v6;
	v6 =	vmul.f32 v16, v7  }
0x12e: {  	[tilespmem:s26+$0xFFFFFF00] =	vst v5;
	v5 =	vmul.f32 v13, v7;
	v13 =	vld [tilespmem:s26+$0xFFFFFFA0]  }
0x12f: {  	[tilespmem:s26+$0xFFFFFF10] =	vst v6;
	v6 =	vmul.f32 v14, v7;
	v14 =	vld [tilespmem:s26+$0xFFFFFFB0]  }
0x130: {  	[tilespmem:s26+$0xFFFFFF20] =	vst v5;
	v5 =	vmul.f32 v11, v7;
	v7 =	vld [tilespmem:s26+$0xFFFFFFC0]  }
0x131: {  	v11 =	vld [tilespmem:s26+$0x0];
	[tilespmem:s26+$0xFFFFFF30] =	vst v6;
	v6 =	vmul.f32 v12, v9  }
0x132: {  	v12 =	vld [tilespmem:s26+$0x10];
	[tilespmem:s26+$0xFFFFFF40] =	vst v5;
	v5 =	vmul.f32 v15, v9  }
0x133: {  	[tilespmem:s26+$0xFFFFFF80] =	vst v6;
	v6 =	vmul.f32 v13, v9;
	v13 =	vld [tilespmem:s26+$0x20]  }
0x134: {  	[tilespmem:s26+$0xFFFFFF90] =	vst v5;
	v5 =	vmul.f32 v14, v9;
	v14 =	vld [tilespmem:s26+$0x30]  }
0x135: {  	v15 =	vld [tilespmem:s26+$0xC0];
	[tilespmem:s26+$0xFFFFFFA0] =	vst v6;
	v6 =	vmul.f32 v7, v9  }
0x136: {  	v7 =	vld [tilespmem:s26+$0x40];
	[tilespmem:s26+$0xFFFFFFB0] =	vst v5;
	v5 =	vmul.f32 v11, v8  }
0x137: {  	v9 =	vld [tilespmem:s26+$0x80];
	[tilespmem:s26+$0xFFFFFFC0] =	vst v6;
	v6 =	vmul.f32 v12, v8  }
0x138: {  	v11 =	vld [tilespmem:s26+$0x90];
	[tilespmem:s26+$0x0] =	vst v5;
	v5 =	vmul.f32 v13, v8  }
0x139: {  	s28 =	simm.s32 $0x8;
	v12 =	vld [tilespmem:s26+$0xA0];
	[tilespmem:s26+$0x10] =	vst v6;
	v13 =	vmul.f32 v14, v8  }
0x13a: {  	s31 =	simm.s32 $0xA;
	v15 =	vmul.f32 v15, v10;
	v14 =	vld [tilespmem:s26+$0xB0];
	v6 =	vmov s28;
	[tilespmem:s26+$0x20] =	vst v5  }
0x13b: {  	s29 =	simm.s32 $0x9;
	v16 =	vmov s31;
	s28 =	simm.s32 $0xF;
	v5 =	vmul.f32 v7, v8;
	v7 =	vand.u32 $0xFFFFFFF8, v6;
	[tilespmem:s26+$0x30] =	vst v13;
	v13 =	vld [tilespmem:s26+$0x100]  }
0x13c: {  	v17 =	vld [tilespmem:s26+$0x110];
	[tilespmem:s26+$0xC0] =	vst v15;
	v6 =	vmov s28;
	v8 =	vmul.f32 v9, v10;
	v9 =	vmov s29;
	s28 =	simm.s32 $0xB;
	s29 =	simm.s32 $0xC  }
0x13d: {  	v20 =	vld [tilespmem:s26+$0x120];
	v18 =	vmov s28;
	v19 =	vmov s29;
	[tilespmem:s26+$0x40] =	vst v5;
	v5 =	vmul.f32 v11, v10  }
0x13e: {  	v7 =	vbroadcast v7, $0x0;
	[tilespmem:s26+$0x80] =	vst v8;
	v11 =	vmul.f32 v12, v10;
	v8 =	vld [tilespmem:s26+$0x130];
	v18 =	vand.u32 $0xFFFFFFFB, v18  }
0x13f: {  	v12 =	vand.u32 $0xFFFFFFF9, v9;
	v9 =	vld [tilespmem:s26+$0x180];
	v15 =	vbroadcast v18, $0x0;
	[tilespmem:s26+$0x90] =	vst v5;
	v5 =	vmul.f32 v14, v10  }
0x140: {  	s28 =	simm.s32 $0xD;
	v14 =	vand.u32 $0xFFFFFFFA, v16;
	[tilespmem:s26+$0xA0] =	vst v11;
	v11 =	vbroadcast v12, $0x0;
	v10 =	vld [tilespmem:s26+$0x190];
	v22 =	vmul.f32 v13, v4  }
0x141: {  	v21 =	vmov s28;
	v16 =	vmul.f32 v17, v4;
	v12 =	vld [tilespmem:s26+$0x1A0];
	[tilespmem:s26+$0xB0] =	vst v5;
	v13 =	vbroadcast v14, $0x0  }
0x142: {  	s29 =	simm.s32 $0xE;
	s28 =	simm.s32 $0x10;
	v18 =	vand.u32 $0xFFFFFFFD, v21;
	v17 =	vmul.f32 v20, v4;
	v5 =	vand.u32 $0xFFFFFFFC, v19;
	v14 =	vld [tilespmem:s26+$0x1B0];
	[tilespmem:s26+$0x100] =	vst v22  }
.LBB2_11:
0x143: {  	p0 =	slt.u32 s28, $0x78;
	v5 =	vbroadcast v5, $0x0;
	v19 =	vmov s29;
	[tilespmem:s26+$0x110] =	vst v16;
	v4 =	vmul.f32 v8, v4;
	v8 =	vld [tilespmem:s26+$0x1C0]  }
0x144: {  	v16 =	vbroadcast v18, $0x0;
	v18 =	vand.u32 $0xFFFFFFFE, v19;
	v6 =	vld.idx.msk [tilespmem:v6+s23+$0x0], $0xffff;
	[tilespmem:s26+$0x120] =	vst v17;
	v9 =	vmul.f32 v9, v3  }
0x145: {  	v7 =	vld.idx.msk [tilespmem:v7+s23+$0x0], $0xffff;
	v17 =	vbroadcast v18, $0x0;
	[tilespmem:s26+$0x130] =	vst v4;
	v4 =	vmul.f32 v10, v3  }
0x146: {  	v10 =	vld.idx.msk [tilespmem:v11+s23+$0x0], $0xffff;
	[tilespmem:s26+$0x180] =	vst v9;
	v9 =	vmul.f32 v12, v3  }
0x147: {  	v11 =	vld.idx.msk [tilespmem:v13+s23+$0x0], $0xffff;
	[tilespmem:s26+$0x190] =	vst v4;
	v4 =	vmul.f32 v14, v3  }
0x148: {  	v12 =	vld.idx.msk [tilespmem:v15+s23+$0x0], $0xffff;
	[tilespmem:s26+$0x1A0] =	vst v9;
	v9 =	vmul.f32 v8, v3  }
0x149: {  	v8 =	vld.idx.msk [tilespmem:v5+s23+$0x0], $0xffff;
	[tilespmem:s26+$0x1B0] =	vst v4  }
0x14a: {  	v3 =	vmov v6;
	v5 =	vld.idx.msk [tilespmem:v16+s23+$0x0], $0xffff;
	[tilespmem:s26+$0x1C0] =	vst v9  }
0x14b: {  	s26 =	sadd.s32 $0x400, s26;
	v4 =	vld.idx.msk [tilespmem:v17+s23+$0x0], $0xffff  }
0x14c: {  	v6 =	vld [tilespmem:s26+$0x140]  }
0x14d: {  	v9 =	vld [tilespmem:s26+$0xFFFFFE00]  }
0x14e: {  	v13 =	vld [tilespmem:s26+$0xFFFFFE10]  }
0x14f: {  	v14 =	vld [tilespmem:s26+$0xFFFFFE20]  }
0x150: {  	v15 =	vld [tilespmem:s26+$0xFFFFFE30]  }
0x151: {  	v16 =	vld [tilespmem:s26+$0xFFFFFE40];
	v6 =	vmul.f32 v6, v4  }
0x152: {  	v9 =	vmul.f32 v9, v7;
	v17 =	vld [tilespmem:s26+$0xFFFFFE80]  }
0x153: {  	v13 =	vmul.f32 v13, v7;
	v18 =	vld [tilespmem:s26+$0xFFFFFE90];
	[tilespmem:s26+$0x140] =	vst v6  }
0x154: {  	[tilespmem:s26+$0xFFFFFE00] =	vst v9;
	v6 =	vmul.f32 v14, v7;
	v9 =	vld [tilespmem:s26+$0xFFFFFEA0]  }
0x155: {  	[tilespmem:s26+$0xFFFFFE10] =	vst v13;
	v13 =	vmul.f32 v15, v7;
	v14 =	vld [tilespmem:s26+$0xFFFFFEB0]  }
0x156: {  	[tilespmem:s26+$0xFFFFFE20] =	vst v6;
	v6 =	vmul.f32 v16, v7;
	v7 =	vld [tilespmem:s26+$0xFFFFFEC0]  }
0x157: {  	[tilespmem:s26+$0xFFFFFE30] =	vst v13;
	v13 =	vmul.f32 v17, v10;
	v15 =	vld [tilespmem:s26+$0xFFFFFF00]  }
0x158: {  	[tilespmem:s26+$0xFFFFFE40] =	vst v6;
	v6 =	vmul.f32 v18, v10;
	v16 =	vld [tilespmem:s26+$0xFFFFFF10]  }
0x159: {  	[tilespmem:s26+$0xFFFFFE80] =	vst v13;
	v9 =	vmul.f32 v9, v10;
	v13 =	vld [tilespmem:s26+$0xFFFFFF20]  }
0x15a: {  	[tilespmem:s26+$0xFFFFFE90] =	vst v6;
	v6 =	vmul.f32 v14, v10;
	v14 =	vld [tilespmem:s26+$0xFFFFFF30]  }
0x15b: {  	[tilespmem:s26+$0xFFFFFEA0] =	vst v9;
	v7 =	vmul.f32 v7, v10;
	v9 =	vld [tilespmem:s26+$0xFFFFFF40]  }
0x15c: {  	[tilespmem:s26+$0xFFFFFEB0] =	vst v6;
	v6 =	vmul.f32 v15, v11;
	v10 =	vld [tilespmem:s26+$0xFFFFFF80]  }
0x15d: {  	[tilespmem:s26+$0xFFFFFEC0] =	vst v7;
	v7 =	vmul.f32 v16, v11;
	v15 =	vld [tilespmem:s26+$0xFFFFFF90]  }
0x15e: {  	[tilespmem:s26+$0xFFFFFF00] =	vst v6;
	v6 =	vmul.f32 v13, v11;
	v13 =	vld [tilespmem:s26+$0xFFFFFFA0]  }
0x15f: {  	[tilespmem:s26+$0xFFFFFF10] =	vst v7;
	v7 =	vmul.f32 v14, v11;
	v14 =	vld [tilespmem:s26+$0xFFFFFFB0]  }
0x160: {  	[tilespmem:s26+$0xFFFFFF20] =	vst v6;
	v6 =	vmul.f32 v9, v11;
	v9 =	vld [tilespmem:s26+$0xFFFFFFC0]  }
0x161: {  	[tilespmem:s26+$0xFFFFFF30] =	vst v7;
	v7 =	vmul.f32 v10, v12;
	v10 =	vld [tilespmem:s26+$0x0]  }
0x162: {  	[tilespmem:s26+$0xFFFFFF40] =	vst v6;
	v6 =	vmul.f32 v15, v12;
	v11 =	vld [tilespmem:s26+$0x10]  }
0x163: {  	[tilespmem:s26+$0xFFFFFF80] =	vst v7;
	v7 =	vmul.f32 v13, v12;
	v13 =	vld [tilespmem:s26+$0x20]  }
0x164: {  	[tilespmem:s26+$0xFFFFFF90] =	vst v6;
	v6 =	vmul.f32 v14, v12;
	v14 =	vld [tilespmem:s26+$0x30]  }
0x165: {  	[tilespmem:s26+$0xFFFFFFA0] =	vst v7;
	v7 =	vmul.f32 v9, v12;
	v9 =	vld [tilespmem:s26+$0x40]  }
0x166: {  	[tilespmem:s26+$0xFFFFFFB0] =	vst v6;
	v6 =	vmul.f32 v10, v8;
	v10 =	vld [tilespmem:s26+$0x80]  }
0x167: {  	[tilespmem:s26+$0xFFFFFFC0] =	vst v7;
	v7 =	vmul.f32 v11, v8;
	v11 =	vld [tilespmem:s26+$0x90]  }
0x168: {  	[tilespmem:s26+$0x0] =	vst v6;
	v6 =	vmul.f32 v13, v8;
	v12 =	vld [tilespmem:s26+$0xA0]  }
0x169: {  	[tilespmem:s26+$0x10] =	vst v7;
	v7 =	vmul.f32 v14, v8;
	v13 =	vld [tilespmem:s26+$0xB0]  }
0x16a: {  	s29 =	sadd.s32 $0x7, s28;
	v14 =	vmov s28;
	[tilespmem:s26+$0x20] =	vst v6;
	v8 =	vmul.f32 v9, v8;
	v9 =	vld [tilespmem:s26+$0xC0]  }
0x16b: {  	s30 =	sadd.s32 $0x1, s28;
	s31 =	sadd.s32 $0x2, s28;
	v14 =	vand.u32 $0xFFFFFFF8, v14;
	v6 =	vmov s29;
	[tilespmem:s26+$0x30] =	vst v7;
	v7 =	vmul.f32 v10, v5;
	v10 =	vld [tilespmem:s26+$0x100]  }
0x16c: {  	v16 =	vmov s31;
	v15 =	vmov s30;
	s30 =	sadd.s32 $0x4, s28;
	s29 =	sadd.s32 $0x3, s28;
	[tilespmem:s26+$0x40] =	vst v8;
	v8 =	vmul.f32 v11, v5;
	v17 =	vld [tilespmem:s26+$0x110]  }
0x16d: {  	v19 =	vmov s30;
	v18 =	vmov s29;
	s29 =	sadd.s32 $0x5, s28;
	[tilespmem:s26+$0x80] =	vst v7;
	v11 =	vmul.f32 v12, v5;
	v20 =	vld [tilespmem:s26+$0x120]  }
.Ltmp4:
0x16e: {  	v7 =	vbroadcast v14, $0x0;
	v14 =	vmov s29;
	[tilespmem:s26+$0x90] =	vst v8;
	v12 =	vmul.f32 v13, v5;
	v8 =	vld [tilespmem:s26+$0x130];
	(pc) =	sbr.rel @p0 .LBB2_11-.Ltmp4, $4  }
0x16f: {  	v13 =	vand.u32 $0xFFFFFFF9, v15;
	v15 =	vand.u32 $0xFFFFFFFA, v16;
	[tilespmem:s26+$0xA0] =	vst v11;
	v16 =	vmul.f32 v9, v5;
	v9 =	vld [tilespmem:s26+$0x180]  }
0x170: {  	v18 =	vand.u32 $0xFFFFFFFB, v18;
	v11 =	vbroadcast v13, $0x0;
	[tilespmem:s26+$0xB0] =	vst v12;
	v21 =	vmul.f32 v10, v4;
	v10 =	vld [tilespmem:s26+$0x190]  }
0x171: {  	v13 =	vbroadcast v15, $0x0;
	v5 =	vand.u32 $0xFFFFFFFC, v19;
	[tilespmem:s26+$0xC0] =	vst v16;
	v16 =	vmul.f32 v17, v4;
	v12 =	vld [tilespmem:s26+$0x1A0]  }
0x172: {  	s29 =	sadd.s32 $0x6, s28;
	s28 =	sadd.s32 $0x8, s28;
	v15 =	vbroadcast v18, $0x0;
	v18 =	vand.u32 $0xFFFFFFFD, v14;
	[tilespmem:s26+$0x100] =	vst v21;
	v17 =	vmul.f32 v20, v4;
	v14 =	vld [tilespmem:s26+$0x1B0]  }
0x173: {  	_ =	sdelay $0x2  }
0x174: {  	v20 =	vld [tilespmem:s26+$0x1C0]  }
0x175: {  	v19 =	vbroadcast v5, $0x0;
	v5 =	vld.idx.msk [tilespmem:v6+s23+$0x0], $0xffff  }
0x176: {  	v47 =	vld.idx.msk [tilespmem:v7+s23+$0x0], $0xffff  }
0x177: {  	v11 =	vld.idx.msk [tilespmem:v11+s23+$0x0], $0xffff  }
0x178: {  	v13 =	vld.idx.msk [tilespmem:v13+s23+$0x0], $0xffff  }
0x179: {  	s28 =	sadd.s32 $0x400, s26;
	v15 =	vld.idx.msk [tilespmem:v15+s23+$0x0], $0xffff  }
0x17a: {  	v52 =	vld [tilespmem:s28+$0xFFFFFE00]  }
0x17b: {  	v54 =	vld [tilespmem:s28+$0xFFFFFE10]  }
0x17c: {  	[tilespmem:s26+$0x110] =	vst v16;
	v4 =	vmul.f32 v8, v4;
	v56 =	vld [tilespmem:s28+$0xFFFFFE20]  }
0x17d: {  	[tilespmem:s26+$0x120] =	vst v17;
	v49 =	vmul.f32 v9, v3;
	v57 =	vld [tilespmem:s28+$0xFFFFFE30]  }
0x17e: {  	v58 =	vld [tilespmem:s28+$0xFFFFFE40];
	[tilespmem:s26+$0x130] =	vst v4;
	v51 =	vmul.f32 v10, v3  }
0x17f: {  	v59 =	vld [tilespmem:s28+$0xFFFFFE80];
	[tilespmem:s26+$0x180] =	vst v49;
	v53 =	vmul.f32 v12, v3  }
0x180: {  	v60 =	vld [tilespmem:s28+$0xFFFFFE90];
	[tilespmem:s26+$0x190] =	vst v51;
	v55 =	vmul.f32 v14, v3  }
0x181: {  	v61 =	vld [tilespmem:s28+$0xFFFFFEA0];
	[tilespmem:s26+$0x1A0] =	vst v53;
	v3 =	vmul.f32 v20, v3  }
0x182: {  	v62 =	vld [tilespmem:s28+$0xFFFFFEB0];
	[tilespmem:s26+$0x1B0] =	vst v55;
	v12 =	vmul.f32 v54, v47  }
0x183: {  	v63 =	vld [tilespmem:s28+$0xFFFFFEC0];
	[tilespmem:s26+$0x1C0] =	vst v3;
	v3 =	vmul.f32 v52, v47  }
0x184: {  	v23 =	vld [tilespmem:s28+$0xFFFFFF20];
	v8 =	vmul.f32 v57, v47;
	[tilespmem:s28+$0xFFFFFE10] =	vst v12  }
0x185: {  	v24 =	vld [tilespmem:s28+$0xFFFFFF30];
	[tilespmem:s28+$0xFFFFFE00] =	vst v3;
	v3 =	vmul.f32 v56, v47  }
0x186: {  	v25 =	vld [tilespmem:s28+$0xFFFFFF40];
	v17 =	vmul.f32 v59, v11;
	[tilespmem:s28+$0xFFFFFE30] =	vst v8  }
0x187: {  	v26 =	vld [tilespmem:s28+$0xFFFFFF80];
	[tilespmem:s28+$0xFFFFFE20] =	vst v3;
	v3 =	vmul.f32 v58, v47  }
0x188: {  	v20 =	vld [tilespmem:s28+$0xFFFFFF00];
	v22 =	vmul.f32 v61, v11;
	[tilespmem:s28+$0xFFFFFE80] =	vst v17  }
0x189: {  	v28 =	vld [tilespmem:s28+$0xFFFFFF90];
	[tilespmem:s28+$0xFFFFFE40] =	vst v3;
	v3 =	vmul.f32 v60, v11  }
0x18a: {  	v29 =	vld [tilespmem:s28+$0xFFFFFFA0];
	v4 =	vmul.f32 v63, v11;
	[tilespmem:s28+$0xFFFFFEA0] =	vst v22  }
0x18b: {  	v31 =	vld [tilespmem:s28+$0xFFFFFFB0];
	[tilespmem:s28+$0xFFFFFE90] =	vst v3;
	v3 =	vmul.f32 v62, v11  }
0x18c: {  	v32 =	vld [tilespmem:s28+$0xFFFFFFC0];
	v30 =	vmul.f32 v24, v13;
	[tilespmem:s28+$0xFFFFFEC0] =	vst v4  }
0x18d: {  	v46 =	vmov s29;
	v34 =	vld [tilespmem:s28+$0x0];
	[tilespmem:s28+$0xFFFFFEB0] =	vst v3;
	v3 =	vmul.f32 v20, v13  }
0x18e: {  	v18 =	vbroadcast v18, $0x0;
	v21 =	vand.u32 $0xFFFFFFFE, v46;
	v35 =	vld [tilespmem:s28+$0x10];
	v33 =	vmul.f32 v26, v15;
	[tilespmem:s28+$0xFFFFFF30] =	vst v30  }
0x18f: {  	v48 =	vbroadcast v21, $0x0;
	v21 =	vld [tilespmem:s28+$0xFFFFFF10];
	[tilespmem:s28+$0xFFFFFF00] =	vst v3;
	v3 =	vmul.f32 v23, v13  }
0x190: {  	v37 =	vld [tilespmem:s28+$0x20];
	v36 =	vmul.f32 v29, v15;
	[tilespmem:s28+$0xFFFFFF80] =	vst v33  }
0x191: {  	v19 =	vld.idx.msk [tilespmem:v19+s23+$0x0], $0xffff;
	[tilespmem:s28+$0xFFFFFF20] =	vst v3;
	v3 =	vmul.f32 v25, v13  }
0x192: {  	v38 =	vld [tilespmem:s28+$0x30];
	v39 =	vmul.f32 v32, v15;
	[tilespmem:s28+$0xFFFFFFA0] =	vst v36  }
0x193: {  	v40 =	vld [tilespmem:s28+$0x40];
	[tilespmem:s28+$0xFFFFFF40] =	vst v3;
	v3 =	vmul.f32 v28, v15  }
0x194: {  	v41 =	vld [tilespmem:s28+$0x80];
	v27 =	vmul.f32 v21, v13;
	[tilespmem:s28+$0xFFFFFFC0] =	vst v39  }
0x195: {  	v18 =	vld.idx.msk [tilespmem:v18+s23+$0x0], $0xffff;
	[tilespmem:s28+$0xFFFFFF90] =	vst v3;
	v3 =	vmul.f32 v31, v15  }
0x196: {  	v43 =	vld [tilespmem:s28+$0x90];
	[tilespmem:s28+$0xFFFFFF10] =	vst v27;
	v42 =	vmul.f32 v35, v19  }
0x197: {  	v44 =	vld [tilespmem:s28+$0xA0];
	[tilespmem:s28+$0xFFFFFFB0] =	vst v3;
	v3 =	vmul.f32 v34, v19  }
0x198: {  	v46 =	vld [tilespmem:s28+$0xB0];
	v45 =	vmul.f32 v38, v19;
	[tilespmem:s28+$0x10] =	vst v42  }
0x199: {  	v59 =	vld [tilespmem:s28+$0x1B0];
	[tilespmem:s28+$0x0] =	vst v3;
	v3 =	vmul.f32 v37, v19  }
0x19a: {  	v7 =	vld.idx.msk [tilespmem:v48+s23+$0x0], $0xffff;
	v48 =	vmul.f32 v41, v18;
	[tilespmem:s28+$0x30] =	vst v45  }
0x19b: {  	v50 =	vld [tilespmem:s28+$0x140];
	[tilespmem:s28+$0x20] =	vst v3;
	v3 =	vmul.f32 v40, v19  }
0x19c: {  	v49 =	vld [tilespmem:s28+$0x100];
	v51 =	vmul.f32 v44, v18;
	[tilespmem:s28+$0x80] =	vst v48  }
0x19d: {  	v53 =	vld [tilespmem:s28+$0x130];
	[tilespmem:s28+$0x40] =	vst v3;
	v3 =	vmul.f32 v43, v18  }
0x19e: {  	v52 =	vld [tilespmem:s28+$0x120];
	v63 =	vmul.f32 v59, v5;
	[tilespmem:s28+$0xA0] =	vst v51  }
0x19f: {  	v56 =	vld [tilespmem:s28+$0x190];
	[tilespmem:s28+$0x90] =	vst v3;
	v3 =	vmul.f32 v46, v18  }
0x1a0: {  	v55 =	vld [tilespmem:s28+$0x180];
	v9 =	vmul.f32 v50, v7;
	[tilespmem:s28+$0x1B0] =	vst v63  }
0x1a1: {  	v47 =	vld [tilespmem:s28+$0xC0];
	[tilespmem:s28+$0xB0] =	vst v3;
	v3 =	vmul.f32 v49, v7  }
0x1a2: {  	v58 =	vld [tilespmem:s28+$0x1A0];
	v60 =	vmul.f32 v53, v7;
	[tilespmem:s28+$0x140] =	vst v9  }
0x1a3: {  	v50 =	vld [tilespmem:s28+$0x110];
	[tilespmem:s28+$0x100] =	vst v3;
	v3 =	vmul.f32 v52, v7  }
0x1a4: {  	v61 =	vld [tilespmem:s28+$0x1C0];
	[tilespmem:s28+$0x130] =	vst v60;
	v62 =	vmul.f32 v56, v5  }
0x1a5: {  	[tilespmem:s28+$0x120] =	vst v3;
	v3 =	vmul.f32 v55, v5  }
0x1a6: {  	v54 =	vmul.f32 v47, v18;
	[tilespmem:s28+$0x190] =	vst v62  }
0x1a7: {  	[tilespmem:s28+$0x180] =	vst v3;
	v3 =	vmul.f32 v58, v5  }
0x1a8: {  	[tilespmem:s28+$0xC0] =	vst v54;
	v57 =	vmul.f32 v50, v7  }
0x1a9: {  	s25 =	sadd.s32 $0x1, s25;
	[tilespmem:s28+$0x1A0] =	vst v3;
	v3 =	vmul.f32 v61, v5  }
0x1aa: {  	p0 =	sne.s32 s25, $0xA2;
	[tilespmem:s28+$0x110] =	vst v57  }
.Ltmp5:
0x1ab: {  	[tilespmem:s28+$0x1C0] =	vst v3;
	(pc) =	sbr.rel @p0 .LBB2_8-.Ltmp5, $4  }
0x1ac: {  	[spmem:s2] =	stream.indirect.scatter.add.f32 [tilespmem:s16], [sflag:$0x2], $0x80, s18, s18, $0xb8;
	[tilespmem:$0x1D180] =	vst v63  }
0x1ad: {  	_ =	swait.ge [sflag:s17], $0x4000  }
0x1ae: {  	[sflag:s17] =	ssyncset.done $0x0  }
0x1af: {  	[sflag:s17] =	ssyncadd.s32 $0xFFFFC000  }
0x1b0: {  	s24 =	sadd.s32 $0x1, s24  }
0x1b1: {  	s25 =	sshll.u32 s1, $0x6;
	[bflag:$0x0] =	sbarrier.arrive $0xFFFF;
	p0 =	sne.s32 s24, s15  }
.Ltmp6:
0x1b2: {  	s26 =	sshrl.u32 s6, $0x3;
	s25 =	sor.u32 $0x1C02, s25;
	(pc) =	sbr.rel @p0 .LBB2_1-.Ltmp6, $4  }
0x1b3: {  	[hbm:s14], [sflag:s25] =	dma.local [spmem:s26], $0x2800  }
0x1b4: {  	_ =	swait.ge [sflag:s17], $0x2800  }
0x1b5: {  	[sflag:s17] =	ssyncset.done $0x0  }
0x1b6: {  	[sflag:s17] =	ssyncadd.s32 $0xFFFFD800  }
0x1b7: {  	_ =	sfence.sel $0x180000  }
0x1b8: {  	[bflag:$0x0] =	sbarrier.arrive $0xFFFF  }
0x1b9: {  	p0 =	sne.s32 s1, $0x0;
	_ =	strace $0x90000047  }
0x1ba: {  	s0 =	sadd.s32 @!p0 $0x100000, s0;
	[bflag:$0x2] =	sbarrier.arrive $0xFFFF  }
0x1bb: {  	[sflag:s0] =	ssyncadd.tile.s32 @!p0 $0x1;
	_ =	shalt  }
.Lfunc_end2:
_tile_overlayer_lowered:
.L_overlay_start_2:
0x1bc: {  	(tag) =	ssettag $0x2  }
0x1bd: {  	s0 =	rddreg [dreg:$0x0];
	s2 =	stileid.u32  }
0x1be: {  	s1 =	rddreg [dreg:$0x1];
	p0 =	sne.s32 s2, $0x0  }
0x1bf: {  	s3 =	rddreg [dreg:$0x2];
	[bflag:$0x3] =	sbarrier.arrive $0xFFFF;
	s2 =	simm.s32 @!p0 $0x1C02  }
0x1c0: {  	[timem:s3], [sflag:s2] =	dma.local @!p0 [hbm:s0], s1  }
0x1c1: {  	s0 =	simm.s32 @!p0 $0x2  }
0x1c2: {  	_ =	swait.ge @!p0 [sflag:s0], s1  }
0x1c3: {  	s1 =	ssub.s32 @!p0 $0x0, s1;
	[sflag:s0] =	ssyncset.done @!p0 $0x0  }
0x1c4: {  	[sflag:s0] =	ssyncadd.s32 @!p0 s1  }
0x1c5: {  	[bflag:$0x3] =	sbarrier.arrive $0xFFFF  }
0x1c6: {  	_ =	shalt  }

</sc_bundles>
